<compile_context>
chip_gen: v7x
topology: tpu7x:2x2x1
jax: 0.10.2.dev20260603
libtpu: 0.0.44.dev20260713+nightly
codegen_flags: <defaults>
</compile_context>

<pallas_src>
import functools

import jax
import jax.numpy as jnp
from jax import lax
from jax.experimental import pallas as pl
from jax.experimental.pallas import tpu as pltpu
from jax.experimental.pallas import tpu_sc as plsc

N = 10000
D = 128
G = 64
OUT = 10
E = 320000

NC = 2
NS = 16
NW = NC * NS
CL = 128
CH = 80
EPAD = NW * CH * CL
NP = 10240
RPW = NP // NS

_R = 2048
_GRID = NP // _R



def _sc_agg_body(width, u_hbm, src_hbm, dst_hbm, p_hbm,
                 s0, d0, s1, d1, r0, r1, acc, gs0, gs1, ss0, ss1, dsem):
    c = lax.axis_index("c")
    s = lax.axis_index("s")
    w = c * NS + s

    seeds = [pltpu.async_copy(u_hbm.at[pl.ds(s * RPW + i * CL, CL)],
                              acc.at[pl.ds(s * RPW + i * CL, CL)], dsem)
             for i in range(RPW // CL)]
    for cp in seeds:
        cp.wait()
    plsc.subcore_barrier()

    pltpu.sync_copy(src_hbm.at[w, 0], s0)
    pltpu.sync_copy(dst_hbm.at[w, 0], d0)

    def _pair(k, _):
        j = 2 * k
        c0 = pltpu.async_copy(u_hbm.at[s0], r0, gs0)
        pltpu.sync_copy(src_hbm.at[w, j + 1], s1)
        pltpu.sync_copy(dst_hbm.at[w, j + 1], d1)
        c1 = pltpu.async_copy(u_hbm.at[s1], r1, gs1)
        c0.wait()
        sc0 = pltpu.async_copy(r0, acc.at[d0], ss0, add=True)
        c1.wait()
        sc1 = pltpu.async_copy(r1, acc.at[d1], ss1, add=True)
        sc0.wait()
        jn = jnp.minimum(j + 2, CH - 1)
        i0 = pltpu.async_copy(src_hbm.at[w, jn], s0, gs0)
        i1 = pltpu.async_copy(dst_hbm.at[w, jn], d0, gs1)
        sc1.wait()
        i0.wait()
        i1.wait()
        return ()
    lax.fori_loop(0, CH // 2, _pair, ())

    plsc.subcore_barrier()

    drains = [pltpu.async_copy(acc.at[pl.ds(s * RPW + i * CL, CL)],
                               p_hbm.at[c, pl.ds(s * RPW + i * CL, CL)], dsem)
              for i in range(RPW // CL)]
    for cp in drains:
        cp.wait()


def _sc_deg_body(ones_hbm, dst_hbm, p_hbm, d0, d1, ones_t, acc, is0, is1, dsem):
    c = lax.axis_index("c")
    s = lax.axis_index("s")
    w = c * NS + s

    seeds = [pltpu.async_copy(ones_hbm.at[pl.ds(s * RPW + i * CL, CL)],
                              acc.at[pl.ds(s * RPW + i * CL, CL)], dsem)
             for i in range(RPW // CL)]
    pltpu.sync_copy(ones_hbm.at[pl.ds(0, CL)], ones_t)
    for cp in seeds:
        cp.wait()
    plsc.subcore_barrier()

    pltpu.sync_copy(dst_hbm.at[w, 0], d0)

    def _pair(k, _):
        j = 2 * k
        i1 = pltpu.async_copy(dst_hbm.at[w, j + 1], d1, is1)
        pltpu.sync_copy(ones_t, acc.at[d0], add=True)
        i1.wait()
        jn = jnp.minimum(j + 2, CH - 1)
        i0 = pltpu.async_copy(dst_hbm.at[w, jn], d0, is0)
        pltpu.sync_copy(ones_t, acc.at[d1], add=True)
        i0.wait()
        return ()
    lax.fori_loop(0, CH // 2, _pair, ())

    plsc.subcore_barrier()

    drains = [pltpu.async_copy(acc.at[pl.ds(s * RPW + i * CL, CL)],
                               p_hbm.at[c, pl.ds(s * RPW + i * CL, CL)], dsem)
              for i in range(RPW // CL)]
    for cp in drains:
        cp.wait()


@functools.cache
def _sc_mesh():
    return plsc.VectorSubcoreMesh(core_axis_name="c", subcore_axis_name="s",
                                  num_cores=NC, num_subcores=NS)


@functools.cache
def _sc_deg():
    return pl.kernel(
        _sc_deg_body,
        out_type=jax.ShapeDtypeStruct((NC, NP, 16), jnp.float32),
        mesh=_sc_mesh(),
        scratch_types=[
            pltpu.VMEM((CL,), jnp.int32),
            pltpu.VMEM((CL,), jnp.int32),
            pltpu.VMEM((CL, 16), jnp.float32),
            pltpu.VMEM_SHARED((NP, 16), jnp.float32),
            pltpu.SemaphoreType.DMA,
            pltpu.SemaphoreType.DMA,
            pltpu.SemaphoreType.DMA,
        ],
    )


@functools.cache
def _sc_agg(width):
    return pl.kernel(
        functools.partial(_sc_agg_body, width),
        out_type=jax.ShapeDtypeStruct((NC, NP, width), jnp.float32),
        mesh=_sc_mesh(),
        scratch_types=[
            pltpu.VMEM((CL,), jnp.int32),
            pltpu.VMEM((CL,), jnp.int32),
            pltpu.VMEM((CL,), jnp.int32),
            pltpu.VMEM((CL,), jnp.int32),
            pltpu.VMEM((CL, width), jnp.float32),
            pltpu.VMEM((CL, width), jnp.float32),
            pltpu.VMEM_SHARED((NP, width), jnp.float32),
            pltpu.SemaphoreType.DMA,
            pltpu.SemaphoreType.DMA,
            pltpu.SemaphoreType.DMA,
            pltpu.SemaphoreType.DMA,
            pltpu.SemaphoreType.DMA,
        ],
    )



def _tc0a_body(x_ref, win_ref, bin_ref, wc0_ref, h0c_ref):
    h0 = jnp.dot(x_ref[...], win_ref[...],
                 preferred_element_type=jnp.float32) + bin_ref[...]
    h0c_ref[...] = jnp.dot(h0, wc0_ref[...],
                           preferred_element_type=jnp.float32)


def _tc0b_body(h0c_ref, d0_ref, d1_ref, u0_ref, dis_ref):
    deg = d0_ref[:, :1] + d1_ref[:, :1] - 1.0
    dis = lax.rsqrt(deg)
    dis_ref[...] = dis
    u0_ref[...] = dis * h0c_ref[...]


def _tcmid_body(p0_ref, p1_ref, up_ref, dis_ref, b_ref, w_ref, u_ref):
    dis = dis_ref[...]
    h = jnp.maximum(
        dis * (p0_ref[...] + p1_ref[...] - up_ref[...]) + b_ref[...], 0.0)
    u_ref[...] = dis * jnp.dot(h, w_ref[...],
                               preferred_element_type=jnp.float32)


def _tcfinal_body(p0_ref, p1_ref, up_ref, dis_ref, b_ref, bat_ref,
                  wh1_ref, bh1_ref, wh2_ref, bh2_ref, out_ref, sums, cnts):
    i = pl.program_id(0)

    @pl.when(i == 0)
    def _():
        sums[...] = jnp.zeros_like(sums)
        cnts[...] = jnp.zeros_like(cnts)

    dis = dis_ref[...]
    h = jnp.maximum(
        dis * (p0_ref[...] + p1_ref[...] - up_ref[...]) + b_ref[...], 0.0)
    gids = lax.broadcasted_iota(jnp.int32, (G, 1), 0)
    mask = (bat_ref[...] == gids).astype(jnp.float32)
    sums[...] += jnp.dot(mask, h, preferred_element_type=jnp.float32)
    cnts[...] += jnp.sum(mask, axis=1, keepdims=True)

    @pl.when(i == _GRID - 1)
    def _():
        g = sums[...] / jnp.maximum(cnts[...], 1.0)
        z = jnp.maximum(jnp.dot(g, wh1_ref[...],
                                preferred_element_type=jnp.float32)
                        + bh1_ref[...], 0.0)
        out_ref[...] = jnp.dot(z, wh2_ref[...],
                               preferred_element_type=jnp.float32) + bh2_ref[...]


def _row_spec(cols):
    return pl.BlockSpec((_R, cols), lambda i: (i, 0))


def _const_spec(shape):
    return pl.BlockSpec(shape, lambda i: tuple(0 for _ in shape))


_tc0a = pl.pallas_call(
    _tc0a_body,
    grid=(_GRID,),
    in_specs=[
        _row_spec(D),
        _const_spec((D, D)), _const_spec((1, D)), _const_spec((D, D)),
    ],
    out_specs=_row_spec(D),
    out_shape=jax.ShapeDtypeStruct((NP, D), jnp.float32),
)

_tc0b = pl.pallas_call(
    _tc0b_body,
    grid=(_GRID,),
    in_specs=[_row_spec(D), _row_spec(16), _row_spec(16)],
    out_specs=[_row_spec(D), _row_spec(1)],
    out_shape=[
        jax.ShapeDtypeStruct((NP, D), jnp.float32),
        jax.ShapeDtypeStruct((NP, 1), jnp.float32),
    ],
)

_tcmid = pl.pallas_call(
    _tcmid_body,
    grid=(_GRID,),
    in_specs=[
        _row_spec(D), _row_spec(D), _row_spec(D), _row_spec(1),
        _const_spec((1, D)), _const_spec((D, D)),
    ],
    out_specs=_row_spec(D),
    out_shape=jax.ShapeDtypeStruct((NP, D), jnp.float32),
)

_tcfinal = pl.pallas_call(
    _tcfinal_body,
    grid=(_GRID,),
    in_specs=[
        _row_spec(D), _row_spec(D), _row_spec(D), _row_spec(1),
        _const_spec((1, D)), pl.BlockSpec((1, _R), lambda i: (0, i)),
        _const_spec((D, D // 2)), _const_spec((1, D // 2)),
        _const_spec((D // 2, OUT)), _const_spec((1, OUT)),
    ],
    out_specs=_const_spec((G, OUT)),
    out_shape=jax.ShapeDtypeStruct((G, OUT), jnp.float32),
    scratch_shapes=[
        pltpu.VMEM((G, D), jnp.float32),
        pltpu.VMEM((G, 1), jnp.float32),
    ],
)



@jax.jit
def kernel(x, edge_index, batch, W_in, b_in, Wc0, bc0, Wc1, bc1, Wc2, bc2,
           Wh1, bh1, Wh2, bh2):
    pad_idx = (N + (jnp.arange(EPAD - E, dtype=jnp.int32) % (NP - N)))
    src = jnp.concatenate([edge_index[0], pad_idx]).reshape(NW, CH, CL)
    dst = jnp.concatenate([edge_index[1], pad_idx]).reshape(NW, CH, CL)
    x_pad = jnp.pad(x, ((0, NP - N), (0, 0)))
    bat = jnp.pad(batch, (0, NP - N), constant_values=G).reshape(1, NP)
    ones16 = jnp.ones((NP, 16), jnp.float32)

    d = _sc_deg()(ones16, dst)
    h0c = _tc0a(x_pad, W_in, b_in.reshape(1, D), Wc0)
    u0, dis = _tc0b(h0c, d[0], d[1])

    p = _sc_agg(D)(u0, src, dst)
    u1 = _tcmid(p[0], p[1], u0, dis, bc0.reshape(1, D), Wc1)
    p = _sc_agg(D)(u1, src, dst)
    u2 = _tcmid(p[0], p[1], u1, dis, bc1.reshape(1, D), Wc2)
    p = _sc_agg(D)(u2, src, dst)
    logits = _tcfinal(p[0], p[1], u2, dis, bc2.reshape(1, D), bat,
                      Wh1, bh1.reshape(1, D // 2), Wh2, bh2.reshape(1, OUT))
    return logits

# --- scband reference (transcript-rebuilt; emitter-appended) ---
"""Pipeline reference for scband-simple-gcn-12979391169036 (READ-ONLY COPY).

The authoritative reference and input builder live on the scoring server;
editing this copy changes nothing except your own understanding.
"""

import jax, jax.numpy as jnp
import numpy as np

N = 10000
E = 320000
D = 128
G = 64
OUT = 10


def setup_inputs(seed: int = 0) -> dict:
    key = jax.random.key(seed)
    ks = jax.random.split(key, 20)
    x = jax.random.normal(ks[0], (N, D), dtype=jnp.float32)
    edge_index = jax.random.randint(ks[1], (2, E), 0, N, dtype=jnp.int32)
    batch = jnp.sort(jax.random.randint(ks[2], (N,), 0, G, dtype=jnp.int32))
    s = 1.0 / np.sqrt(D)
    W_in = jax.random.normal(ks[3], (D, D), dtype=jnp.float32) * s
    b_in = jnp.zeros((D,), dtype=jnp.float32)
    Wc0 = jax.random.normal(ks[4], (D, D), dtype=jnp.float32) * s
    bc0 = jnp.zeros((D,), dtype=jnp.float32)
    Wc1 = jax.random.normal(ks[5], (D, D), dtype=jnp.float32) * s
    bc1 = jnp.zeros((D,), dtype=jnp.float32)
    Wc2 = jax.random.normal(ks[6], (D, D), dtype=jnp.float32) * s
    bc2 = jnp.zeros((D,), dtype=jnp.float32)
    Wh1 = jax.random.normal(ks[7], (D, D // 2), dtype=jnp.float32) * s
    bh1 = jnp.zeros((D // 2,), dtype=jnp.float32)
    Wh2 = jax.random.normal(ks[8], (D // 2, OUT), dtype=jnp.float32) * (1.0 / np.sqrt(D // 2))
    bh2 = jnp.zeros((OUT,), dtype=jnp.float32)
    return {"x": x, "edge_index": edge_index, "batch": batch,
            "W_in": W_in, "b_in": b_in,
            "Wc0": Wc0, "bc0": bc0, "Wc1": Wc1, "bc1": bc1, "Wc2": Wc2, "bc2": bc2,
            "Wh1": Wh1, "bh1": bh1, "Wh2": Wh2, "bh2": bh2}


def _gcn_conv(h, src, dst, W, b, n_nodes):
    # PyG-style GCNConv with added self-loops and symmetric normalization
    h = h @ W
    deg = jnp.zeros((n_nodes,), h.dtype).at[dst].add(1.0)
    dis = jnp.where(deg > 0, 1.0 / jnp.sqrt(deg), 0.0)
    norm = dis[src] * dis[dst]
    msg = h[src] * norm[:, None]
    out = jnp.zeros_like(h).at[dst].add(msg)
    return out + b


def reference(x, edge_index, batch, W_in, b_in, Wc0, bc0, Wc1, bc1, Wc2, bc2, Wh1, bh1, Wh2, bh2):
    n_nodes = x.shape[0]
    loop = jnp.arange(n_nodes, dtype=edge_index.dtype)
    src = jnp.concatenate([edge_index[0], loop])
    dst = jnp.concatenate([edge_index[1], loop])
    h = x @ W_in + b_in
    for W, b in ((Wc0, bc0), (Wc1, bc1), (Wc2, bc2)):
        h = _gcn_conv(h, src, dst, W, b, n_nodes)
        h = jax.nn.relu(h)
        # dropout p=0.0 -> identity
    sums = jax.ops.segment_sum(h, batch, num_segments=G)
    cnts = jax.ops.segment_sum(jnp.ones((n_nodes, 1), h.dtype), batch, num_segments=G)
    g = sums / jnp.maximum(cnts, 1.0)
    z = jax.nn.relu(g @ Wh1 + bh1)
    logits = z @ Wh2 + bh2
    return logits

if __name__ == "__main__":
    import jax
    _d = setup_inputs()
    print(jax.jit(kernel)(*tuple(_d.values())))

</pallas_src>

<mosaic_0001>
#map = affine_map<(d0, d1) -> (0, 0)>
#map1 = affine_map<(d0, d1) -> (0, 0, 0)>
module attributes {stable_mosaic.version = 14 : i64} {
  func.func @_sc_deg_body(%arg0: i32, %arg1: i32, %arg2: memref<10240x16xf32, #tpu.memory_space<hbm>>, %arg3: memref<32x80x128xi32, #tpu.memory_space<hbm>>, %arg4: memref<2x10240x16xf32, #tpu.memory_space<hbm>>, %arg5: memref<128xi32, #tpu.memory_space<vmem>>, %arg6: memref<128xi32, #tpu.memory_space<vmem>>, %arg7: memref<128x16xf32, #tpu.memory_space<vmem>>, %arg8: memref<10240x16xf32, #tpu.memory_space<vmem_shared>>, %arg9: memref<!tpu.dma_semaphore, #tpu.memory_space<semaphore_mem>>, %arg10: memref<!tpu.dma_semaphore, #tpu.memory_space<semaphore_mem>>, %arg11: memref<!tpu.dma_semaphore, #tpu.memory_space<semaphore_mem>>) attributes {dimension_semantics = [#tpu.dimension_semantics<core_parallel>, #tpu.dimension_semantics<subcore_parallel>], iteration_bounds = array<i64: 2, 16>, scalar_prefetch = 0 : i64, scratch_operands = 7 : i64, tpu.core_type = #tpu.core_type<sc_vector_subcore>, window_params = [{transform_indices = #map}, {transform_indices = #map1}, {transform_indices = #map1}]} {
    %mul3A = arith.constant 16 : i32
    %mul3A_0 = arith.muli %arg0, %mul3A : i32
    %add3A = arith.addi %mul3A_0, %arg1 : i32
    %mul3A_1 = arith.constant 640 : i32
    %mul3A_2 = arith.muli %arg1, %mul3A_1 : i32
    %add3A_3 = arith.constant 0 : i32
    %add3A_4 = arith.addi %mul3A_2, %add3A_3 : i32
    %mul3A_5 = arith.constant 640 : i32
    %mul3A_6 = arith.muli %arg1, %mul3A_5 : i32
    %add3A_7 = arith.constant 0 : i32
    %add3A_8 = arith.addi %mul3A_6, %add3A_7 : i32
    %dma_start3A = arith.constant 0 : i32
    %dma_start3A_9 = tpu.memref_slice %arg8[%add3A_8, %dma_start3A] : memref<10240x16xf32, #tpu.memory_space<vmem_shared>> -> memref<128x16xf32, #tpu.memory_space<vmem_shared>>
    %dma_start3A_10 = arith.constant 0 : i32
    %dma_start3A_11 = tpu.memref_slice %arg2[%add3A_4, %dma_start3A_10] : memref<10240x16xf32, #tpu.memory_space<hbm>> -> memref<128x16xf32, #tpu.memory_space<hbm>>
    tpu.enqueue_dma source(%dma_start3A_11 : memref<128x16xf32, #tpu.memory_space<hbm>>) target(%dma_start3A_9 : memref<128x16xf32, #tpu.memory_space<vmem_shared>>) target_semaphore(%arg11 : memref<!tpu.dma_semaphore, #tpu.memory_space<semaphore_mem>>)
    %mul3A_12 = arith.constant 640 : i32
    %mul3A_13 = arith.muli %arg1, %mul3A_12 : i32
    %add3A_14 = arith.constant 128 : i32
    %add3A_15 = arith.addi %mul3A_13, %add3A_14 : i32
    %mul3A_16 = arith.constant 640 : i32
    %mul3A_17 = arith.muli %arg1, %mul3A_16 : i32
    %add3A_18 = arith.constant 128 : i32
    %add3A_19 = arith.addi %mul3A_17, %add3A_18 : i32
    %dma_start3A_20 = arith.constant 0 : i32
    %dma_start3A_21 = tpu.memref_slice %arg8[%add3A_19, %dma_start3A_20] : memref<10240x16xf32, #tpu.memory_space<vmem_shared>> -> memref<128x16xf32, #tpu.memory_space<vmem_shared>>
    %dma_start3A_22 = arith.constant 0 : i32
    %dma_start3A_23 = tpu.memref_slice %arg2[%add3A_15, %dma_start3A_22] : memref<10240x16xf32, #tpu.memory_space<hbm>> -> memref<128x16xf32, #tpu.memory_space<hbm>>
    tpu.enqueue_dma source(%dma_start3A_23 : memref<128x16xf32, #tpu.memory_space<hbm>>) target(%dma_start3A_21 : memref<128x16xf32, #tpu.memory_space<vmem_shared>>) target_semaphore(%arg11 : memref<!tpu.dma_semaphore, #tpu.memory_space<semaphore_mem>>)
    %mul3A_24 = arith.constant 640 : i32
    %mul3A_25 = arith.muli %arg1, %mul3A_24 : i32
    %add3A_26 = arith.constant 256 : i32
    %add3A_27 = arith.addi %mul3A_25, %add3A_26 : i32
    %mul3A_28 = arith.constant 640 : i32
    %mul3A_29 = arith.muli %arg1, %mul3A_28 : i32
    %add3A_30 = arith.constant 256 : i32
    %add3A_31 = arith.addi %mul3A_29, %add3A_30 : i32
    %dma_start3A_32 = arith.constant 0 : i32
    %dma_start3A_33 = tpu.memref_slice %arg8[%add3A_31, %dma_start3A_32] : memref<10240x16xf32, #tpu.memory_space<vmem_shared>> -> memref<128x16xf32, #tpu.memory_space<vmem_shared>>
    %dma_start3A_34 = arith.constant 0 : i32
    %dma_start3A_35 = tpu.memref_slice %arg2[%add3A_27, %dma_start3A_34] : memref<10240x16xf32, #tpu.memory_space<hbm>> -> memref<128x16xf32, #tpu.memory_space<hbm>>
    tpu.enqueue_dma source(%dma_start3A_35 : memref<128x16xf32, #tpu.memory_space<hbm>>) target(%dma_start3A_33 : memref<128x16xf32, #tpu.memory_space<vmem_shared>>) target_semaphore(%arg11 : memref<!tpu.dma_semaphore, #tpu.memory_space<semaphore_mem>>)
    %mul3A_36 = arith.constant 640 : i32
    %mul3A_37 = arith.muli %arg1, %mul3A_36 : i32
    %add3A_38 = arith.constant 384 : i32
    %add3A_39 = arith.addi %mul3A_37, %add3A_38 : i32
    %mul3A_40 = arith.constant 640 : i32
    %mul3A_41 = arith.muli %arg1, %mul3A_40 : i32
    %add3A_42 = arith.constant 384 : i32
    %add3A_43 = arith.addi %mul3A_41, %add3A_42 : i32
    %dma_start3A_44 = arith.constant 0 : i32
    %dma_start3A_45 = tpu.memref_slice %arg8[%add3A_43, %dma_start3A_44] : memref<10240x16xf32, #tpu.memory_space<vmem_shared>> -> memref<128x16xf32, #tpu.memory_space<vmem_shared>>
    %dma_start3A_46 = arith.constant 0 : i32
    %dma_start3A_47 = tpu.memref_slice %arg2[%add3A_39, %dma_start3A_46] : memref<10240x16xf32, #tpu.memory_space<hbm>> -> memref<128x16xf32, #tpu.memory_space<hbm>>
    tpu.enqueue_dma source(%dma_start3A_47 : memref<128x16xf32, #tpu.memory_space<hbm>>) target(%dma_start3A_45 : memref<128x16xf32, #tpu.memory_space<vmem_shared>>) target_semaphore(%arg11 : memref<!tpu.dma_semaphore, #tpu.memory_space<semaphore_mem>>)
    %mul3A_48 = arith.constant 640 : i32
    %mul3A_49 = arith.muli %arg1, %mul3A_48 : i32
    %add3A_50 = arith.constant 512 : i32
    %add3A_51 = arith.addi %mul3A_49, %add3A_50 : i32
    %mul3A_52 = arith.constant 640 : i32
    %mul3A_53 = arith.muli %arg1, %mul3A_52 : i32
    %add3A_54 = arith.constant 512 : i32
    %add3A_55 = arith.addi %mul3A_53, %add3A_54 : i32
    %dma_start3A_56 = arith.constant 0 : i32
    %dma_start3A_57 = tpu.memref_slice %arg8[%add3A_55, %dma_start3A_56] : memref<10240x16xf32, #tpu.memory_space<vmem_shared>> -> memref<128x16xf32, #tpu.memory_space<vmem_shared>>
    %dma_start3A_58 = arith.constant 0 : i32
    %dma_start3A_59 = tpu.memref_slice %arg2[%add3A_51, %dma_start3A_58] : memref<10240x16xf32, #tpu.memory_space<hbm>> -> memref<128x16xf32, #tpu.memory_space<hbm>>
    tpu.enqueue_dma source(%dma_start3A_59 : memref<128x16xf32, #tpu.memory_space<hbm>>) target(%dma_start3A_57 : memref<128x16xf32, #tpu.memory_space<vmem_shared>>) target_semaphore(%arg11 : memref<!tpu.dma_semaphore, #tpu.memory_space<semaphore_mem>>)
    "tpu.region"() ({
      %run_scoped3A_174 = tpu.sem_alloc : memref<!tpu.dma_semaphore, #tpu.memory_space<semaphore_mem>>
      %dma_start3A_175 = arith.constant 0 : i32
      %dma_start3A_176 = arith.constant 0 : i32
      %dma_start3A_177 = tpu.memref_slice %arg2[%dma_start3A_175, %dma_start3A_176] : memref<10240x16xf32, #tpu.memory_space<hbm>> -> memref<128x16xf32, #tpu.memory_space<hbm>>
      %dma_start3A_178 = arith.constant 0 : i32
      %dma_start3A_179 = arith.constant 0 : i32
      %dma_start3A_180 = tpu.memref_slice %arg2[%dma_start3A_178, %dma_start3A_179] : memref<10240x16xf32, #tpu.memory_space<hbm>> -> memref<128x16xf32, #tpu.memory_space<hbm>>
      tpu.enqueue_dma source(%dma_start3A_180 : memref<128x16xf32, #tpu.memory_space<hbm>>) target(%arg7 : memref<128x16xf32, #tpu.memory_space<vmem>>) target_semaphore(%run_scoped3A_174 : memref<!tpu.dma_semaphore, #tpu.memory_space<semaphore_mem>>)
      %dma_wait3A_181 = arith.constant 0 : i32
      %dma_wait3A_182 = arith.constant 0 : i32
      %dma_wait3A_183 = tpu.memref_slice %arg2[%dma_wait3A_181, %dma_wait3A_182] : memref<10240x16xf32, #tpu.memory_space<hbm>> -> memref<128x16xf32, #tpu.memory_space<hbm>>
      %dma_wait3A_184 = arith.constant 0 : i32
      %dma_wait3A_185 = arith.constant 0 : i32
      %dma_wait3A_186 = tpu.memref_slice %arg2[%dma_wait3A_184, %dma_wait3A_185] : memref<10240x16xf32, #tpu.memory_space<hbm>> -> memref<128x16xf32, #tpu.memory_space<hbm>>
      tpu.wait_dma2 semaphore(%run_scoped3A_174 : memref<!tpu.dma_semaphore, #tpu.memory_space<semaphore_mem>>) src(%dma_wait3A_186 : memref<128x16xf32, #tpu.memory_space<hbm>>) dst(%arg7 : memref<128x16xf32, #tpu.memory_space<vmem>>)
      tpu.yield
    }) : () -> ()
    %dma_wait3A = arith.constant 0 : i32
    %dma_wait3A_60 = tpu.memref_slice %arg8[%add3A_8, %dma_wait3A] : memref<10240x16xf32, #tpu.memory_space<vmem_shared>> -> memref<128x16xf32, #tpu.memory_space<vmem_shared>>
    %dma_wait3A_61 = arith.constant 0 : i32
    %dma_wait3A_62 = tpu.memref_slice %arg2[%add3A_4, %dma_wait3A_61] : memref<10240x16xf32, #tpu.memory_space<hbm>> -> memref<128x16xf32, #tpu.memory_space<hbm>>
    tpu.wait_dma2 semaphore(%arg11 : memref<!tpu.dma_semaphore, #tpu.memory_space<semaphore_mem>>) src(%dma_wait3A_62 : memref<128x16xf32, #tpu.memory_space<hbm>>) dst(%dma_wait3A_60 : memref<128x16xf32, #tpu.memory_space<vmem_shared>>)
    %dma_wait3A_63 = arith.constant 0 : i32
    %dma_wait3A_64 = tpu.memref_slice %arg8[%add3A_19, %dma_wait3A_63] : memref<10240x16xf32, #tpu.memory_space<vmem_shared>> -> memref<128x16xf32, #tpu.memory_space<vmem_shared>>
    %dma_wait3A_65 = arith.constant 0 : i32
    %dma_wait3A_66 = tpu.memref_slice %arg2[%add3A_15, %dma_wait3A_65] : memref<10240x16xf32, #tpu.memory_space<hbm>> -> memref<128x16xf32, #tpu.memory_space<hbm>>
    tpu.wait_dma2 semaphore(%arg11 : memref<!tpu.dma_semaphore, #tpu.memory_space<semaphore_mem>>) src(%dma_wait3A_66 : memref<128x16xf32, #tpu.memory_space<hbm>>) dst(%dma_wait3A_64 : memref<128x16xf32, #tpu.memory_space<vmem_shared>>)
    %dma_wait3A_67 = arith.constant 0 : i32
    %dma_wait3A_68 = tpu.memref_slice %arg8[%add3A_31, %dma_wait3A_67] : memref<10240x16xf32, #tpu.memory_space<vmem_shared>> -> memref<128x16xf32, #tpu.memory_space<vmem_shared>>
    %dma_wait3A_69 = arith.constant 0 : i32
    %dma_wait3A_70 = tpu.memref_slice %arg2[%add3A_27, %dma_wait3A_69] : memref<10240x16xf32, #tpu.memory_space<hbm>> -> memref<128x16xf32, #tpu.memory_space<hbm>>
    tpu.wait_dma2 semaphore(%arg11 : memref<!tpu.dma_semaphore, #tpu.memory_space<semaphore_mem>>) src(%dma_wait3A_70 : memref<128x16xf32, #tpu.memory_space<hbm>>) dst(%dma_wait3A_68 : memref<128x16xf32, #tpu.memory_space<vmem_shared>>)
    %dma_wait3A_71 = arith.constant 0 : i32
    %dma_wait3A_72 = tpu.memref_slice %arg8[%add3A_43, %dma_wait3A_71] : memref<10240x16xf32, #tpu.memory_space<vmem_shared>> -> memref<128x16xf32, #tpu.memory_space<vmem_shared>>
    %dma_wait3A_73 = arith.constant 0 : i32
    %dma_wait3A_74 = tpu.memref_slice %arg2[%add3A_39, %dma_wait3A_73] : memref<10240x16xf32, #tpu.memory_space<hbm>> -> memref<128x16xf32, #tpu.memory_space<hbm>>
    tpu.wait_dma2 semaphore(%arg11 : memref<!tpu.dma_semaphore, #tpu.memory_space<semaphore_mem>>) src(%dma_wait3A_74 : memref<128x16xf32, #tpu.memory_space<hbm>>) dst(%dma_wait3A_72 : memref<128x16xf32, #tpu.memory_space<vmem_shared>>)
    %dma_wait3A_75 = arith.constant 0 : i32
    %dma_wait3A_76 = tpu.memref_slice %arg8[%add3A_55, %dma_wait3A_75] : memref<10240x16xf32, #tpu.memory_space<vmem_shared>> -> memref<128x16xf32, #tpu.memory_space<vmem_shared>>
    %dma_wait3A_77 = arith.constant 0 : i32
    %dma_wait3A_78 = tpu.memref_slice %arg2[%add3A_51, %dma_wait3A_77] : memref<10240x16xf32, #tpu.memory_space<hbm>> -> memref<128x16xf32, #tpu.memory_space<hbm>>
    tpu.wait_dma2 semaphore(%arg11 : memref<!tpu.dma_semaphore, #tpu.memory_space<semaphore_mem>>) src(%dma_wait3A_78 : memref<128x16xf32, #tpu.memory_space<hbm>>) dst(%dma_wait3A_76 : memref<128x16xf32, #tpu.memory_space<vmem_shared>>)
    %barrier3A = arith.constant 0 : index
    tpu.barrier barrier_id(%barrier3A)
    %run_scoped3A = arith.constant 0 : i32
    "tpu.region"() ({
      %run_scoped3A_174 = tpu.sem_alloc : memref<!tpu.dma_semaphore, #tpu.memory_space<semaphore_mem>>
      %dma_start3A_175 = arith.constant 0 : i32
      %dma_start3A_176 = tpu.memref_slice %arg3[%add3A, %run_scoped3A, %dma_start3A_175] : memref<32x80x128xi32, #tpu.memory_space<hbm>> -> memref<1x1x128xi32, #tpu.memory_space<hbm>>
      %dma_start3A_177 = tpu.memref_squeeze %dma_start3A_176 : memref<1x1x128xi32, #tpu.memory_space<hbm>> -> memref<128xi32, #tpu.memory_space<hbm>>
      %dma_start3A_178 = arith.constant 0 : i32
      %dma_start3A_179 = tpu.memref_slice %arg3[%add3A, %run_scoped3A, %dma_start3A_178] : memref<32x80x128xi32, #tpu.memory_space<hbm>> -> memref<1x1x128xi32, #tpu.memory_space<hbm>>
      %dma_start3A_180 = tpu.memref_squeeze %dma_start3A_179 : memref<1x1x128xi32, #tpu.memory_space<hbm>> -> memref<128xi32, #tpu.memory_space<hbm>>
      tpu.enqueue_dma source(%dma_start3A_180 : memref<128xi32, #tpu.memory_space<hbm>>) target(%arg5 : memref<128xi32, #tpu.memory_space<vmem>>) target_semaphore(%run_scoped3A_174 : memref<!tpu.dma_semaphore, #tpu.memory_space<semaphore_mem>>)
      %dma_wait3A_181 = arith.constant 0 : i32
      %dma_wait3A_182 = tpu.memref_slice %arg3[%add3A, %run_scoped3A, %dma_wait3A_181] : memref<32x80x128xi32, #tpu.memory_space<hbm>> -> memref<1x1x128xi32, #tpu.memory_space<hbm>>
      %dma_wait3A_183 = tpu.memref_squeeze %dma_wait3A_182 : memref<1x1x128xi32, #tpu.memory_space<hbm>> -> memref<128xi32, #tpu.memory_space<hbm>>
      %dma_wait3A_184 = arith.constant 0 : i32
      %dma_wait3A_185 = tpu.memref_slice %arg3[%add3A, %run_scoped3A, %dma_wait3A_184] : memref<32x80x128xi32, #tpu.memory_space<hbm>> -> memref<1x1x128xi32, #tpu.memory_space<hbm>>
      %dma_wait3A_186 = tpu.memref_squeeze %dma_wait3A_185 : memref<1x1x128xi32, #tpu.memory_space<hbm>> -> memref<128xi32, #tpu.memory_space<hbm>>
      tpu.wait_dma2 semaphore(%run_scoped3A_174 : memref<!tpu.dma_semaphore, #tpu.memory_space<semaphore_mem>>) src(%dma_wait3A_186 : memref<128xi32, #tpu.memory_space<hbm>>) dst(%arg5 : memref<128xi32, #tpu.memory_space<vmem>>)
      tpu.yield
    }) : () -> ()
    %scan3A = arith.constant 0 : i32
    %scan3A_79 = arith.constant 40 : i32
    %scan3A_80 = arith.addi %scan3A, %scan3A_79 : i32
    %scan3A_81 = arith.constant 1 : i32
    scf.for %scan3A_174 = %scan3A to %scan3A_80 step %scan3A_81  : i32 {
      %mul3A_175 = arith.constant 2 : i32
      %mul3A_176 = arith.muli %mul3A_175, %scan3A_174 : i32
      %add3A_177 = arith.constant 1 : i32
      %add3A_178 = arith.addi %mul3A_176, %add3A_177 : i32
      %dma_start3A_179 = arith.constant 0 : i32
      %dma_start3A_180 = tpu.memref_slice %arg3[%add3A, %add3A_178, %dma_start3A_179] : memref<32x80x128xi32, #tpu.memory_space<hbm>> -> memref<1x1x128xi32, #tpu.memory_space<hbm>>
      %dma_start3A_181 = tpu.memref_squeeze %dma_start3A_180 : memref<1x1x128xi32, #tpu.memory_space<hbm>> -> memref<128xi32, #tpu.memory_space<hbm>>
      %dma_start3A_182 = arith.constant 0 : i32
      %dma_start3A_183 = tpu.memref_slice %arg3[%add3A, %add3A_178, %dma_start3A_182] : memref<32x80x128xi32, #tpu.memory_space<hbm>> -> memref<1x1x128xi32, #tpu.memory_space<hbm>>
      %dma_start3A_184 = tpu.memref_squeeze %dma_start3A_183 : memref<1x1x128xi32, #tpu.memory_space<hbm>> -> memref<128xi32, #tpu.memory_space<hbm>>
      tpu.enqueue_dma source(%dma_start3A_184 : memref<128xi32, #tpu.memory_space<hbm>>) target(%arg6 : memref<128xi32, #tpu.memory_space<vmem>>) target_semaphore(%arg10 : memref<!tpu.dma_semaphore, #tpu.memory_space<semaphore_mem>>)
      "tpu.region"() ({
        %run_scoped3A_206 = tpu.sem_alloc : memref<!tpu.dma_semaphore, #tpu.memory_space<semaphore_mem>>
        %dma_start3A_207 = arith.constant 0 : i32
        %dma_start3A_208 = arith.constant 0 : i32
        %dma_start3A_209 = tpu.memref_slice %arg8[%dma_start3A_207, %dma_start3A_208] : memref<10240x16xf32, #tpu.memory_space<vmem_shared>> -> memref<10240x16xf32, #tpu.memory_space<vmem_shared>>
        tpu.enqueue_indirect_dma source(%arg7 : memref<128x16xf32, #tpu.memory_space<vmem>>) target(%dma_start3A_209 : memref<10240x16xf32, #tpu.memory_space<vmem_shared>>) offsets(%arg5 : memref<128xi32, #tpu.memory_space<vmem>>) semaphore(%run_scoped3A_206 : memref<!tpu.dma_semaphore, #tpu.memory_space<semaphore_mem>>) {add = true}
        %dma_wait3A_210 = arith.constant 0 : i32
        %dma_wait3A_211 = arith.constant 0 : i32
        %dma_wait3A_212 = tpu.memref_slice %arg8[%dma_wait3A_210, %dma_wait3A_211] : memref<10240x16xf32, #tpu.memory_space<vmem_shared>> -> memref<10240x16xf32, #tpu.memory_space<vmem_shared>>
        tpu.wait_indirect_dma semaphore(%run_scoped3A_206 : memref<!tpu.dma_semaphore, #tpu.memory_space<semaphore_mem>>) src(%arg7 : memref<128x16xf32, #tpu.memory_space<vmem>>) dst(%dma_wait3A_212 : memref<10240x16xf32, #tpu.memory_space<vmem_shared>>)
        tpu.yield
      }) : () -> ()
      %dma_wait3A_185 = arith.constant 0 : i32
      %dma_wait3A_186 = tpu.memref_slice %arg3[%add3A, %add3A_178, %dma_wait3A_185] : memref<32x80x128xi32, #tpu.memory_space<hbm>> -> memref<1x1x128xi32, #tpu.memory_space<hbm>>
      %dma_wait3A_187 = tpu.memref_squeeze %dma_wait3A_186 : memref<1x1x128xi32, #tpu.memory_space<hbm>> -> memref<128xi32, #tpu.memory_space<hbm>>
      %dma_wait3A_188 = arith.constant 0 : i32
      %dma_wait3A_189 = tpu.memref_slice %arg3[%add3A, %add3A_178, %dma_wait3A_188] : memref<32x80x128xi32, #tpu.memory_space<hbm>> -> memref<1x1x128xi32, #tpu.memory_space<hbm>>
      %dma_wait3A_190 = tpu.memref_squeeze %dma_wait3A_189 : memref<1x1x128xi32, #tpu.memory_space<hbm>> -> memref<128xi32, #tpu.memory_space<hbm>>
      tpu.wait_dma2 semaphore(%arg10 : memref<!tpu.dma_semaphore, #tpu.memory_space<semaphore_mem>>) src(%dma_wait3A_190 : memref<128xi32, #tpu.memory_space<hbm>>) dst(%arg6 : memref<128xi32, #tpu.memory_space<vmem>>)
      %add3A_191 = arith.constant 2 : i32
      %add3A_192 = arith.addi %mul3A_176, %add3A_191 : i32
      %min3A = arith.constant 79 : i32
      %min3A_193 = arith.minsi %add3A_192, %min3A : i32
      %dma_start3A_194 = arith.constant 0 : i32
      %dma_start3A_195 = tpu.memref_slice %arg3[%add3A, %min3A_193, %dma_start3A_194] : memref<32x80x128xi32, #tpu.memory_space<hbm>> -> memref<1x1x128xi32, #tpu.memory_space<hbm>>
      %dma_start3A_196 = tpu.memref_squeeze %dma_start3A_195 : memref<1x1x128xi32, #tpu.memory_space<hbm>> -> memref<128xi32, #tpu.memory_space<hbm>>
      %dma_start3A_197 = arith.constant 0 : i32
      %dma_start3A_198 = tpu.memref_slice %arg3[%add3A, %min3A_193, %dma_start3A_197] : memref<32x80x128xi32, #tpu.memory_space<hbm>> -> memref<1x1x128xi32, #tpu.memory_space<hbm>>
      %dma_start3A_199 = tpu.memref_squeeze %dma_start3A_198 : memref<1x1x128xi32, #tpu.memory_space<hbm>> -> memref<128xi32, #tpu.memory_space<hbm>>
      tpu.enqueue_dma source(%dma_start3A_199 : memref<128xi32, #tpu.memory_space<hbm>>) target(%arg5 : memref<128xi32, #tpu.memory_space<vmem>>) target_semaphore(%arg9 : memref<!tpu.dma_semaphore, #tpu.memory_space<semaphore_mem>>)
      "tpu.region"() ({
        %run_scoped3A_206 = tpu.sem_alloc : memref<!tpu.dma_semaphore, #tpu.memory_space<semaphore_mem>>
        %dma_start3A_207 = arith.constant 0 : i32
        %dma_start3A_208 = arith.constant 0 : i32
        %dma_start3A_209 = tpu.memref_slice %arg8[%dma_start3A_207, %dma_start3A_208] : memref<10240x16xf32, #tpu.memory_space<vmem_shared>> -> memref<10240x16xf32, #tpu.memory_space<vmem_shared>>
        tpu.enqueue_indirect_dma source(%arg7 : memref<128x16xf32, #tpu.memory_space<vmem>>) target(%dma_start3A_209 : memref<10240x16xf32, #tpu.memory_space<vmem_shared>>) offsets(%arg6 : memref<128xi32, #tpu.memory_space<vmem>>) semaphore(%run_scoped3A_206 : memref<!tpu.dma_semaphore, #tpu.memory_space<semaphore_mem>>) {add = true}
        %dma_wait3A_210 = arith.constant 0 : i32
        %dma_wait3A_211 = arith.constant 0 : i32
        %dma_wait3A_212 = tpu.memref_slice %arg8[%dma_wait3A_210, %dma_wait3A_211] : memref<10240x16xf32, #tpu.memory_space<vmem_shared>> -> memref<10240x16xf32, #tpu.memory_space<vmem_shared>>
        tpu.wait_indirect_dma semaphore(%run_scoped3A_206 : memref<!tpu.dma_semaphore, #tpu.memory_space<semaphore_mem>>) src(%arg7 : memref<128x16xf32, #tpu.memory_space<vmem>>) dst(%dma_wait3A_212 : memref<10240x16xf32, #tpu.memory_space<vmem_shared>>)
        tpu.yield
      }) : () -> ()
      %dma_wait3A_200 = arith.constant 0 : i32
      %dma_wait3A_201 = tpu.memref_slice %arg3[%add3A, %min3A_193, %dma_wait3A_200] : memref<32x80x128xi32, #tpu.memory_space<hbm>> -> memref<1x1x128xi32, #tpu.memory_space<hbm>>
      %dma_wait3A_202 = tpu.memref_squeeze %dma_wait3A_201 : memref<1x1x128xi32, #tpu.memory_space<hbm>> -> memref<128xi32, #tpu.memory_space<hbm>>
      %dma_wait3A_203 = arith.constant 0 : i32
      %dma_wait3A_204 = tpu.memref_slice %arg3[%add3A, %min3A_193, %dma_wait3A_203] : memref<32x80x128xi32, #tpu.memory_space<hbm>> -> memref<1x1x128xi32, #tpu.memory_space<hbm>>
      %dma_wait3A_205 = tpu.memref_squeeze %dma_wait3A_204 : memref<1x1x128xi32, #tpu.memory_space<hbm>> -> memref<128xi32, #tpu.memory_space<hbm>>
      tpu.wait_dma2 semaphore(%arg9 : memref<!tpu.dma_semaphore, #tpu.memory_space<semaphore_mem>>) src(%dma_wait3A_205 : memref<128xi32, #tpu.memory_space<hbm>>) dst(%arg5 : memref<128xi32, #tpu.memory_space<vmem>>)
    }
    %scan3A_82 = arith.constant 40 : i32
    %barrier3A_83 = arith.constant 0 : index
    tpu.barrier barrier_id(%barrier3A_83)
    %mul3A_84 = arith.constant 640 : i32
    %mul3A_85 = arith.muli %arg1, %mul3A_84 : i32
    %add3A_86 = arith.constant 0 : i32
    %add3A_87 = arith.addi %mul3A_85, %add3A_86 : i32
    %mul3A_88 = arith.constant 640 : i32
    %mul3A_89 = arith.muli %arg1, %mul3A_88 : i32
    %add3A_90 = arith.constant 0 : i32
    %add3A_91 = arith.addi %mul3A_89, %add3A_90 : i32
    %dma_start3A_92 = arith.constant 0 : i32
    %dma_start3A_93 = tpu.memref_slice %arg4[%arg0, %add3A_91, %dma_start3A_92] : memref<2x10240x16xf32, #tpu.memory_space<hbm>> -> memref<1x128x16xf32, #tpu.memory_space<hbm>>
    %dma_start3A_94 = tpu.memref_squeeze %dma_start3A_93 : memref<1x128x16xf32, #tpu.memory_space<hbm>> -> memref<128x16xf32, #tpu.memory_space<hbm>>
    %dma_start3A_95 = arith.constant 0 : i32
    %dma_start3A_96 = tpu.memref_slice %arg8[%add3A_87, %dma_start3A_95] : memref<10240x16xf32, #tpu.memory_space<vmem_shared>> -> memref<128x16xf32, #tpu.memory_space<vmem_shared>>
    tpu.enqueue_dma source(%dma_start3A_96 : memref<128x16xf32, #tpu.memory_space<vmem_shared>>) target(%dma_start3A_94 : memref<128x16xf32, #tpu.memory_space<hbm>>) target_semaphore(%arg11 : memref<!tpu.dma_semaphore, #tpu.memory_space<semaphore_mem>>)
    %mul3A_97 = arith.constant 640 : i32
    %mul3A_98 = arith.muli %arg1, %mul3A_97 : i32
    %add3A_99 = arith.constant 128 : i32
    %add3A_100 = arith.addi %mul3A_98, %add3A_99 : i32
    %mul3A_101 = arith.constant 640 : i32
    %mul3A_102 = arith.muli %arg1, %mul3A_101 : i32
    %add3A_103 = arith.constant 128 : i32
    %add3A_104 = arith.addi %mul3A_102, %add3A_103 : i32
    %dma_start3A_105 = arith.constant 0 : i32
    %dma_start3A_106 = tpu.memref_slice %arg4[%arg0, %add3A_104, %dma_start3A_105] : memref<2x10240x16xf32, #tpu.memory_space<hbm>> -> memref<1x128x16xf32, #tpu.memory_space<hbm>>
    %dma_start3A_107 = tpu.memref_squeeze %dma_start3A_106 : memref<1x128x16xf32, #tpu.memory_space<hbm>> -> memref<128x16xf32, #tpu.memory_space<hbm>>
    %dma_start3A_108 = arith.constant 0 : i32
    %dma_start3A_109 = tpu.memref_slice %arg8[%add3A_100, %dma_start3A_108] : memref<10240x16xf32, #tpu.memory_space<vmem_shared>> -> memref<128x16xf32, #tpu.memory_space<vmem_shared>>
    tpu.enqueue_dma source(%dma_start3A_109 : memref<128x16xf32, #tpu.memory_space<vmem_shared>>) target(%dma_start3A_107 : memref<128x16xf32, #tpu.memory_space<hbm>>) target_semaphore(%arg11 : memref<!tpu.dma_semaphore, #tpu.memory_space<semaphore_mem>>)
    %mul3A_110 = arith.constant 640 : i32
    %mul3A_111 = arith.muli %arg1, %mul3A_110 : i32
    %add3A_112 = arith.constant 256 : i32
    %add3A_113 = arith.addi %mul3A_111, %add3A_112 : i32
    %mul3A_114 = arith.constant 640 : i32
    %mul3A_115 = arith.muli %arg1, %mul3A_114 : i32
    %add3A_116 = arith.constant 256 : i32
    %add3A_117 = arith.addi %mul3A_115, %add3A_116 : i32
    %dma_start3A_118 = arith.constant 0 : i32
    %dma_start3A_119 = tpu.memref_slice %arg4[%arg0, %add3A_117, %dma_start3A_118] : memref<2x10240x16xf32, #tpu.memory_space<hbm>> -> memref<1x128x16xf32, #tpu.memory_space<hbm>>
    %dma_start3A_120 = tpu.memref_squeeze %dma_start3A_119 : memref<1x128x16xf32, #tpu.memory_space<hbm>> -> memref<128x16xf32, #tpu.memory_space<hbm>>
    %dma_start3A_121 = arith.constant 0 : i32
    %dma_start3A_122 = tpu.memref_slice %arg8[%add3A_113, %dma_start3A_121] : memref<10240x16xf32, #tpu.memory_space<vmem_shared>> -> memref<128x16xf32, #tpu.memory_space<vmem_shared>>
    tpu.enqueue_dma source(%dma_start3A_122 : memref<128x16xf32, #tpu.memory_space<vmem_shared>>) target(%dma_start3A_120 : memref<128x16xf32, #tpu.memory_space<hbm>>) target_semaphore(%arg11 : memref<!tpu.dma_semaphore, #tpu.memory_space<semaphore_mem>>)
    %mul3A_123 = arith.constant 640 : i32
    %mul3A_124 = arith.muli %arg1, %mul3A_123 : i32
    %add3A_125 = arith.constant 384 : i32
    %add3A_126 = arith.addi %mul3A_124, %add3A_125 : i32
    %mul3A_127 = arith.constant 640 : i32
    %mul3A_128 = arith.muli %arg1, %mul3A_127 : i32
    %add3A_129 = arith.constant 384 : i32
    %add3A_130 = arith.addi %mul3A_128, %add3A_129 : i32
    %dma_start3A_131 = arith.constant 0 : i32
    %dma_start3A_132 = tpu.memref_slice %arg4[%arg0, %add3A_130, %dma_start3A_131] : memref<2x10240x16xf32, #tpu.memory_space<hbm>> -> memref<1x128x16xf32, #tpu.memory_space<hbm>>
    %dma_start3A_133 = tpu.memref_squeeze %dma_start3A_132 : memref<1x128x16xf32, #tpu.memory_space<hbm>> -> memref<128x16xf32, #tpu.memory_space<hbm>>
    %dma_start3A_134 = arith.constant 0 : i32
    %dma_start3A_135 = tpu.memref_slice %arg8[%add3A_126, %dma_start3A_134] : memref<10240x16xf32, #tpu.memory_space<vmem_shared>> -> memref<128x16xf32, #tpu.memory_space<vmem_shared>>
    tpu.enqueue_dma source(%dma_start3A_135 : memref<128x16xf32, #tpu.memory_space<vmem_shared>>) target(%dma_start3A_133 : memref<128x16xf32, #tpu.memory_space<hbm>>) target_semaphore(%arg11 : memref<!tpu.dma_semaphore, #tpu.memory_space<semaphore_mem>>)
    %mul3A_136 = arith.constant 640 : i32
    %mul3A_137 = arith.muli %arg1, %mul3A_136 : i32
    %add3A_138 = arith.constant 512 : i32
    %add3A_139 = arith.addi %mul3A_137, %add3A_138 : i32
    %mul3A_140 = arith.constant 640 : i32
    %mul3A_141 = arith.muli %arg1, %mul3A_140 : i32
    %add3A_142 = arith.constant 512 : i32
    %add3A_143 = arith.addi %mul3A_141, %add3A_142 : i32
    %dma_start3A_144 = arith.constant 0 : i32
    %dma_start3A_145 = tpu.memref_slice %arg4[%arg0, %add3A_143, %dma_start3A_144] : memref<2x10240x16xf32, #tpu.memory_space<hbm>> -> memref<1x128x16xf32, #tpu.memory_space<hbm>>
    %dma_start3A_146 = tpu.memref_squeeze %dma_start3A_145 : memref<1x128x16xf32, #tpu.memory_space<hbm>> -> memref<128x16xf32, #tpu.memory_space<hbm>>
    %dma_start3A_147 = arith.constant 0 : i32
    %dma_start3A_148 = tpu.memref_slice %arg8[%add3A_139, %dma_start3A_147] : memref<10240x16xf32, #tpu.memory_space<vmem_shared>> -> memref<128x16xf32, #tpu.memory_space<vmem_shared>>
    tpu.enqueue_dma source(%dma_start3A_148 : memref<128x16xf32, #tpu.memory_space<vmem_shared>>) target(%dma_start3A_146 : memref<128x16xf32, #tpu.memory_space<hbm>>) target_semaphore(%arg11 : memref<!tpu.dma_semaphore, #tpu.memory_space<semaphore_mem>>)
    %dma_wait3A_149 = arith.constant 0 : i32
    %dma_wait3A_150 = tpu.memref_slice %arg4[%arg0, %add3A_91, %dma_wait3A_149] : memref<2x10240x16xf32, #tpu.memory_space<hbm>> -> memref<1x128x16xf32, #tpu.memory_space<hbm>>
    %dma_wait3A_151 = tpu.memref_squeeze %dma_wait3A_150 : memref<1x128x16xf32, #tpu.memory_space<hbm>> -> memref<128x16xf32, #tpu.memory_space<hbm>>
    %dma_wait3A_152 = arith.constant 0 : i32
    %dma_wait3A_153 = tpu.memref_slice %arg8[%add3A_87, %dma_wait3A_152] : memref<10240x16xf32, #tpu.memory_space<vmem_shared>> -> memref<128x16xf32, #tpu.memory_space<vmem_shared>>
    tpu.wait_dma2 semaphore(%arg11 : memref<!tpu.dma_semaphore, #tpu.memory_space<semaphore_mem>>) src(%dma_wait3A_153 : memref<128x16xf32, #tpu.memory_space<vmem_shared>>) dst(%dma_wait3A_151 : memref<128x16xf32, #tpu.memory_space<hbm>>)
    %dma_wait3A_154 = arith.constant 0 : i32
    %dma_wait3A_155 = tpu.memref_slice %arg4[%arg0, %add3A_104, %dma_wait3A_154] : memref<2x10240x16xf32, #tpu.memory_space<hbm>> -> memref<1x128x16xf32, #tpu.memory_space<hbm>>
    %dma_wait3A_156 = tpu.memref_squeeze %dma_wait3A_155 : memref<1x128x16xf32, #tpu.memory_space<hbm>> -> memref<128x16xf32, #tpu.memory_space<hbm>>
    %dma_wait3A_157 = arith.constant 0 : i32
    %dma_wait3A_158 = tpu.memref_slice %arg8[%add3A_100, %dma_wait3A_157] : memref<10240x16xf32, #tpu.memory_space<vmem_shared>> -> memref<128x16xf32, #tpu.memory_space<vmem_shared>>
    tpu.wait_dma2 semaphore(%arg11 : memref<!tpu.dma_semaphore, #tpu.memory_space<semaphore_mem>>) src(%dma_wait3A_158 : memref<128x16xf32, #tpu.memory_space<vmem_shared>>) dst(%dma_wait3A_156 : memref<128x16xf32, #tpu.memory_space<hbm>>)
    %dma_wait3A_159 = arith.constant 0 : i32
    %dma_wait3A_160 = tpu.memref_slice %arg4[%arg0, %add3A_117, %dma_wait3A_159] : memref<2x10240x16xf32, #tpu.memory_space<hbm>> -> memref<1x128x16xf32, #tpu.memory_space<hbm>>
    %dma_wait3A_161 = tpu.memref_squeeze %dma_wait3A_160 : memref<1x128x16xf32, #tpu.memory_space<hbm>> -> memref<128x16xf32, #tpu.memory_space<hbm>>
    %dma_wait3A_162 = arith.constant 0 : i32
    %dma_wait3A_163 = tpu.memref_slice %arg8[%add3A_113, %dma_wait3A_162] : memref<10240x16xf32, #tpu.memory_space<vmem_shared>> -> memref<128x16xf32, #tpu.memory_space<vmem_shared>>
    tpu.wait_dma2 semaphore(%arg11 : memref<!tpu.dma_semaphore, #tpu.memory_space<semaphore_mem>>) src(%dma_wait3A_163 : memref<128x16xf32, #tpu.memory_space<vmem_shared>>) dst(%dma_wait3A_161 : memref<128x16xf32, #tpu.memory_space<hbm>>)
    %dma_wait3A_164 = arith.constant 0 : i32
    %dma_wait3A_165 = tpu.memref_slice %arg4[%arg0, %add3A_130, %dma_wait3A_164] : memref<2x10240x16xf32, #tpu.memory_space<hbm>> -> memref<1x128x16xf32, #tpu.memory_space<hbm>>
    %dma_wait3A_166 = tpu.memref_squeeze %dma_wait3A_165 : memref<1x128x16xf32, #tpu.memory_space<hbm>> -> memref<128x16xf32, #tpu.memory_space<hbm>>
    %dma_wait3A_167 = arith.constant 0 : i32
    %dma_wait3A_168 = tpu.memref_slice %arg8[%add3A_126, %dma_wait3A_167] : memref<10240x16xf32, #tpu.memory_space<vmem_shared>> -> memref<128x16xf32, #tpu.memory_space<vmem_shared>>
    tpu.wait_dma2 semaphore(%arg11 : memref<!tpu.dma_semaphore, #tpu.memory_space<semaphore_mem>>) src(%dma_wait3A_168 : memref<128x16xf32, #tpu.memory_space<vmem_shared>>) dst(%dma_wait3A_166 : memref<128x16xf32, #tpu.memory_space<hbm>>)
    %dma_wait3A_169 = arith.constant 0 : i32
    %dma_wait3A_170 = tpu.memref_slice %arg4[%arg0, %add3A_143, %dma_wait3A_169] : memref<2x10240x16xf32, #tpu.memory_space<hbm>> -> memref<1x128x16xf32, #tpu.memory_space<hbm>>
    %dma_wait3A_171 = tpu.memref_squeeze %dma_wait3A_170 : memref<1x128x16xf32, #tpu.memory_space<hbm>> -> memref<128x16xf32, #tpu.memory_space<hbm>>
    %dma_wait3A_172 = arith.constant 0 : i32
    %dma_wait3A_173 = tpu.memref_slice %arg8[%add3A_139, %dma_wait3A_172] : memref<10240x16xf32, #tpu.memory_space<vmem_shared>> -> memref<128x16xf32, #tpu.memory_space<vmem_shared>>
    tpu.wait_dma2 semaphore(%arg11 : memref<!tpu.dma_semaphore, #tpu.memory_space<semaphore_mem>>) src(%dma_wait3A_173 : memref<128x16xf32, #tpu.memory_space<vmem_shared>>) dst(%dma_wait3A_171 : memref<128x16xf32, #tpu.memory_space<hbm>>)
    return
  }
}

#map = affine_map<(d0, d1) -> (0, 0)>
#map1 = affine_map<(d0, d1) -> (0, 0, 0)>
module attributes {stable_mosaic.version = 14 : i64} {
  func.func @_sc_agg_body(%arg0: i32, %arg1: i32, %arg2: memref<10240x128xf32, #tpu.memory_space<hbm>>, %arg3: memref<32x80x128xi32, #tpu.memory_space<hbm>>, %arg4: memref<32x80x128xi32, #tpu.memory_space<hbm>>, %arg5: memref<2x10240x128xf32, #tpu.memory_space<hbm>>, %arg6: memref<128xi32, #tpu.memory_space<vmem>>, %arg7: memref<128xi32, #tpu.memory_space<vmem>>, %arg8: memref<128xi32, #tpu.memory_space<vmem>>, %arg9: memref<128xi32, #tpu.memory_space<vmem>>, %arg10: memref<128x128xf32, #tpu.memory_space<vmem>>, %arg11: memref<128x128xf32, #tpu.memory_space<vmem>>, %arg12: memref<10240x128xf32, #tpu.memory_space<vmem_shared>>, %arg13: memref<!tpu.dma_semaphore, #tpu.memory_space<semaphore_mem>>, %arg14: memref<!tpu.dma_semaphore, #tpu.memory_space<semaphore_mem>>, %arg15: memref<!tpu.dma_semaphore, #tpu.memory_space<semaphore_mem>>, %arg16: memref<!tpu.dma_semaphore, #tpu.memory_space<semaphore_mem>>, %arg17: memref<!tpu.dma_semaphore, #tpu.memory_space<semaphore_mem>>) attributes {dimension_semantics = [#tpu.dimension_semantics<core_parallel>, #tpu.dimension_semantics<subcore_parallel>], iteration_bounds = array<i64: 2, 16>, scalar_prefetch = 0 : i64, scratch_operands = 12 : i64, tpu.core_type = #tpu.core_type<sc_vector_subcore>, window_params = [{transform_indices = #map}, {transform_indices = #map1}, {transform_indices = #map1}, {transform_indices = #map1}]} {
    %mul3A = arith.constant 16 : i32
    %mul3A_0 = arith.muli %arg0, %mul3A : i32
    %add3A = arith.addi %mul3A_0, %arg1 : i32
    %mul3A_1 = arith.constant 640 : i32
    %mul3A_2 = arith.muli %arg1, %mul3A_1 : i32
    %add3A_3 = arith.constant 0 : i32
    %add3A_4 = arith.addi %mul3A_2, %add3A_3 : i32
    %mul3A_5 = arith.constant 640 : i32
    %mul3A_6 = arith.muli %arg1, %mul3A_5 : i32
    %add3A_7 = arith.constant 0 : i32
    %add3A_8 = arith.addi %mul3A_6, %add3A_7 : i32
    %dma_start3A = arith.constant 0 : i32
    %dma_start3A_9 = tpu.memref_slice %arg12[%add3A_8, %dma_start3A] : memref<10240x128xf32, #tpu.memory_space<vmem_shared>> -> memref<128x128xf32, #tpu.memory_space<vmem_shared>>
    %dma_start3A_10 = arith.constant 0 : i32
    %dma_start3A_11 = tpu.memref_slice %arg2[%add3A_4, %dma_start3A_10] : memref<10240x128xf32, #tpu.memory_space<hbm>> -> memref<128x128xf32, #tpu.memory_space<hbm>>
    tpu.enqueue_dma source(%dma_start3A_11 : memref<128x128xf32, #tpu.memory_space<hbm>>) target(%dma_start3A_9 : memref<128x128xf32, #tpu.memory_space<vmem_shared>>) target_semaphore(%arg17 : memref<!tpu.dma_semaphore, #tpu.memory_space<semaphore_mem>>)
    %mul3A_12 = arith.constant 640 : i32
    %mul3A_13 = arith.muli %arg1, %mul3A_12 : i32
    %add3A_14 = arith.constant 128 : i32
    %add3A_15 = arith.addi %mul3A_13, %add3A_14 : i32
    %mul3A_16 = arith.constant 640 : i32
    %mul3A_17 = arith.muli %arg1, %mul3A_16 : i32
    %add3A_18 = arith.constant 128 : i32
    %add3A_19 = arith.addi %mul3A_17, %add3A_18 : i32
    %dma_start3A_20 = arith.constant 0 : i32
    %dma_start3A_21 = tpu.memref_slice %arg12[%add3A_19, %dma_start3A_20] : memref<10240x128xf32, #tpu.memory_space<vmem_shared>> -> memref<128x128xf32, #tpu.memory_space<vmem_shared>>
    %dma_start3A_22 = arith.constant 0 : i32
    %dma_start3A_23 = tpu.memref_slice %arg2[%add3A_15, %dma_start3A_22] : memref<10240x128xf32, #tpu.memory_space<hbm>> -> memref<128x128xf32, #tpu.memory_space<hbm>>
    tpu.enqueue_dma source(%dma_start3A_23 : memref<128x128xf32, #tpu.memory_space<hbm>>) target(%dma_start3A_21 : memref<128x128xf32, #tpu.memory_space<vmem_shared>>) target_semaphore(%arg17 : memref<!tpu.dma_semaphore, #tpu.memory_space<semaphore_mem>>)
    %mul3A_24 = arith.constant 640 : i32
    %mul3A_25 = arith.muli %arg1, %mul3A_24 : i32
    %add3A_26 = arith.constant 256 : i32
    %add3A_27 = arith.addi %mul3A_25, %add3A_26 : i32
    %mul3A_28 = arith.constant 640 : i32
    %mul3A_29 = arith.muli %arg1, %mul3A_28 : i32
    %add3A_30 = arith.constant 256 : i32
    %add3A_31 = arith.addi %mul3A_29, %add3A_30 : i32
    %dma_start3A_32 = arith.constant 0 : i32
    %dma_start3A_33 = tpu.memref_slice %arg12[%add3A_31, %dma_start3A_32] : memref<10240x128xf32, #tpu.memory_space<vmem_shared>> -> memref<128x128xf32, #tpu.memory_space<vmem_shared>>
    %dma_start3A_34 = arith.constant 0 : i32
    %dma_start3A_35 = tpu.memref_slice %arg2[%add3A_27, %dma_start3A_34] : memref<10240x128xf32, #tpu.memory_space<hbm>> -> memref<128x128xf32, #tpu.memory_space<hbm>>
    tpu.enqueue_dma source(%dma_start3A_35 : memref<128x128xf32, #tpu.memory_space<hbm>>) target(%dma_start3A_33 : memref<128x128xf32, #tpu.memory_space<vmem_shared>>) target_semaphore(%arg17 : memref<!tpu.dma_semaphore, #tpu.memory_space<semaphore_mem>>)
    %mul3A_36 = arith.constant 640 : i32
    %mul3A_37 = arith.muli %arg1, %mul3A_36 : i32
    %add3A_38 = arith.constant 384 : i32
    %add3A_39 = arith.addi %mul3A_37, %add3A_38 : i32
    %mul3A_40 = arith.constant 640 : i32
    %mul3A_41 = arith.muli %arg1, %mul3A_40 : i32
    %add3A_42 = arith.constant 384 : i32
    %add3A_43 = arith.addi %mul3A_41, %add3A_42 : i32
    %dma_start3A_44 = arith.constant 0 : i32
    %dma_start3A_45 = tpu.memref_slice %arg12[%add3A_43, %dma_start3A_44] : memref<10240x128xf32, #tpu.memory_space<vmem_shared>> -> memref<128x128xf32, #tpu.memory_space<vmem_shared>>
    %dma_start3A_46 = arith.constant 0 : i32
    %dma_start3A_47 = tpu.memref_slice %arg2[%add3A_39, %dma_start3A_46] : memref<10240x128xf32, #tpu.memory_space<hbm>> -> memref<128x128xf32, #tpu.memory_space<hbm>>
    tpu.enqueue_dma source(%dma_start3A_47 : memref<128x128xf32, #tpu.memory_space<hbm>>) target(%dma_start3A_45 : memref<128x128xf32, #tpu.memory_space<vmem_shared>>) target_semaphore(%arg17 : memref<!tpu.dma_semaphore, #tpu.memory_space<semaphore_mem>>)
    %mul3A_48 = arith.constant 640 : i32
    %mul3A_49 = arith.muli %arg1, %mul3A_48 : i32
    %add3A_50 = arith.constant 512 : i32
    %add3A_51 = arith.addi %mul3A_49, %add3A_50 : i32
    %mul3A_52 = arith.constant 640 : i32
    %mul3A_53 = arith.muli %arg1, %mul3A_52 : i32
    %add3A_54 = arith.constant 512 : i32
    %add3A_55 = arith.addi %mul3A_53, %add3A_54 : i32
    %dma_start3A_56 = arith.constant 0 : i32
    %dma_start3A_57 = tpu.memref_slice %arg12[%add3A_55, %dma_start3A_56] : memref<10240x128xf32, #tpu.memory_space<vmem_shared>> -> memref<128x128xf32, #tpu.memory_space<vmem_shared>>
    %dma_start3A_58 = arith.constant 0 : i32
    %dma_start3A_59 = tpu.memref_slice %arg2[%add3A_51, %dma_start3A_58] : memref<10240x128xf32, #tpu.memory_space<hbm>> -> memref<128x128xf32, #tpu.memory_space<hbm>>
    tpu.enqueue_dma source(%dma_start3A_59 : memref<128x128xf32, #tpu.memory_space<hbm>>) target(%dma_start3A_57 : memref<128x128xf32, #tpu.memory_space<vmem_shared>>) target_semaphore(%arg17 : memref<!tpu.dma_semaphore, #tpu.memory_space<semaphore_mem>>)
    %dma_wait3A = arith.constant 0 : i32
    %dma_wait3A_60 = tpu.memref_slice %arg12[%add3A_8, %dma_wait3A] : memref<10240x128xf32, #tpu.memory_space<vmem_shared>> -> memref<128x128xf32, #tpu.memory_space<vmem_shared>>
    %dma_wait3A_61 = arith.constant 0 : i32
    %dma_wait3A_62 = tpu.memref_slice %arg2[%add3A_4, %dma_wait3A_61] : memref<10240x128xf32, #tpu.memory_space<hbm>> -> memref<128x128xf32, #tpu.memory_space<hbm>>
    tpu.wait_dma2 semaphore(%arg17 : memref<!tpu.dma_semaphore, #tpu.memory_space<semaphore_mem>>) src(%dma_wait3A_62 : memref<128x128xf32, #tpu.memory_space<hbm>>) dst(%dma_wait3A_60 : memref<128x128xf32, #tpu.memory_space<vmem_shared>>)
    %dma_wait3A_63 = arith.constant 0 : i32
    %dma_wait3A_64 = tpu.memref_slice %arg12[%add3A_19, %dma_wait3A_63] : memref<10240x128xf32, #tpu.memory_space<vmem_shared>> -> memref<128x128xf32, #tpu.memory_space<vmem_shared>>
    %dma_wait3A_65 = arith.constant 0 : i32
    %dma_wait3A_66 = tpu.memref_slice %arg2[%add3A_15, %dma_wait3A_65] : memref<10240x128xf32, #tpu.memory_space<hbm>> -> memref<128x128xf32, #tpu.memory_space<hbm>>
    tpu.wait_dma2 semaphore(%arg17 : memref<!tpu.dma_semaphore, #tpu.memory_space<semaphore_mem>>) src(%dma_wait3A_66 : memref<128x128xf32, #tpu.memory_space<hbm>>) dst(%dma_wait3A_64 : memref<128x128xf32, #tpu.memory_space<vmem_shared>>)
    %dma_wait3A_67 = arith.constant 0 : i32
    %dma_wait3A_68 = tpu.memref_slice %arg12[%add3A_31, %dma_wait3A_67] : memref<10240x128xf32, #tpu.memory_space<vmem_shared>> -> memref<128x128xf32, #tpu.memory_space<vmem_shared>>
    %dma_wait3A_69 = arith.constant 0 : i32
    %dma_wait3A_70 = tpu.memref_slice %arg2[%add3A_27, %dma_wait3A_69] : memref<10240x128xf32, #tpu.memory_space<hbm>> -> memref<128x128xf32, #tpu.memory_space<hbm>>
    tpu.wait_dma2 semaphore(%arg17 : memref<!tpu.dma_semaphore, #tpu.memory_space<semaphore_mem>>) src(%dma_wait3A_70 : memref<128x128xf32, #tpu.memory_space<hbm>>) dst(%dma_wait3A_68 : memref<128x128xf32, #tpu.memory_space<vmem_shared>>)
    %dma_wait3A_71 = arith.constant 0 : i32
    %dma_wait3A_72 = tpu.memref_slice %arg12[%add3A_43, %dma_wait3A_71] : memref<10240x128xf32, #tpu.memory_space<vmem_shared>> -> memref<128x128xf32, #tpu.memory_space<vmem_shared>>
    %dma_wait3A_73 = arith.constant 0 : i32
    %dma_wait3A_74 = tpu.memref_slice %arg2[%add3A_39, %dma_wait3A_73] : memref<10240x128xf32, #tpu.memory_space<hbm>> -> memref<128x128xf32, #tpu.memory_space<hbm>>
    tpu.wait_dma2 semaphore(%arg17 : memref<!tpu.dma_semaphore, #tpu.memory_space<semaphore_mem>>) src(%dma_wait3A_74 : memref<128x128xf32, #tpu.memory_space<hbm>>) dst(%dma_wait3A_72 : memref<128x128xf32, #tpu.memory_space<vmem_shared>>)
    %dma_wait3A_75 = arith.constant 0 : i32
    %dma_wait3A_76 = tpu.memref_slice %arg12[%add3A_55, %dma_wait3A_75] : memref<10240x128xf32, #tpu.memory_space<vmem_shared>> -> memref<128x128xf32, #tpu.memory_space<vmem_shared>>
    %dma_wait3A_77 = arith.constant 0 : i32
    %dma_wait3A_78 = tpu.memref_slice %arg2[%add3A_51, %dma_wait3A_77] : memref<10240x128xf32, #tpu.memory_space<hbm>> -> memref<128x128xf32, #tpu.memory_space<hbm>>
    tpu.wait_dma2 semaphore(%arg17 : memref<!tpu.dma_semaphore, #tpu.memory_space<semaphore_mem>>) src(%dma_wait3A_78 : memref<128x128xf32, #tpu.memory_space<hbm>>) dst(%dma_wait3A_76 : memref<128x128xf32, #tpu.memory_space<vmem_shared>>)
    %barrier3A = arith.constant 0 : index
    tpu.barrier barrier_id(%barrier3A)
    %run_scoped3A = arith.constant 0 : i32
    "tpu.region"() ({
      %run_scoped3A_175 = tpu.sem_alloc : memref<!tpu.dma_semaphore, #tpu.memory_space<semaphore_mem>>
      %dma_start3A_176 = arith.constant 0 : i32
      %dma_start3A_177 = tpu.memref_slice %arg3[%add3A, %run_scoped3A, %dma_start3A_176] : memref<32x80x128xi32, #tpu.memory_space<hbm>> -> memref<1x1x128xi32, #tpu.memory_space<hbm>>
      %dma_start3A_178 = tpu.memref_squeeze %dma_start3A_177 : memref<1x1x128xi32, #tpu.memory_space<hbm>> -> memref<128xi32, #tpu.memory_space<hbm>>
      %dma_start3A_179 = arith.constant 0 : i32
      %dma_start3A_180 = tpu.memref_slice %arg3[%add3A, %run_scoped3A, %dma_start3A_179] : memref<32x80x128xi32, #tpu.memory_space<hbm>> -> memref<1x1x128xi32, #tpu.memory_space<hbm>>
      %dma_start3A_181 = tpu.memref_squeeze %dma_start3A_180 : memref<1x1x128xi32, #tpu.memory_space<hbm>> -> memref<128xi32, #tpu.memory_space<hbm>>
      tpu.enqueue_dma source(%dma_start3A_181 : memref<128xi32, #tpu.memory_space<hbm>>) target(%arg6 : memref<128xi32, #tpu.memory_space<vmem>>) target_semaphore(%run_scoped3A_175 : memref<!tpu.dma_semaphore, #tpu.memory_space<semaphore_mem>>)
      %dma_wait3A_182 = arith.constant 0 : i32
      %dma_wait3A_183 = tpu.memref_slice %arg3[%add3A, %run_scoped3A, %dma_wait3A_182] : memref<32x80x128xi32, #tpu.memory_space<hbm>> -> memref<1x1x128xi32, #tpu.memory_space<hbm>>
      %dma_wait3A_184 = tpu.memref_squeeze %dma_wait3A_183 : memref<1x1x128xi32, #tpu.memory_space<hbm>> -> memref<128xi32, #tpu.memory_space<hbm>>
      %dma_wait3A_185 = arith.constant 0 : i32
      %dma_wait3A_186 = tpu.memref_slice %arg3[%add3A, %run_scoped3A, %dma_wait3A_185] : memref<32x80x128xi32, #tpu.memory_space<hbm>> -> memref<1x1x128xi32, #tpu.memory_space<hbm>>
      %dma_wait3A_187 = tpu.memref_squeeze %dma_wait3A_186 : memref<1x1x128xi32, #tpu.memory_space<hbm>> -> memref<128xi32, #tpu.memory_space<hbm>>
      tpu.wait_dma2 semaphore(%run_scoped3A_175 : memref<!tpu.dma_semaphore, #tpu.memory_space<semaphore_mem>>) src(%dma_wait3A_187 : memref<128xi32, #tpu.memory_space<hbm>>) dst(%arg6 : memref<128xi32, #tpu.memory_space<vmem>>)
      tpu.yield
    }) : () -> ()
    %run_scoped3A_79 = arith.constant 0 : i32
    "tpu.region"() ({
      %run_scoped3A_175 = tpu.sem_alloc : memref<!tpu.dma_semaphore, #tpu.memory_space<semaphore_mem>>
      %dma_start3A_176 = arith.constant 0 : i32
      %dma_start3A_177 = tpu.memref_slice %arg4[%add3A, %run_scoped3A_79, %dma_start3A_176] : memref<32x80x128xi32, #tpu.memory_space<hbm>> -> memref<1x1x128xi32, #tpu.memory_space<hbm>>
      %dma_start3A_178 = tpu.memref_squeeze %dma_start3A_177 : memref<1x1x128xi32, #tpu.memory_space<hbm>> -> memref<128xi32, #tpu.memory_space<hbm>>
      %dma_start3A_179 = arith.constant 0 : i32
      %dma_start3A_180 = tpu.memref_slice %arg4[%add3A, %run_scoped3A_79, %dma_start3A_179] : memref<32x80x128xi32, #tpu.memory_space<hbm>> -> memref<1x1x128xi32, #tpu.memory_space<hbm>>
      %dma_start3A_181 = tpu.memref_squeeze %dma_start3A_180 : memref<1x1x128xi32, #tpu.memory_space<hbm>> -> memref<128xi32, #tpu.memory_space<hbm>>
      tpu.enqueue_dma source(%dma_start3A_181 : memref<128xi32, #tpu.memory_space<hbm>>) target(%arg7 : memref<128xi32, #tpu.memory_space<vmem>>) target_semaphore(%run_scoped3A_175 : memref<!tpu.dma_semaphore, #tpu.memory_space<semaphore_mem>>)
      %dma_wait3A_182 = arith.constant 0 : i32
      %dma_wait3A_183 = tpu.memref_slice %arg4[%add3A, %run_scoped3A_79, %dma_wait3A_182] : memref<32x80x128xi32, #tpu.memory_space<hbm>> -> memref<1x1x128xi32, #tpu.memory_space<hbm>>
      %dma_wait3A_184 = tpu.memref_squeeze %dma_wait3A_183 : memref<1x1x128xi32, #tpu.memory_space<hbm>> -> memref<128xi32, #tpu.memory_space<hbm>>
      %dma_wait3A_185 = arith.constant 0 : i32
      %dma_wait3A_186 = tpu.memref_slice %arg4[%add3A, %run_scoped3A_79, %dma_wait3A_185] : memref<32x80x128xi32, #tpu.memory_space<hbm>> -> memref<1x1x128xi32, #tpu.memory_space<hbm>>
      %dma_wait3A_187 = tpu.memref_squeeze %dma_wait3A_186 : memref<1x1x128xi32, #tpu.memory_space<hbm>> -> memref<128xi32, #tpu.memory_space<hbm>>
      tpu.wait_dma2 semaphore(%run_scoped3A_175 : memref<!tpu.dma_semaphore, #tpu.memory_space<semaphore_mem>>) src(%dma_wait3A_187 : memref<128xi32, #tpu.memory_space<hbm>>) dst(%arg7 : memref<128xi32, #tpu.memory_space<vmem>>)
      tpu.yield
    }) : () -> ()
    %scan3A = arith.constant 0 : i32
    %scan3A_80 = arith.constant 40 : i32
    %scan3A_81 = arith.addi %scan3A, %scan3A_80 : i32
    %scan3A_82 = arith.constant 1 : i32
    scf.for %scan3A_175 = %scan3A to %scan3A_81 step %scan3A_82  : i32 {
      %mul3A_176 = arith.constant 2 : i32
      %mul3A_177 = arith.muli %mul3A_176, %scan3A_175 : i32
      %dma_start3A_178 = arith.constant 0 : i32
      %dma_start3A_179 = arith.constant 0 : i32
      %dma_start3A_180 = tpu.memref_slice %arg2[%dma_start3A_178, %dma_start3A_179] : memref<10240x128xf32, #tpu.memory_space<hbm>> -> memref<10240x128xf32, #tpu.memory_space<hbm>>
      tpu.enqueue_indirect_dma source(%dma_start3A_180 : memref<10240x128xf32, #tpu.memory_space<hbm>>) target(%arg10 : memref<128x128xf32, #tpu.memory_space<vmem>>) offsets(%arg6 : memref<128xi32, #tpu.memory_space<vmem>>) semaphore(%arg13 : memref<!tpu.dma_semaphore, #tpu.memory_space<semaphore_mem>>)
      %add3A_181 = arith.constant 1 : i32
      %add3A_182 = arith.addi %mul3A_177, %add3A_181 : i32
      "tpu.region"() ({
        %run_scoped3A_233 = tpu.sem_alloc : memref<!tpu.dma_semaphore, #tpu.memory_space<semaphore_mem>>
        %dma_start3A_234 = arith.constant 0 : i32
        %dma_start3A_235 = tpu.memref_slice %arg3[%add3A, %add3A_182, %dma_start3A_234] : memref<32x80x128xi32, #tpu.memory_space<hbm>> -> memref<1x1x128xi32, #tpu.memory_space<hbm>>
        %dma_start3A_236 = tpu.memref_squeeze %dma_start3A_235 : memref<1x1x128xi32, #tpu.memory_space<hbm>> -> memref<128xi32, #tpu.memory_space<hbm>>
        %dma_start3A_237 = arith.constant 0 : i32
        %dma_start3A_238 = tpu.memref_slice %arg3[%add3A, %add3A_182, %dma_start3A_237] : memref<32x80x128xi32, #tpu.memory_space<hbm>> -> memref<1x1x128xi32, #tpu.memory_space<hbm>>
        %dma_start3A_239 = tpu.memref_squeeze %dma_start3A_238 : memref<1x1x128xi32, #tpu.memory_space<hbm>> -> memref<128xi32, #tpu.memory_space<hbm>>
        tpu.enqueue_dma source(%dma_start3A_239 : memref<128xi32, #tpu.memory_space<hbm>>) target(%arg8 : memref<128xi32, #tpu.memory_space<vmem>>) target_semaphore(%run_scoped3A_233 : memref<!tpu.dma_semaphore, #tpu.memory_space<semaphore_mem>>)
        %dma_wait3A_240 = arith.constant 0 : i32
        %dma_wait3A_241 = tpu.memref_slice %arg3[%add3A, %add3A_182, %dma_wait3A_240] : memref<32x80x128xi32, #tpu.memory_space<hbm>> -> memref<1x1x128xi32, #tpu.memory_space<hbm>>
        %dma_wait3A_242 = tpu.memref_squeeze %dma_wait3A_241 : memref<1x1x128xi32, #tpu.memory_space<hbm>> -> memref<128xi32, #tpu.memory_space<hbm>>
        %dma_wait3A_243 = arith.constant 0 : i32
        %dma_wait3A_244 = tpu.memref_slice %arg3[%add3A, %add3A_182, %dma_wait3A_243] : memref<32x80x128xi32, #tpu.memory_space<hbm>> -> memref<1x1x128xi32, #tpu.memory_space<hbm>>
        %dma_wait3A_245 = tpu.memref_squeeze %dma_wait3A_244 : memref<1x1x128xi32, #tpu.memory_space<hbm>> -> memref<128xi32, #tpu.memory_space<hbm>>
        tpu.wait_dma2 semaphore(%run_scoped3A_233 : memref<!tpu.dma_semaphore, #tpu.memory_space<semaphore_mem>>) src(%dma_wait3A_245 : memref<128xi32, #tpu.memory_space<hbm>>) dst(%arg8 : memref<128xi32, #tpu.memory_space<vmem>>)
        tpu.yield
      }) : () -> ()
      %add3A_183 = arith.constant 1 : i32
      %add3A_184 = arith.addi %mul3A_177, %add3A_183 : i32
      "tpu.region"() ({
        %run_scoped3A_233 = tpu.sem_alloc : memref<!tpu.dma_semaphore, #tpu.memory_space<semaphore_mem>>
        %dma_start3A_234 = arith.constant 0 : i32
        %dma_start3A_235 = tpu.memref_slice %arg4[%add3A, %add3A_184, %dma_start3A_234] : memref<32x80x128xi32, #tpu.memory_space<hbm>> -> memref<1x1x128xi32, #tpu.memory_space<hbm>>
        %dma_start3A_236 = tpu.memref_squeeze %dma_start3A_235 : memref<1x1x128xi32, #tpu.memory_space<hbm>> -> memref<128xi32, #tpu.memory_space<hbm>>
        %dma_start3A_237 = arith.constant 0 : i32
        %dma_start3A_238 = tpu.memref_slice %arg4[%add3A, %add3A_184, %dma_start3A_237] : memref<32x80x128xi32, #tpu.memory_space<hbm>> -> memref<1x1x128xi32, #tpu.memory_space<hbm>>
        %dma_start3A_239 = tpu.memref_squeeze %dma_start3A_238 : memref<1x1x128xi32, #tpu.memory_space<hbm>> -> memref<128xi32, #tpu.memory_space<hbm>>
        tpu.enqueue_dma source(%dma_start3A_239 : memref<128xi32, #tpu.memory_space<hbm>>) target(%arg9 : memref<128xi32, #tpu.memory_space<vmem>>) target_semaphore(%run_scoped3A_233 : memref<!tpu.dma_semaphore, #tpu.memory_space<semaphore_mem>>)
        %dma_wait3A_240 = arith.constant 0 : i32
        %dma_wait3A_241 = tpu.memref_slice %arg4[%add3A, %add3A_184, %dma_wait3A_240] : memref<32x80x128xi32, #tpu.memory_space<hbm>> -> memref<1x1x128xi32, #tpu.memory_space<hbm>>
        %dma_wait3A_242 = tpu.memref_squeeze %dma_wait3A_241 : memref<1x1x128xi32, #tpu.memory_space<hbm>> -> memref<128xi32, #tpu.memory_space<hbm>>
        %dma_wait3A_243 = arith.constant 0 : i32
        %dma_wait3A_244 = tpu.memref_slice %arg4[%add3A, %add3A_184, %dma_wait3A_243] : memref<32x80x128xi32, #tpu.memory_space<hbm>> -> memref<1x1x128xi32, #tpu.memory_space<hbm>>
        %dma_wait3A_245 = tpu.memref_squeeze %dma_wait3A_244 : memref<1x1x128xi32, #tpu.memory_space<hbm>> -> memref<128xi32, #tpu.memory_space<hbm>>
        tpu.wait_dma2 semaphore(%run_scoped3A_233 : memref<!tpu.dma_semaphore, #tpu.memory_space<semaphore_mem>>) src(%dma_wait3A_245 : memref<128xi32, #tpu.memory_space<hbm>>) dst(%arg9 : memref<128xi32, #tpu.memory_space<vmem>>)
        tpu.yield
      }) : () -> ()
      %dma_start3A_185 = arith.constant 0 : i32
      %dma_start3A_186 = arith.constant 0 : i32
      %dma_start3A_187 = tpu.memref_slice %arg2[%dma_start3A_185, %dma_start3A_186] : memref<10240x128xf32, #tpu.memory_space<hbm>> -> memref<10240x128xf32, #tpu.memory_space<hbm>>
      tpu.enqueue_indirect_dma source(%dma_start3A_187 : memref<10240x128xf32, #tpu.memory_space<hbm>>) target(%arg11 : memref<128x128xf32, #tpu.memory_space<vmem>>) offsets(%arg8 : memref<128xi32, #tpu.memory_space<vmem>>) semaphore(%arg14 : memref<!tpu.dma_semaphore, #tpu.memory_space<semaphore_mem>>)
      %dma_wait3A_188 = arith.constant 0 : i32
      %dma_wait3A_189 = arith.constant 0 : i32
      %dma_wait3A_190 = tpu.memref_slice %arg2[%dma_wait3A_188, %dma_wait3A_189] : memref<10240x128xf32, #tpu.memory_space<hbm>> -> memref<10240x128xf32, #tpu.memory_space<hbm>>
      tpu.wait_indirect_dma semaphore(%arg13 : memref<!tpu.dma_semaphore, #tpu.memory_space<semaphore_mem>>) src(%dma_wait3A_190 : memref<10240x128xf32, #tpu.memory_space<hbm>>) dst(%arg10 : memref<128x128xf32, #tpu.memory_space<vmem>>)
      %dma_start3A_191 = arith.constant 0 : i32
      %dma_start3A_192 = arith.constant 0 : i32
      %dma_start3A_193 = tpu.memref_slice %arg12[%dma_start3A_191, %dma_start3A_192] : memref<10240x128xf32, #tpu.memory_space<vmem_shared>> -> memref<10240x128xf32, #tpu.memory_space<vmem_shared>>
      tpu.enqueue_indirect_dma source(%arg10 : memref<128x128xf32, #tpu.memory_space<vmem>>) target(%dma_start3A_193 : memref<10240x128xf32, #tpu.memory_space<vmem_shared>>) offsets(%arg7 : memref<128xi32, #tpu.memory_space<vmem>>) semaphore(%arg15 : memref<!tpu.dma_semaphore, #tpu.memory_space<semaphore_mem>>) {add = true}
      %dma_wait3A_194 = arith.constant 0 : i32
      %dma_wait3A_195 = arith.constant 0 : i32
      %dma_wait3A_196 = tpu.memref_slice %arg2[%dma_wait3A_194, %dma_wait3A_195] : memref<10240x128xf32, #tpu.memory_space<hbm>> -> memref<10240x128xf32, #tpu.memory_space<hbm>>
      tpu.wait_indirect_dma semaphore(%arg14 : memref<!tpu.dma_semaphore, #tpu.memory_space<semaphore_mem>>) src(%dma_wait3A_196 : memref<10240x128xf32, #tpu.memory_space<hbm>>) dst(%arg11 : memref<128x128xf32, #tpu.memory_space<vmem>>)
      %dma_start3A_197 = arith.constant 0 : i32
      %dma_start3A_198 = arith.constant 0 : i32
      %dma_start3A_199 = tpu.memref_slice %arg12[%dma_start3A_197, %dma_start3A_198] : memref<10240x128xf32, #tpu.memory_space<vmem_shared>> -> memref<10240x128xf32, #tpu.memory_space<vmem_shared>>
      tpu.enqueue_indirect_dma source(%arg11 : memref<128x128xf32, #tpu.memory_space<vmem>>) target(%dma_start3A_199 : memref<10240x128xf32, #tpu.memory_space<vmem_shared>>) offsets(%arg9 : memref<128xi32, #tpu.memory_space<vmem>>) semaphore(%arg16 : memref<!tpu.dma_semaphore, #tpu.memory_space<semaphore_mem>>) {add = true}
      %dma_wait3A_200 = arith.constant 0 : i32
      %dma_wait3A_201 = arith.constant 0 : i32
      %dma_wait3A_202 = tpu.memref_slice %arg12[%dma_wait3A_200, %dma_wait3A_201] : memref<10240x128xf32, #tpu.memory_space<vmem_shared>> -> memref<10240x128xf32, #tpu.memory_space<vmem_shared>>
      tpu.wait_indirect_dma semaphore(%arg15 : memref<!tpu.dma_semaphore, #tpu.memory_space<semaphore_mem>>) src(%arg10 : memref<128x128xf32, #tpu.memory_space<vmem>>) dst(%dma_wait3A_202 : memref<10240x128xf32, #tpu.memory_space<vmem_shared>>)
      %add3A_203 = arith.constant 2 : i32
      %add3A_204 = arith.addi %mul3A_177, %add3A_203 : i32
      %min3A = arith.constant 79 : i32
      %min3A_205 = arith.minsi %add3A_204, %min3A : i32
      %dma_start3A_206 = arith.constant 0 : i32
      %dma_start3A_207 = tpu.memref_slice %arg3[%add3A, %min3A_205, %dma_start3A_206] : memref<32x80x128xi32, #tpu.memory_space<hbm>> -> memref<1x1x128xi32, #tpu.memory_space<hbm>>
      %dma_start3A_208 = tpu.memref_squeeze %dma_start3A_207 : memref<1x1x128xi32, #tpu.memory_space<hbm>> -> memref<128xi32, #tpu.memory_space<hbm>>
      %dma_start3A_209 = arith.constant 0 : i32
      %dma_start3A_210 = tpu.memref_slice %arg3[%add3A, %min3A_205, %dma_start3A_209] : memref<32x80x128xi32, #tpu.memory_space<hbm>> -> memref<1x1x128xi32, #tpu.memory_space<hbm>>
      %dma_start3A_211 = tpu.memref_squeeze %dma_start3A_210 : memref<1x1x128xi32, #tpu.memory_space<hbm>> -> memref<128xi32, #tpu.memory_space<hbm>>
      tpu.enqueue_dma source(%dma_start3A_211 : memref<128xi32, #tpu.memory_space<hbm>>) target(%arg6 : memref<128xi32, #tpu.memory_space<vmem>>) target_semaphore(%arg13 : memref<!tpu.dma_semaphore, #tpu.memory_space<semaphore_mem>>)
      %dma_start3A_212 = arith.constant 0 : i32
      %dma_start3A_213 = tpu.memref_slice %arg4[%add3A, %min3A_205, %dma_start3A_212] : memref<32x80x128xi32, #tpu.memory_space<hbm>> -> memref<1x1x128xi32, #tpu.memory_space<hbm>>
      %dma_start3A_214 = tpu.memref_squeeze %dma_start3A_213 : memref<1x1x128xi32, #tpu.memory_space<hbm>> -> memref<128xi32, #tpu.memory_space<hbm>>
      %dma_start3A_215 = arith.constant 0 : i32
      %dma_start3A_216 = tpu.memref_slice %arg4[%add3A, %min3A_205, %dma_start3A_215] : memref<32x80x128xi32, #tpu.memory_space<hbm>> -> memref<1x1x128xi32, #tpu.memory_space<hbm>>
      %dma_start3A_217 = tpu.memref_squeeze %dma_start3A_216 : memref<1x1x128xi32, #tpu.memory_space<hbm>> -> memref<128xi32, #tpu.memory_space<hbm>>
      tpu.enqueue_dma source(%dma_start3A_217 : memref<128xi32, #tpu.memory_space<hbm>>) target(%arg7 : memref<128xi32, #tpu.memory_space<vmem>>) target_semaphore(%arg14 : memref<!tpu.dma_semaphore, #tpu.memory_space<semaphore_mem>>)
      %dma_wait3A_218 = arith.constant 0 : i32
      %dma_wait3A_219 = arith.constant 0 : i32
      %dma_wait3A_220 = tpu.memref_slice %arg12[%dma_wait3A_218, %dma_wait3A_219] : memref<10240x128xf32, #tpu.memory_space<vmem_shared>> -> memref<10240x128xf32, #tpu.memory_space<vmem_shared>>
      tpu.wait_indirect_dma semaphore(%arg16 : memref<!tpu.dma_semaphore, #tpu.memory_space<semaphore_mem>>) src(%arg11 : memref<128x128xf32, #tpu.memory_space<vmem>>) dst(%dma_wait3A_220 : memref<10240x128xf32, #tpu.memory_space<vmem_shared>>)
      %dma_wait3A_221 = arith.constant 0 : i32
      %dma_wait3A_222 = tpu.memref_slice %arg3[%add3A, %min3A_205, %dma_wait3A_221] : memref<32x80x128xi32, #tpu.memory_space<hbm>> -> memref<1x1x128xi32, #tpu.memory_space<hbm>>
      %dma_wait3A_223 = tpu.memref_squeeze %dma_wait3A_222 : memref<1x1x128xi32, #tpu.memory_space<hbm>> -> memref<128xi32, #tpu.memory_space<hbm>>
      %dma_wait3A_224 = arith.constant 0 : i32
      %dma_wait3A_225 = tpu.memref_slice %arg3[%add3A, %min3A_205, %dma_wait3A_224] : memref<32x80x128xi32, #tpu.memory_space<hbm>> -> memref<1x1x128xi32, #tpu.memory_space<hbm>>
      %dma_wait3A_226 = tpu.memref_squeeze %dma_wait3A_225 : memref<1x1x128xi32, #tpu.memory_space<hbm>> -> memref<128xi32, #tpu.memory_space<hbm>>
      tpu.wait_dma2 semaphore(%arg13 : memref<!tpu.dma_semaphore, #tpu.memory_space<semaphore_mem>>) src(%dma_wait3A_226 : memref<128xi32, #tpu.memory_space<hbm>>) dst(%arg6 : memref<128xi32, #tpu.memory_space<vmem>>)
      %dma_wait3A_227 = arith.constant 0 : i32
      %dma_wait3A_228 = tpu.memref_slice %arg4[%add3A, %min3A_205, %dma_wait3A_227] : memref<32x80x128xi32, #tpu.memory_space<hbm>> -> memref<1x1x128xi32, #tpu.memory_space<hbm>>
      %dma_wait3A_229 = tpu.memref_squeeze %dma_wait3A_228 : memref<1x1x128xi32, #tpu.memory_space<hbm>> -> memref<128xi32, #tpu.memory_space<hbm>>
      %dma_wait3A_230 = arith.constant 0 : i32
      %dma_wait3A_231 = tpu.memref_slice %arg4[%add3A, %min3A_205, %dma_wait3A_230] : memref<32x80x128xi32, #tpu.memory_space<hbm>> -> memref<1x1x128xi32, #tpu.memory_space<hbm>>
      %dma_wait3A_232 = tpu.memref_squeeze %dma_wait3A_231 : memref<1x1x128xi32, #tpu.memory_space<hbm>> -> memref<128xi32, #tpu.memory_space<hbm>>
      tpu.wait_dma2 semaphore(%arg14 : memref<!tpu.dma_semaphore, #tpu.memory_space<semaphore_mem>>) src(%dma_wait3A_232 : memref<128xi32, #tpu.memory_space<hbm>>) dst(%arg7 : memref<128xi32, #tpu.memory_space<vmem>>)
    }
    %scan3A_83 = arith.constant 40 : i32
    %barrier3A_84 = arith.constant 0 : index
    tpu.barrier barrier_id(%barrier3A_84)
    %mul3A_85 = arith.constant 640 : i32
    %mul3A_86 = arith.muli %arg1, %mul3A_85 : i32
    %add3A_87 = arith.constant 0 : i32
    %add3A_88 = arith.addi %mul3A_86, %add3A_87 : i32
    %mul3A_89 = arith.constant 640 : i32
    %mul3A_90 = arith.muli %arg1, %mul3A_89 : i32
    %add3A_91 = arith.constant 0 : i32
    %add3A_92 = arith.addi %mul3A_90, %add3A_91 : i32
    %dma_start3A_93 = arith.constant 0 : i32
    %dma_start3A_94 = tpu.memref_slice %arg5[%arg0, %add3A_92, %dma_start3A_93] : memref<2x10240x128xf32, #tpu.memory_space<hbm>> -> memref<1x128x128xf32, #tpu.memory_space<hbm>>
    %dma_start3A_95 = tpu.memref_squeeze %dma_start3A_94 : memref<1x128x128xf32, #tpu.memory_space<hbm>> -> memref<128x128xf32, #tpu.memory_space<hbm>>
    %dma_start3A_96 = arith.constant 0 : i32
    %dma_start3A_97 = tpu.memref_slice %arg12[%add3A_88, %dma_start3A_96] : memref<10240x128xf32, #tpu.memory_space<vmem_shared>> -> memref<128x128xf32, #tpu.memory_space<vmem_shared>>
    tpu.enqueue_dma source(%dma_start3A_97 : memref<128x128xf32, #tpu.memory_space<vmem_shared>>) target(%dma_start3A_95 : memref<128x128xf32, #tpu.memory_space<hbm>>) target_semaphore(%arg17 : memref<!tpu.dma_semaphore, #tpu.memory_space<semaphore_mem>>)
    %mul3A_98 = arith.constant 640 : i32
    %mul3A_99 = arith.muli %arg1, %mul3A_98 : i32
    %add3A_100 = arith.constant 128 : i32
    %add3A_101 = arith.addi %mul3A_99, %add3A_100 : i32
    %mul3A_102 = arith.constant 640 : i32
    %mul3A_103 = arith.muli %arg1, %mul3A_102 : i32
    %add3A_104 = arith.constant 128 : i32
    %add3A_105 = arith.addi %mul3A_103, %add3A_104 : i32
    %dma_start3A_106 = arith.constant 0 : i32
    %dma_start3A_107 = tpu.memref_slice %arg5[%arg0, %add3A_105, %dma_start3A_106] : memref<2x10240x128xf32, #tpu.memory_space<hbm>> -> memref<1x128x128xf32, #tpu.memory_space<hbm>>
    %dma_start3A_108 = tpu.memref_squeeze %dma_start3A_107 : memref<1x128x128xf32, #tpu.memory_space<hbm>> -> memref<128x128xf32, #tpu.memory_space<hbm>>
    %dma_start3A_109 = arith.constant 0 : i32
    %dma_start3A_110 = tpu.memref_slice %arg12[%add3A_101, %dma_start3A_109] : memref<10240x128xf32, #tpu.memory_space<vmem_shared>> -> memref<128x128xf32, #tpu.memory_space<vmem_shared>>
    tpu.enqueue_dma source(%dma_start3A_110 : memref<128x128xf32, #tpu.memory_space<vmem_shared>>) target(%dma_start3A_108 : memref<128x128xf32, #tpu.memory_space<hbm>>) target_semaphore(%arg17 : memref<!tpu.dma_semaphore, #tpu.memory_space<semaphore_mem>>)
    %mul3A_111 = arith.constant 640 : i32
    %mul3A_112 = arith.muli %arg1, %mul3A_111 : i32
    %add3A_113 = arith.constant 256 : i32
    %add3A_114 = arith.addi %mul3A_112, %add3A_113 : i32
    %mul3A_115 = arith.constant 640 : i32
    %mul3A_116 = arith.muli %arg1, %mul3A_115 : i32
    %add3A_117 = arith.constant 256 : i32
    %add3A_118 = arith.addi %mul3A_116, %add3A_117 : i32
    %dma_start3A_119 = arith.constant 0 : i32
    %dma_start3A_120 = tpu.memref_slice %arg5[%arg0, %add3A_118, %dma_start3A_119] : memref<2x10240x128xf32, #tpu.memory_space<hbm>> -> memref<1x128x128xf32, #tpu.memory_space<hbm>>
    %dma_start3A_121 = tpu.memref_squeeze %dma_start3A_120 : memref<1x128x128xf32, #tpu.memory_space<hbm>> -> memref<128x128xf32, #tpu.memory_space<hbm>>
    %dma_start3A_122 = arith.constant 0 : i32
    %dma_start3A_123 = tpu.memref_slice %arg12[%add3A_114, %dma_start3A_122] : memref<10240x128xf32, #tpu.memory_space<vmem_shared>> -> memref<128x128xf32, #tpu.memory_space<vmem_shared>>
    tpu.enqueue_dma source(%dma_start3A_123 : memref<128x128xf32, #tpu.memory_space<vmem_shared>>) target(%dma_start3A_121 : memref<128x128xf32, #tpu.memory_space<hbm>>) target_semaphore(%arg17 : memref<!tpu.dma_semaphore, #tpu.memory_space<semaphore_mem>>)
    %mul3A_124 = arith.constant 640 : i32
    %mul3A_125 = arith.muli %arg1, %mul3A_124 : i32
    %add3A_126 = arith.constant 384 : i32
    %add3A_127 = arith.addi %mul3A_125, %add3A_126 : i32
    %mul3A_128 = arith.constant 640 : i32
    %mul3A_129 = arith.muli %arg1, %mul3A_128 : i32
    %add3A_130 = arith.constant 384 : i32
    %add3A_131 = arith.addi %mul3A_129, %add3A_130 : i32
    %dma_start3A_132 = arith.constant 0 : i32
    %dma_start3A_133 = tpu.memref_slice %arg5[%arg0, %add3A_131, %dma_start3A_132] : memref<2x10240x128xf32, #tpu.memory_space<hbm>> -> memref<1x128x128xf32, #tpu.memory_space<hbm>>
    %dma_start3A_134 = tpu.memref_squeeze %dma_start3A_133 : memref<1x128x128xf32, #tpu.memory_space<hbm>> -> memref<128x128xf32, #tpu.memory_space<hbm>>
    %dma_start3A_135 = arith.constant 0 : i32
    %dma_start3A_136 = tpu.memref_slice %arg12[%add3A_127, %dma_start3A_135] : memref<10240x128xf32, #tpu.memory_space<vmem_shared>> -> memref<128x128xf32, #tpu.memory_space<vmem_shared>>
    tpu.enqueue_dma source(%dma_start3A_136 : memref<128x128xf32, #tpu.memory_space<vmem_shared>>) target(%dma_start3A_134 : memref<128x128xf32, #tpu.memory_space<hbm>>) target_semaphore(%arg17 : memref<!tpu.dma_semaphore, #tpu.memory_space<semaphore_mem>>)
    %mul3A_137 = arith.constant 640 : i32
    %mul3A_138 = arith.muli %arg1, %mul3A_137 : i32
    %add3A_139 = arith.constant 512 : i32
    %add3A_140 = arith.addi %mul3A_138, %add3A_139 : i32
    %mul3A_141 = arith.constant 640 : i32
    %mul3A_142 = arith.muli %arg1, %mul3A_141 : i32
    %add3A_143 = arith.constant 512 : i32
    %add3A_144 = arith.addi %mul3A_142, %add3A_143 : i32
    %dma_start3A_145 = arith.constant 0 : i32
    %dma_start3A_146 = tpu.memref_slice %arg5[%arg0, %add3A_144, %dma_start3A_145] : memref<2x10240x128xf32, #tpu.memory_space<hbm>> -> memref<1x128x128xf32, #tpu.memory_space<hbm>>
    %dma_start3A_147 = tpu.memref_squeeze %dma_start3A_146 : memref<1x128x128xf32, #tpu.memory_space<hbm>> -> memref<128x128xf32, #tpu.memory_space<hbm>>
    %dma_start3A_148 = arith.constant 0 : i32
    %dma_start3A_149 = tpu.memref_slice %arg12[%add3A_140, %dma_start3A_148] : memref<10240x128xf32, #tpu.memory_space<vmem_shared>> -> memref<128x128xf32, #tpu.memory_space<vmem_shared>>
    tpu.enqueue_dma source(%dma_start3A_149 : memref<128x128xf32, #tpu.memory_space<vmem_shared>>) target(%dma_start3A_147 : memref<128x128xf32, #tpu.memory_space<hbm>>) target_semaphore(%arg17 : memref<!tpu.dma_semaphore, #tpu.memory_space<semaphore_mem>>)
    %dma_wait3A_150 = arith.constant 0 : i32
    %dma_wait3A_151 = tpu.memref_slice %arg5[%arg0, %add3A_92, %dma_wait3A_150] : memref<2x10240x128xf32, #tpu.memory_space<hbm>> -> memref<1x128x128xf32, #tpu.memory_space<hbm>>
    %dma_wait3A_152 = tpu.memref_squeeze %dma_wait3A_151 : memref<1x128x128xf32, #tpu.memory_space<hbm>> -> memref<128x128xf32, #tpu.memory_space<hbm>>
    %dma_wait3A_153 = arith.constant 0 : i32
    %dma_wait3A_154 = tpu.memref_slice %arg12[%add3A_88, %dma_wait3A_153] : memref<10240x128xf32, #tpu.memory_space<vmem_shared>> -> memref<128x128xf32, #tpu.memory_space<vmem_shared>>
    tpu.wait_dma2 semaphore(%arg17 : memref<!tpu.dma_semaphore, #tpu.memory_space<semaphore_mem>>) src(%dma_wait3A_154 : memref<128x128xf32, #tpu.memory_space<vmem_shared>>) dst(%dma_wait3A_152 : memref<128x128xf32, #tpu.memory_space<hbm>>)
    %dma_wait3A_155 = arith.constant 0 : i32
    %dma_wait3A_156 = tpu.memref_slice %arg5[%arg0, %add3A_105, %dma_wait3A_155] : memref<2x10240x128xf32, #tpu.memory_space<hbm>> -> memref<1x128x128xf32, #tpu.memory_space<hbm>>
    %dma_wait3A_157 = tpu.memref_squeeze %dma_wait3A_156 : memref<1x128x128xf32, #tpu.memory_space<hbm>> -> memref<128x128xf32, #tpu.memory_space<hbm>>
    %dma_wait3A_158 = arith.constant 0 : i32
    %dma_wait3A_159 = tpu.memref_slice %arg12[%add3A_101, %dma_wait3A_158] : memref<10240x128xf32, #tpu.memory_space<vmem_shared>> -> memref<128x128xf32, #tpu.memory_space<vmem_shared>>
    tpu.wait_dma2 semaphore(%arg17 : memref<!tpu.dma_semaphore, #tpu.memory_space<semaphore_mem>>) src(%dma_wait3A_159 : memref<128x128xf32, #tpu.memory_space<vmem_shared>>) dst(%dma_wait3A_157 : memref<128x128xf32, #tpu.memory_space<hbm>>)
    %dma_wait3A_160 = arith.constant 0 : i32
    %dma_wait3A_161 = tpu.memref_slice %arg5[%arg0, %add3A_118, %dma_wait3A_160] : memref<2x10240x128xf32, #tpu.memory_space<hbm>> -> memref<1x128x128xf32, #tpu.memory_space<hbm>>
    %dma_wait3A_162 = tpu.memref_squeeze %dma_wait3A_161 : memref<1x128x128xf32, #tpu.memory_space<hbm>> -> memref<128x128xf32, #tpu.memory_space<hbm>>
    %dma_wait3A_163 = arith.constant 0 : i32
    %dma_wait3A_164 = tpu.memref_slice %arg12[%add3A_114, %dma_wait3A_163] : memref<10240x128xf32, #tpu.memory_space<vmem_shared>> -> memref<128x128xf32, #tpu.memory_space<vmem_shared>>
    tpu.wait_dma2 semaphore(%arg17 : memref<!tpu.dma_semaphore, #tpu.memory_space<semaphore_mem>>) src(%dma_wait3A_164 : memref<128x128xf32, #tpu.memory_space<vmem_shared>>) dst(%dma_wait3A_162 : memref<128x128xf32, #tpu.memory_space<hbm>>)
    %dma_wait3A_165 = arith.constant 0 : i32
    %dma_wait3A_166 = tpu.memref_slice %arg5[%arg0, %add3A_131, %dma_wait3A_165] : memref<2x10240x128xf32, #tpu.memory_space<hbm>> -> memref<1x128x128xf32, #tpu.memory_space<hbm>>
    %dma_wait3A_167 = tpu.memref_squeeze %dma_wait3A_166 : memref<1x128x128xf32, #tpu.memory_space<hbm>> -> memref<128x128xf32, #tpu.memory_space<hbm>>
    %dma_wait3A_168 = arith.constant 0 : i32
    %dma_wait3A_169 = tpu.memref_slice %arg12[%add3A_127, %dma_wait3A_168] : memref<10240x128xf32, #tpu.memory_space<vmem_shared>> -> memref<128x128xf32, #tpu.memory_space<vmem_shared>>
    tpu.wait_dma2 semaphore(%arg17 : memref<!tpu.dma_semaphore, #tpu.memory_space<semaphore_mem>>) src(%dma_wait3A_169 : memref<128x128xf32, #tpu.memory_space<vmem_shared>>) dst(%dma_wait3A_167 : memref<128x128xf32, #tpu.memory_space<hbm>>)
    %dma_wait3A_170 = arith.constant 0 : i32
    %dma_wait3A_171 = tpu.memref_slice %arg5[%arg0, %add3A_144, %dma_wait3A_170] : memref<2x10240x128xf32, #tpu.memory_space<hbm>> -> memref<1x128x128xf32, #tpu.memory_space<hbm>>
    %dma_wait3A_172 = tpu.memref_squeeze %dma_wait3A_171 : memref<1x128x128xf32, #tpu.memory_space<hbm>> -> memref<128x128xf32, #tpu.memory_space<hbm>>
    %dma_wait3A_173 = arith.constant 0 : i32
    %dma_wait3A_174 = tpu.memref_slice %arg12[%add3A_140, %dma_wait3A_173] : memref<10240x128xf32, #tpu.memory_space<vmem_shared>> -> memref<128x128xf32, #tpu.memory_space<vmem_shared>>
    tpu.wait_dma2 semaphore(%arg17 : memref<!tpu.dma_semaphore, #tpu.memory_space<semaphore_mem>>) src(%dma_wait3A_174 : memref<128x128xf32, #tpu.memory_space<vmem_shared>>) dst(%dma_wait3A_172 : memref<128x128xf32, #tpu.memory_space<hbm>>)
    return
  }
}

#map = affine_map<(d0, d1) -> (0, 0)>
#map1 = affine_map<(d0, d1) -> (0, 0, 0)>
module attributes {stable_mosaic.version = 14 : i64} {
  func.func @_sc_agg_body(%arg0: i32, %arg1: i32, %arg2: memref<10240x128xf32, #tpu.memory_space<hbm>>, %arg3: memref<32x80x128xi32, #tpu.memory_space<hbm>>, %arg4: memref<32x80x128xi32, #tpu.memory_space<hbm>>, %arg5: memref<2x10240x128xf32, #tpu.memory_space<hbm>>, %arg6: memref<128xi32, #tpu.memory_space<vmem>>, %arg7: memref<128xi32, #tpu.memory_space<vmem>>, %arg8: memref<128xi32, #tpu.memory_space<vmem>>, %arg9: memref<128xi32, #tpu.memory_space<vmem>>, %arg10: memref<128x128xf32, #tpu.memory_space<vmem>>, %arg11: memref<128x128xf32, #tpu.memory_space<vmem>>, %arg12: memref<10240x128xf32, #tpu.memory_space<vmem_shared>>, %arg13: memref<!tpu.dma_semaphore, #tpu.memory_space<semaphore_mem>>, %arg14: memref<!tpu.dma_semaphore, #tpu.memory_space<semaphore_mem>>, %arg15: memref<!tpu.dma_semaphore, #tpu.memory_space<semaphore_mem>>, %arg16: memref<!tpu.dma_semaphore, #tpu.memory_space<semaphore_mem>>, %arg17: memref<!tpu.dma_semaphore, #tpu.memory_space<semaphore_mem>>) attributes {dimension_semantics = [#tpu.dimension_semantics<core_parallel>, #tpu.dimension_semantics<subcore_parallel>], iteration_bounds = array<i64: 2, 16>, scalar_prefetch = 0 : i64, scratch_operands = 12 : i64, tpu.core_type = #tpu.core_type<sc_vector_subcore>, window_params = [{transform_indices = #map}, {transform_indices = #map1}, {transform_indices = #map1}, {transform_indices = #map1}]} {
    %mul3A = arith.constant 16 : i32
    %mul3A_0 = arith.muli %arg0, %mul3A : i32
    %add3A = arith.addi %mul3A_0, %arg1 : i32
    %mul3A_1 = arith.constant 640 : i32
    %mul3A_2 = arith.muli %arg1, %mul3A_1 : i32
    %add3A_3 = arith.constant 0 : i32
    %add3A_4 = arith.addi %mul3A_2, %add3A_3 : i32
    %mul3A_5 = arith.constant 640 : i32
    %mul3A_6 = arith.muli %arg1, %mul3A_5 : i32
    %add3A_7 = arith.constant 0 : i32
    %add3A_8 = arith.addi %mul3A_6, %add3A_7 : i32
    %dma_start3A = arith.constant 0 : i32
    %dma_start3A_9 = tpu.memref_slice %arg12[%add3A_8, %dma_start3A] : memref<10240x128xf32, #tpu.memory_space<vmem_shared>> -> memref<128x128xf32, #tpu.memory_space<vmem_shared>>
    %dma_start3A_10 = arith.constant 0 : i32
    %dma_start3A_11 = tpu.memref_slice %arg2[%add3A_4, %dma_start3A_10] : memref<10240x128xf32, #tpu.memory_space<hbm>> -> memref<128x128xf32, #tpu.memory_space<hbm>>
    tpu.enqueue_dma source(%dma_start3A_11 : memref<128x128xf32, #tpu.memory_space<hbm>>) target(%dma_start3A_9 : memref<128x128xf32, #tpu.memory_space<vmem_shared>>) target_semaphore(%arg17 : memref<!tpu.dma_semaphore, #tpu.memory_space<semaphore_mem>>)
    %mul3A_12 = arith.constant 640 : i32
    %mul3A_13 = arith.muli %arg1, %mul3A_12 : i32
    %add3A_14 = arith.constant 128 : i32
    %add3A_15 = arith.addi %mul3A_13, %add3A_14 : i32
    %mul3A_16 = arith.constant 640 : i32
    %mul3A_17 = arith.muli %arg1, %mul3A_16 : i32
    %add3A_18 = arith.constant 128 : i32
    %add3A_19 = arith.addi %mul3A_17, %add3A_18 : i32
    %dma_start3A_20 = arith.constant 0 : i32
    %dma_start3A_21 = tpu.memref_slice %arg12[%add3A_19, %dma_start3A_20] : memref<10240x128xf32, #tpu.memory_space<vmem_shared>> -> memref<128x128xf32, #tpu.memory_space<vmem_shared>>
    %dma_start3A_22 = arith.constant 0 : i32
    %dma_start3A_23 = tpu.memref_slice %arg2[%add3A_15, %dma_start3A_22] : memref<10240x128xf32, #tpu.memory_space<hbm>> -> memref<128x128xf32, #tpu.memory_space<hbm>>
    tpu.enqueue_dma source(%dma_start3A_23 : memref<128x128xf32, #tpu.memory_space<hbm>>) target(%dma_start3A_21 : memref<128x128xf32, #tpu.memory_space<vmem_shared>>) target_semaphore(%arg17 : memref<!tpu.dma_semaphore, #tpu.memory_space<semaphore_mem>>)
    %mul3A_24 = arith.constant 640 : i32
    %mul3A_25 = arith.muli %arg1, %mul3A_24 : i32
    %add3A_26 = arith.constant 256 : i32
    %add3A_27 = arith.addi %mul3A_25, %add3A_26 : i32
    %mul3A_28 = arith.constant 640 : i32
    %mul3A_29 = arith.muli %arg1, %mul3A_28 : i32
    %add3A_30 = arith.constant 256 : i32
    %add3A_31 = arith.addi %mul3A_29, %add3A_30 : i32
    %dma_start3A_32 = arith.constant 0 : i32
    %dma_start3A_33 = tpu.memref_slice %arg12[%add3A_31, %dma_start3A_32] : memref<10240x128xf32, #tpu.memory_space<vmem_shared>> -> memref<128x128xf32, #tpu.memory_space<vmem_shared>>
    %dma_start3A_34 = arith.constant 0 : i32
    %dma_start3A_35 = tpu.memref_slice %arg2[%add3A_27, %dma_start3A_34] : memref<10240x128xf32, #tpu.memory_space<hbm>> -> memref<128x128xf32, #tpu.memory_space<hbm>>
    tpu.enqueue_dma source(%dma_start3A_35 : memref<128x128xf32, #tpu.memory_space<hbm>>) target(%dma_start3A_33 : memref<128x128xf32, #tpu.memory_space<vmem_shared>>) target_semaphore(%arg17 : memref<!tpu.dma_semaphore, #tpu.memory_space<semaphore_mem>>)
    %mul3A_36 = arith.constant 640 : i32
    %mul3A_37 = arith.muli %arg1, %mul3A_36 : i32
    %add3A_38 = arith.constant 384 : i32
    %add3A_39 = arith.addi %mul3A_37, %add3A_38 : i32
    %mul3A_40 = arith.constant 640 : i32
    %mul3A_41 = arith.muli %arg1, %mul3A_40 : i32
    %add3A_42 = arith.constant 384 : i32
    %add3A_43 = arith.addi %mul3A_41, %add3A_42 : i32
    %dma_start3A_44 = arith.constant 0 : i32
    %dma_start3A_45 = tpu.memref_slice %arg12[%add3A_43, %dma_start3A_44] : memref<10240x128xf32, #tpu.memory_space<vmem_shared>> -> memref<128x128xf32, #tpu.memory_space<vmem_shared>>
    %dma_start3A_46 = arith.constant 0 : i32
    %dma_start3A_47 = tpu.memref_slice %arg2[%add3A_39, %dma_start3A_46] : memref<10240x128xf32, #tpu.memory_space<hbm>> -> memref<128x128xf32, #tpu.memory_space<hbm>>
    tpu.enqueue_dma source(%dma_start3A_47 : memref<128x128xf32, #tpu.memory_space<hbm>>) target(%dma_start3A_45 : memref<128x128xf32, #tpu.memory_space<vmem_shared>>) target_semaphore(%arg17 : memref<!tpu.dma_semaphore, #tpu.memory_space<semaphore_mem>>)
    %mul3A_48 = arith.constant 640 : i32
    %mul3A_49 = arith.muli %arg1, %mul3A_48 : i32
    %add3A_50 = arith.constant 512 : i32
    %add3A_51 = arith.addi %mul3A_49, %add3A_50 : i32
    %mul3A_52 = arith.constant 640 : i32
    %mul3A_53 = arith.muli %arg1, %mul3A_52 : i32
    %add3A_54 = arith.constant 512 : i32
    %add3A_55 = arith.addi %mul3A_53, %add3A_54 : i32
    %dma_start3A_56 = arith.constant 0 : i32
    %dma_start3A_57 = tpu.memref_slice %arg12[%add3A_55, %dma_start3A_56] : memref<10240x128xf32, #tpu.memory_space<vmem_shared>> -> memref<128x128xf32, #tpu.memory_space<vmem_shared>>
    %dma_start3A_58 = arith.constant 0 : i32
    %dma_start3A_59 = tpu.memref_slice %arg2[%add3A_51, %dma_start3A_58] : memref<10240x128xf32, #tpu.memory_space<hbm>> -> memref<128x128xf32, #tpu.memory_space<hbm>>
    tpu.enqueue_dma source(%dma_start3A_59 : memref<128x128xf32, #tpu.memory_space<hbm>>) target(%dma_start3A_57 : memref<128x128xf32, #tpu.memory_space<vmem_shared>>) target_semaphore(%arg17 : memref<!tpu.dma_semaphore, #tpu.memory_space<semaphore_mem>>)
    %dma_wait3A = arith.constant 0 : i32
    %dma_wait3A_60 = tpu.memref_slice %arg12[%add3A_8, %dma_wait3A] : memref<10240x128xf32, #tpu.memory_space<vmem_shared>> -> memref<128x128xf32, #tpu.memory_space<vmem_shared>>
    %dma_wait3A_61 = arith.constant 0 : i32
    %dma_wait3A_62 = tpu.memref_slice %arg2[%add3A_4, %dma_wait3A_61] : memref<10240x128xf32, #tpu.memory_space<hbm>> -> memref<128x128xf32, #tpu.memory_space<hbm>>
    tpu.wait_dma2 semaphore(%arg17 : memref<!tpu.dma_semaphore, #tpu.memory_space<semaphore_mem>>) src(%dma_wait3A_62 : memref<128x128xf32, #tpu.memory_space<hbm>>) dst(%dma_wait3A_60 : memref<128x128xf32, #tpu.memory_space<vmem_shared>>)
    %dma_wait3A_63 = arith.constant 0 : i32
    %dma_wait3A_64 = tpu.memref_slice %arg12[%add3A_19, %dma_wait3A_63] : memref<10240x128xf32, #tpu.memory_space<vmem_shared>> -> memref<128x128xf32, #tpu.memory_space<vmem_shared>>
    %dma_wait3A_65 = arith.constant 0 : i32
    %dma_wait3A_66 = tpu.memref_slice %arg2[%add3A_15, %dma_wait3A_65] : memref<10240x128xf32, #tpu.memory_space<hbm>> -> memref<128x128xf32, #tpu.memory_space<hbm>>
    tpu.wait_dma2 semaphore(%arg17 : memref<!tpu.dma_semaphore, #tpu.memory_space<semaphore_mem>>) src(%dma_wait3A_66 : memref<128x128xf32, #tpu.memory_space<hbm>>) dst(%dma_wait3A_64 : memref<128x128xf32, #tpu.memory_space<vmem_shared>>)
    %dma_wait3A_67 = arith.constant 0 : i32
    %dma_wait3A_68 = tpu.memref_slice %arg12[%add3A_31, %dma_wait3A_67] : memref<10240x128xf32, #tpu.memory_space<vmem_shared>> -> memref<128x128xf32, #tpu.memory_space<vmem_shared>>
    %dma_wait3A_69 = arith.constant 0 : i32
    %dma_wait3A_70 = tpu.memref_slice %arg2[%add3A_27, %dma_wait3A_69] : memref<10240x128xf32, #tpu.memory_space<hbm>> -> memref<128x128xf32, #tpu.memory_space<hbm>>
    tpu.wait_dma2 semaphore(%arg17 : memref<!tpu.dma_semaphore, #tpu.memory_space<semaphore_mem>>) src(%dma_wait3A_70 : memref<128x128xf32, #tpu.memory_space<hbm>>) dst(%dma_wait3A_68 : memref<128x128xf32, #tpu.memory_space<vmem_shared>>)
    %dma_wait3A_71 = arith.constant 0 : i32
    %dma_wait3A_72 = tpu.memref_slice %arg12[%add3A_43, %dma_wait3A_71] : memref<10240x128xf32, #tpu.memory_space<vmem_shared>> -> memref<128x128xf32, #tpu.memory_space<vmem_shared>>
    %dma_wait3A_73 = arith.constant 0 : i32
    %dma_wait3A_74 = tpu.memref_slice %arg2[%add3A_39, %dma_wait3A_73] : memref<10240x128xf32, #tpu.memory_space<hbm>> -> memref<128x128xf32, #tpu.memory_space<hbm>>
    tpu.wait_dma2 semaphore(%arg17 : memref<!tpu.dma_semaphore, #tpu.memory_space<semaphore_mem>>) src(%dma_wait3A_74 : memref<128x128xf32, #tpu.memory_space<hbm>>) dst(%dma_wait3A_72 : memref<128x128xf32, #tpu.memory_space<vmem_shared>>)
    %dma_wait3A_75 = arith.constant 0 : i32
    %dma_wait3A_76 = tpu.memref_slice %arg12[%add3A_55, %dma_wait3A_75] : memref<10240x128xf32, #tpu.memory_space<vmem_shared>> -> memref<128x128xf32, #tpu.memory_space<vmem_shared>>
    %dma_wait3A_77 = arith.constant 0 : i32
    %dma_wait3A_78 = tpu.memref_slice %arg2[%add3A_51, %dma_wait3A_77] : memref<10240x128xf32, #tpu.memory_space<hbm>> -> memref<128x128xf32, #tpu.memory_space<hbm>>
    tpu.wait_dma2 semaphore(%arg17 : memref<!tpu.dma_semaphore, #tpu.memory_space<semaphore_mem>>) src(%dma_wait3A_78 : memref<128x128xf32, #tpu.memory_space<hbm>>) dst(%dma_wait3A_76 : memref<128x128xf32, #tpu.memory_space<vmem_shared>>)
    %barrier3A = arith.constant 0 : index
    tpu.barrier barrier_id(%barrier3A)
    %run_scoped3A = arith.constant 0 : i32
    "tpu.region"() ({
      %run_scoped3A_175 = tpu.sem_alloc : memref<!tpu.dma_semaphore, #tpu.memory_space<semaphore_mem>>
      %dma_start3A_176 = arith.constant 0 : i32
      %dma_start3A_177 = tpu.memref_slice %arg3[%add3A, %run_scoped3A, %dma_start3A_176] : memref<32x80x128xi32, #tpu.memory_space<hbm>> -> memref<1x1x128xi32, #tpu.memory_space<hbm>>
      %dma_start3A_178 = tpu.memref_squeeze %dma_start3A_177 : memref<1x1x128xi32, #tpu.memory_space<hbm>> -> memref<128xi32, #tpu.memory_space<hbm>>
      %dma_start3A_179 = arith.constant 0 : i32
      %dma_start3A_180 = tpu.memref_slice %arg3[%add3A, %run_scoped3A, %dma_start3A_179] : memref<32x80x128xi32, #tpu.memory_space<hbm>> -> memref<1x1x128xi32, #tpu.memory_space<hbm>>
      %dma_start3A_181 = tpu.memref_squeeze %dma_start3A_180 : memref<1x1x128xi32, #tpu.memory_space<hbm>> -> memref<128xi32, #tpu.memory_space<hbm>>
      tpu.enqueue_dma source(%dma_start3A_181 : memref<128xi32, #tpu.memory_space<hbm>>) target(%arg6 : memref<128xi32, #tpu.memory_space<vmem>>) target_semaphore(%run_scoped3A_175 : memref<!tpu.dma_semaphore, #tpu.memory_space<semaphore_mem>>)
      %dma_wait3A_182 = arith.constant 0 : i32
      %dma_wait3A_183 = tpu.memref_slice %arg3[%add3A, %run_scoped3A, %dma_wait3A_182] : memref<32x80x128xi32, #tpu.memory_space<hbm>> -> memref<1x1x128xi32, #tpu.memory_space<hbm>>
      %dma_wait3A_184 = tpu.memref_squeeze %dma_wait3A_183 : memref<1x1x128xi32, #tpu.memory_space<hbm>> -> memref<128xi32, #tpu.memory_space<hbm>>
      %dma_wait3A_185 = arith.constant 0 : i32
      %dma_wait3A_186 = tpu.memref_slice %arg3[%add3A, %run_scoped3A, %dma_wait3A_185] : memref<32x80x128xi32, #tpu.memory_space<hbm>> -> memref<1x1x128xi32, #tpu.memory_space<hbm>>
      %dma_wait3A_187 = tpu.memref_squeeze %dma_wait3A_186 : memref<1x1x128xi32, #tpu.memory_space<hbm>> -> memref<128xi32, #tpu.memory_space<hbm>>
      tpu.wait_dma2 semaphore(%run_scoped3A_175 : memref<!tpu.dma_semaphore, #tpu.memory_space<semaphore_mem>>) src(%dma_wait3A_187 : memref<128xi32, #tpu.memory_space<hbm>>) dst(%arg6 : memref<128xi32, #tpu.memory_space<vmem>>)
      tpu.yield
    }) : () -> ()
    %run_scoped3A_79 = arith.constant 0 : i32
    "tpu.region"() ({
      %run_scoped3A_175 = tpu.sem_alloc : memref<!tpu.dma_semaphore, #tpu.memory_space<semaphore_mem>>
      %dma_start3A_176 = arith.constant 0 : i32
      %dma_start3A_177 = tpu.memref_slice %arg4[%add3A, %run_scoped3A_79, %dma_start3A_176] : memref<32x80x128xi32, #tpu.memory_space<hbm>> -> memref<1x1x128xi32, #tpu.memory_space<hbm>>
      %dma_start3A_178 = tpu.memref_squeeze %dma_start3A_177 : memref<1x1x128xi32, #tpu.memory_space<hbm>> -> memref<128xi32, #tpu.memory_space<hbm>>
      %dma_start3A_179 = arith.constant 0 : i32
      %dma_start3A_180 = tpu.memref_slice %arg4[%add3A, %run_scoped3A_79, %dma_start3A_179] : memref<32x80x128xi32, #tpu.memory_space<hbm>> -> memref<1x1x128xi32, #tpu.memory_space<hbm>>
      %dma_start3A_181 = tpu.memref_squeeze %dma_start3A_180 : memref<1x1x128xi32, #tpu.memory_space<hbm>> -> memref<128xi32, #tpu.memory_space<hbm>>
      tpu.enqueue_dma source(%dma_start3A_181 : memref<128xi32, #tpu.memory_space<hbm>>) target(%arg7 : memref<128xi32, #tpu.memory_space<vmem>>) target_semaphore(%run_scoped3A_175 : memref<!tpu.dma_semaphore, #tpu.memory_space<semaphore_mem>>)
      %dma_wait3A_182 = arith.constant 0 : i32
      %dma_wait3A_183 = tpu.memref_slice %arg4[%add3A, %run_scoped3A_79, %dma_wait3A_182] : memref<32x80x128xi32, #tpu.memory_space<hbm>> -> memref<1x1x128xi32, #tpu.memory_space<hbm>>
      %dma_wait3A_184 = tpu.memref_squeeze %dma_wait3A_183 : memref<1x1x128xi32, #tpu.memory_space<hbm>> -> memref<128xi32, #tpu.memory_space<hbm>>
      %dma_wait3A_185 = arith.constant 0 : i32
      %dma_wait3A_186 = tpu.memref_slice %arg4[%add3A, %run_scoped3A_79, %dma_wait3A_185] : memref<32x80x128xi32, #tpu.memory_space<hbm>> -> memref<1x1x128xi32, #tpu.memory_space<hbm>>
      %dma_wait3A_187 = tpu.memref_squeeze %dma_wait3A_186 : memref<1x1x128xi32, #tpu.memory_space<hbm>> -> memref<128xi32, #tpu.memory_space<hbm>>
      tpu.wait_dma2 semaphore(%run_scoped3A_175 : memref<!tpu.dma_semaphore, #tpu.memory_space<semaphore_mem>>) src(%dma_wait3A_187 : memref<128xi32, #tpu.memory_space<hbm>>) dst(%arg7 : memref<128xi32, #tpu.memory_space<vmem>>)
      tpu.yield
    }) : () -> ()
    %scan3A = arith.constant 0 : i32
    %scan3A_80 = arith.constant 40 : i32
    %scan3A_81 = arith.addi %scan3A, %scan3A_80 : i32
    %scan3A_82 = arith.constant 1 : i32
    scf.for %scan3A_175 = %scan3A to %scan3A_81 step %scan3A_82  : i32 {
      %mul3A_176 = arith.constant 2 : i32
      %mul3A_177 = arith.muli %mul3A_176, %scan3A_175 : i32
      %dma_start3A_178 = arith.constant 0 : i32
      %dma_start3A_179 = arith.constant 0 : i32
      %dma_start3A_180 = tpu.memref_slice %arg2[%dma_start3A_178, %dma_start3A_179] : memref<10240x128xf32, #tpu.memory_space<hbm>> -> memref<10240x128xf32, #tpu.memory_space<hbm>>
      tpu.enqueue_indirect_dma source(%dma_start3A_180 : memref<10240x128xf32, #tpu.memory_space<hbm>>) target(%arg10 : memref<128x128xf32, #tpu.memory_space<vmem>>) offsets(%arg6 : memref<128xi32, #tpu.memory_space<vmem>>) semaphore(%arg13 : memref<!tpu.dma_semaphore, #tpu.memory_space<semaphore_mem>>)
      %add3A_181 = arith.constant 1 : i32
      %add3A_182 = arith.addi %mul3A_177, %add3A_181 : i32
      "tpu.region"() ({
        %run_scoped3A_233 = tpu.sem_alloc : memref<!tpu.dma_semaphore, #tpu.memory_space<semaphore_mem>>
        %dma_start3A_234 = arith.constant 0 : i32
        %dma_start3A_235 = tpu.memref_slice %arg3[%add3A, %add3A_182, %dma_start3A_234] : memref<32x80x128xi32, #tpu.memory_space<hbm>> -> memref<1x1x128xi32, #tpu.memory_space<hbm>>
        %dma_start3A_236 = tpu.memref_squeeze %dma_start3A_235 : memref<1x1x128xi32, #tpu.memory_space<hbm>> -> memref<128xi32, #tpu.memory_space<hbm>>
        %dma_start3A_237 = arith.constant 0 : i32
        %dma_start3A_238 = tpu.memref_slice %arg3[%add3A, %add3A_182, %dma_start3A_237] : memref<32x80x128xi32, #tpu.memory_space<hbm>> -> memref<1x1x128xi32, #tpu.memory_space<hbm>>
        %dma_start3A_239 = tpu.memref_squeeze %dma_start3A_238 : memref<1x1x128xi32, #tpu.memory_space<hbm>> -> memref<128xi32, #tpu.memory_space<hbm>>
        tpu.enqueue_dma source(%dma_start3A_239 : memref<128xi32, #tpu.memory_space<hbm>>) target(%arg8 : memref<128xi32, #tpu.memory_space<vmem>>) target_semaphore(%run_scoped3A_233 : memref<!tpu.dma_semaphore, #tpu.memory_space<semaphore_mem>>)
        %dma_wait3A_240 = arith.constant 0 : i32
        %dma_wait3A_241 = tpu.memref_slice %arg3[%add3A, %add3A_182, %dma_wait3A_240] : memref<32x80x128xi32, #tpu.memory_space<hbm>> -> memref<1x1x128xi32, #tpu.memory_space<hbm>>
        %dma_wait3A_242 = tpu.memref_squeeze %dma_wait3A_241 : memref<1x1x128xi32, #tpu.memory_space<hbm>> -> memref<128xi32, #tpu.memory_space<hbm>>
        %dma_wait3A_243 = arith.constant 0 : i32
        %dma_wait3A_244 = tpu.memref_slice %arg3[%add3A, %add3A_182, %dma_wait3A_243] : memref<32x80x128xi32, #tpu.memory_space<hbm>> -> memref<1x1x128xi32, #tpu.memory_space<hbm>>
        %dma_wait3A_245 = tpu.memref_squeeze %dma_wait3A_244 : memref<1x1x128xi32, #tpu.memory_space<hbm>> -> memref<128xi32, #tpu.memory_space<hbm>>
        tpu.wait_dma2 semaphore(%run_scoped3A_233 : memref<!tpu.dma_semaphore, #tpu.memory_space<semaphore_mem>>) src(%dma_wait3A_245 : memref<128xi32, #tpu.memory_space<hbm>>) dst(%arg8 : memref<128xi32, #tpu.memory_space<vmem>>)
        tpu.yield
      }) : () -> ()
      %add3A_183 = arith.constant 1 : i32
      %add3A_184 = arith.addi %mul3A_177, %add3A_183 : i32
      "tpu.region"() ({
        %run_scoped3A_233 = tpu.sem_alloc : memref<!tpu.dma_semaphore, #tpu.memory_space<semaphore_mem>>
        %dma_start3A_234 = arith.constant 0 : i32
        %dma_start3A_235 = tpu.memref_slice %arg4[%add3A, %add3A_184, %dma_start3A_234] : memref<32x80x128xi32, #tpu.memory_space<hbm>> -> memref<1x1x128xi32, #tpu.memory_space<hbm>>
        %dma_start3A_236 = tpu.memref_squeeze %dma_start3A_235 : memref<1x1x128xi32, #tpu.memory_space<hbm>> -> memref<128xi32, #tpu.memory_space<hbm>>
        %dma_start3A_237 = arith.constant 0 : i32
        %dma_start3A_238 = tpu.memref_slice %arg4[%add3A, %add3A_184, %dma_start3A_237] : memref<32x80x128xi32, #tpu.memory_space<hbm>> -> memref<1x1x128xi32, #tpu.memory_space<hbm>>
        %dma_start3A_239 = tpu.memref_squeeze %dma_start3A_238 : memref<1x1x128xi32, #tpu.memory_space<hbm>> -> memref<128xi32, #tpu.memory_space<hbm>>
        tpu.enqueue_dma source(%dma_start3A_239 : memref<128xi32, #tpu.memory_space<hbm>>) target(%arg9 : memref<128xi32, #tpu.memory_space<vmem>>) target_semaphore(%run_scoped3A_233 : memref<!tpu.dma_semaphore, #tpu.memory_space<semaphore_mem>>)
        %dma_wait3A_240 = arith.constant 0 : i32
        %dma_wait3A_241 = tpu.memref_slice %arg4[%add3A, %add3A_184, %dma_wait3A_240] : memref<32x80x128xi32, #tpu.memory_space<hbm>> -> memref<1x1x128xi32, #tpu.memory_space<hbm>>
        %dma_wait3A_242 = tpu.memref_squeeze %dma_wait3A_241 : memref<1x1x128xi32, #tpu.memory_space<hbm>> -> memref<128xi32, #tpu.memory_space<hbm>>
        %dma_wait3A_243 = arith.constant 0 : i32
        %dma_wait3A_244 = tpu.memref_slice %arg4[%add3A, %add3A_184, %dma_wait3A_243] : memref<32x80x128xi32, #tpu.memory_space<hbm>> -> memref<1x1x128xi32, #tpu.memory_space<hbm>>
        %dma_wait3A_245 = tpu.memref_squeeze %dma_wait3A_244 : memref<1x1x128xi32, #tpu.memory_space<hbm>> -> memref<128xi32, #tpu.memory_space<hbm>>
        tpu.wait_dma2 semaphore(%run_scoped3A_233 : memref<!tpu.dma_semaphore, #tpu.memory_space<semaphore_mem>>) src(%dma_wait3A_245 : memref<128xi32, #tpu.memory_space<hbm>>) dst(%arg9 : memref<128xi32, #tpu.memory_space<vmem>>)
        tpu.yield
      }) : () -> ()
      %dma_start3A_185 = arith.constant 0 : i32
      %dma_start3A_186 = arith.constant 0 : i32
      %dma_start3A_187 = tpu.memref_slice %arg2[%dma_start3A_185, %dma_start3A_186] : memref<10240x128xf32, #tpu.memory_space<hbm>> -> memref<10240x128xf32, #tpu.memory_space<hbm>>
      tpu.enqueue_indirect_dma source(%dma_start3A_187 : memref<10240x128xf32, #tpu.memory_space<hbm>>) target(%arg11 : memref<128x128xf32, #tpu.memory_space<vmem>>) offsets(%arg8 : memref<128xi32, #tpu.memory_space<vmem>>) semaphore(%arg14 : memref<!tpu.dma_semaphore, #tpu.memory_space<semaphore_mem>>)
      %dma_wait3A_188 = arith.constant 0 : i32
      %dma_wait3A_189 = arith.constant 0 : i32
      %dma_wait3A_190 = tpu.memref_slice %arg2[%dma_wait3A_188, %dma_wait3A_189] : memref<10240x128xf32, #tpu.memory_space<hbm>> -> memref<10240x128xf32, #tpu.memory_space<hbm>>
      tpu.wait_indirect_dma semaphore(%arg13 : memref<!tpu.dma_semaphore, #tpu.memory_space<semaphore_mem>>) src(%dma_wait3A_190 : memref<10240x128xf32, #tpu.memory_space<hbm>>) dst(%arg10 : memref<128x128xf32, #tpu.memory_space<vmem>>)
      %dma_start3A_191 = arith.constant 0 : i32
      %dma_start3A_192 = arith.constant 0 : i32
      %dma_start3A_193 = tpu.memref_slice %arg12[%dma_start3A_191, %dma_start3A_192] : memref<10240x128xf32, #tpu.memory_space<vmem_shared>> -> memref<10240x128xf32, #tpu.memory_space<vmem_shared>>
      tpu.enqueue_indirect_dma source(%arg10 : memref<128x128xf32, #tpu.memory_space<vmem>>) target(%dma_start3A_193 : memref<10240x128xf32, #tpu.memory_space<vmem_shared>>) offsets(%arg7 : memref<128xi32, #tpu.memory_space<vmem>>) semaphore(%arg15 : memref<!tpu.dma_semaphore, #tpu.memory_space<semaphore_mem>>) {add = true}
      %dma_wait3A_194 = arith.constant 0 : i32
      %dma_wait3A_195 = arith.constant 0 : i32
      %dma_wait3A_196 = tpu.memref_slice %arg2[%dma_wait3A_194, %dma_wait3A_195] : memref<10240x128xf32, #tpu.memory_space<hbm>> -> memref<10240x128xf32, #tpu.memory_space<hbm>>
      tpu.wait_indirect_dma semaphore(%arg14 : memref<!tpu.dma_semaphore, #tpu.memory_space<semaphore_mem>>) src(%dma_wait3A_196 : memref<10240x128xf32, #tpu.memory_space<hbm>>) dst(%arg11 : memref<128x128xf32, #tpu.memory_space<vmem>>)
      %dma_start3A_197 = arith.constant 0 : i32
      %dma_start3A_198 = arith.constant 0 : i32
      %dma_start3A_199 = tpu.memref_slice %arg12[%dma_start3A_197, %dma_start3A_198] : memref<10240x128xf32, #tpu.memory_space<vmem_shared>> -> memref<10240x128xf32, #tpu.memory_space<vmem_shared>>
      tpu.enqueue_indirect_dma source(%arg11 : memref<128x128xf32, #tpu.memory_space<vmem>>) target(%dma_start3A_199 : memref<10240x128xf32, #tpu.memory_space<vmem_shared>>) offsets(%arg9 : memref<128xi32, #tpu.memory_space<vmem>>) semaphore(%arg16 : memref<!tpu.dma_semaphore, #tpu.memory_space<semaphore_mem>>) {add = true}
      %dma_wait3A_200 = arith.constant 0 : i32
      %dma_wait3A_201 = arith.constant 0 : i32
      %dma_wait3A_202 = tpu.memref_slice %arg12[%dma_wait3A_200, %dma_wait3A_201] : memref<10240x128xf32, #tpu.memory_space<vmem_shared>> -> memref<10240x128xf32, #tpu.memory_space<vmem_shared>>
      tpu.wait_indirect_dma semaphore(%arg15 : memref<!tpu.dma_semaphore, #tpu.memory_space<semaphore_mem>>) src(%arg10 : memref<128x128xf32, #tpu.memory_space<vmem>>) dst(%dma_wait3A_202 : memref<10240x128xf32, #tpu.memory_space<vmem_shared>>)
      %add3A_203 = arith.constant 2 : i32
      %add3A_204 = arith.addi %mul3A_177, %add3A_203 : i32
      %min3A = arith.constant 79 : i32
      %min3A_205 = arith.minsi %add3A_204, %min3A : i32
      %dma_start3A_206 = arith.constant 0 : i32
      %dma_start3A_207 = tpu.memref_slice %arg3[%add3A, %min3A_205, %dma_start3A_206] : memref<32x80x128xi32, #tpu.memory_space<hbm>> -> memref<1x1x128xi32, #tpu.memory_space<hbm>>
      %dma_start3A_208 = tpu.memref_squeeze %dma_start3A_207 : memref<1x1x128xi32, #tpu.memory_space<hbm>> -> memref<128xi32, #tpu.memory_space<hbm>>
      %dma_start3A_209 = arith.constant 0 : i32
      %dma_start3A_210 = tpu.memref_slice %arg3[%add3A, %min3A_205, %dma_start3A_209] : memref<32x80x128xi32, #tpu.memory_space<hbm>> -> memref<1x1x128xi32, #tpu.memory_space<hbm>>
      %dma_start3A_211 = tpu.memref_squeeze %dma_start3A_210 : memref<1x1x128xi32, #tpu.memory_space<hbm>> -> memref<128xi32, #tpu.memory_space<hbm>>
      tpu.enqueue_dma source(%dma_start3A_211 : memref<128xi32, #tpu.memory_space<hbm>>) target(%arg6 : memref<128xi32, #tpu.memory_space<vmem>>) target_semaphore(%arg13 : memref<!tpu.dma_semaphore, #tpu.memory_space<semaphore_mem>>)
      %dma_start3A_212 = arith.constant 0 : i32
      %dma_start3A_213 = tpu.memref_slice %arg4[%add3A, %min3A_205, %dma_start3A_212] : memref<32x80x128xi32, #tpu.memory_space<hbm>> -> memref<1x1x128xi32, #tpu.memory_space<hbm>>
      %dma_start3A_214 = tpu.memref_squeeze %dma_start3A_213 : memref<1x1x128xi32, #tpu.memory_space<hbm>> -> memref<128xi32, #tpu.memory_space<hbm>>
      %dma_start3A_215 = arith.constant 0 : i32
      %dma_start3A_216 = tpu.memref_slice %arg4[%add3A, %min3A_205, %dma_start3A_215] : memref<32x80x128xi32, #tpu.memory_space<hbm>> -> memref<1x1x128xi32, #tpu.memory_space<hbm>>
      %dma_start3A_217 = tpu.memref_squeeze %dma_start3A_216 : memref<1x1x128xi32, #tpu.memory_space<hbm>> -> memref<128xi32, #tpu.memory_space<hbm>>
      tpu.enqueue_dma source(%dma_start3A_217 : memref<128xi32, #tpu.memory_space<hbm>>) target(%arg7 : memref<128xi32, #tpu.memory_space<vmem>>) target_semaphore(%arg14 : memref<!tpu.dma_semaphore, #tpu.memory_space<semaphore_mem>>)
      %dma_wait3A_218 = arith.constant 0 : i32
      %dma_wait3A_219 = arith.constant 0 : i32
      %dma_wait3A_220 = tpu.memref_slice %arg12[%dma_wait3A_218, %dma_wait3A_219] : memref<10240x128xf32, #tpu.memory_space<vmem_shared>> -> memref<10240x128xf32, #tpu.memory_space<vmem_shared>>
      tpu.wait_indirect_dma semaphore(%arg16 : memref<!tpu.dma_semaphore, #tpu.memory_space<semaphore_mem>>) src(%arg11 : memref<128x128xf32, #tpu.memory_space<vmem>>) dst(%dma_wait3A_220 : memref<10240x128xf32, #tpu.memory_space<vmem_shared>>)
      %dma_wait3A_221 = arith.constant 0 : i32
      %dma_wait3A_222 = tpu.memref_slice %arg3[%add3A, %min3A_205, %dma_wait3A_221] : memref<32x80x128xi32, #tpu.memory_space<hbm>> -> memref<1x1x128xi32, #tpu.memory_space<hbm>>
      %dma_wait3A_223 = tpu.memref_squeeze %dma_wait3A_222 : memref<1x1x128xi32, #tpu.memory_space<hbm>> -> memref<128xi32, #tpu.memory_space<hbm>>
      %dma_wait3A_224 = arith.constant 0 : i32
      %dma_wait3A_225 = tpu.memref_slice %arg3[%add3A, %min3A_205, %dma_wait3A_224] : memref<32x80x128xi32, #tpu.memory_space<hbm>> -> memref<1x1x128xi32, #tpu.memory_space<hbm>>
      %dma_wait3A_226 = tpu.memref_squeeze %dma_wait3A_225 : memref<1x1x128xi32, #tpu.memory_space<hbm>> -> memref<128xi32, #tpu.memory_space<hbm>>
      tpu.wait_dma2 semaphore(%arg13 : memref<!tpu.dma_semaphore, #tpu.memory_space<semaphore_mem>>) src(%dma_wait3A_226 : memref<128xi32, #tpu.memory_space<hbm>>) dst(%arg6 : memref<128xi32, #tpu.memory_space<vmem>>)
      %dma_wait3A_227 = arith.constant 0 : i32
      %dma_wait3A_228 = tpu.memref_slice %arg4[%add3A, %min3A_205, %dma_wait3A_227] : memref<32x80x128xi32, #tpu.memory_space<hbm>> -> memref<1x1x128xi32, #tpu.memory_space<hbm>>
      %dma_wait3A_229 = tpu.memref_squeeze %dma_wait3A_228 : memref<1x1x128xi32, #tpu.memory_space<hbm>> -> memref<128xi32, #tpu.memory_space<hbm>>
      %dma_wait3A_230 = arith.constant 0 : i32
      %dma_wait3A_231 = tpu.memref_slice %arg4[%add3A, %min3A_205, %dma_wait3A_230] : memref<32x80x128xi32, #tpu.memory_space<hbm>> -> memref<1x1x128xi32, #tpu.memory_space<hbm>>
      %dma_wait3A_232 = tpu.memref_squeeze %dma_wait3A_231 : memref<1x1x128xi32, #tpu.memory_space<hbm>> -> memref<128xi32, #tpu.memory_space<hbm>>
      tpu.wait_dma2 semaphore(%arg14 : memref<!tpu.dma_semaphore, #tpu.memory_space<semaphore_mem>>) src(%dma_wait3A_232 : memref<128xi32, #tpu.memory_space<hbm>>) dst(%arg7 : memref<128xi32, #tpu.memory_space<vmem>>)
    }
    %scan3A_83 = arith.constant 40 : i32
    %barrier3A_84 = arith.constant 0 : index
    tpu.barrier barrier_id(%barrier3A_84)
    %mul3A_85 = arith.constant 640 : i32
    %mul3A_86 = arith.muli %arg1, %mul3A_85 : i32
    %add3A_87 = arith.constant 0 : i32
    %add3A_88 = arith.addi %mul3A_86, %add3A_87 : i32
    %mul3A_89 = arith.constant 640 : i32
    %mul3A_90 = arith.muli %arg1, %mul3A_89 : i32
    %add3A_91 = arith.constant 0 : i32
    %add3A_92 = arith.addi %mul3A_90, %add3A_91 : i32
    %dma_start3A_93 = arith.constant 0 : i32
    %dma_start3A_94 = tpu.memref_slice %arg5[%arg0, %add3A_92, %dma_start3A_93] : memref<2x10240x128xf32, #tpu.memory_space<hbm>> -> memref<1x128x128xf32, #tpu.memory_space<hbm>>
    %dma_start3A_95 = tpu.memref_squeeze %dma_start3A_94 : memref<1x128x128xf32, #tpu.memory_space<hbm>> -> memref<128x128xf32, #tpu.memory_space<hbm>>
    %dma_start3A_96 = arith.constant 0 : i32
    %dma_start3A_97 = tpu.memref_slice %arg12[%add3A_88, %dma_start3A_96] : memref<10240x128xf32, #tpu.memory_space<vmem_shared>> -> memref<128x128xf32, #tpu.memory_space<vmem_shared>>
    tpu.enqueue_dma source(%dma_start3A_97 : memref<128x128xf32, #tpu.memory_space<vmem_shared>>) target(%dma_start3A_95 : memref<128x128xf32, #tpu.memory_space<hbm>>) target_semaphore(%arg17 : memref<!tpu.dma_semaphore, #tpu.memory_space<semaphore_mem>>)
    %mul3A_98 = arith.constant 640 : i32
    %mul3A_99 = arith.muli %arg1, %mul3A_98 : i32
    %add3A_100 = arith.constant 128 : i32
    %add3A_101 = arith.addi %mul3A_99, %add3A_100 : i32
    %mul3A_102 = arith.constant 640 : i32
    %mul3A_103 = arith.muli %arg1, %mul3A_102 : i32
    %add3A_104 = arith.constant 128 : i32
    %add3A_105 = arith.addi %mul3A_103, %add3A_104 : i32
    %dma_start3A_106 = arith.constant 0 : i32
    %dma_start3A_107 = tpu.memref_slice %arg5[%arg0, %add3A_105, %dma_start3A_106] : memref<2x10240x128xf32, #tpu.memory_space<hbm>> -> memref<1x128x128xf32, #tpu.memory_space<hbm>>
    %dma_start3A_108 = tpu.memref_squeeze %dma_start3A_107 : memref<1x128x128xf32, #tpu.memory_space<hbm>> -> memref<128x128xf32, #tpu.memory_space<hbm>>
    %dma_start3A_109 = arith.constant 0 : i32
    %dma_start3A_110 = tpu.memref_slice %arg12[%add3A_101, %dma_start3A_109] : memref<10240x128xf32, #tpu.memory_space<vmem_shared>> -> memref<128x128xf32, #tpu.memory_space<vmem_shared>>
    tpu.enqueue_dma source(%dma_start3A_110 : memref<128x128xf32, #tpu.memory_space<vmem_shared>>) target(%dma_start3A_108 : memref<128x128xf32, #tpu.memory_space<hbm>>) target_semaphore(%arg17 : memref<!tpu.dma_semaphore, #tpu.memory_space<semaphore_mem>>)
    %mul3A_111 = arith.constant 640 : i32
    %mul3A_112 = arith.muli %arg1, %mul3A_111 : i32
    %add3A_113 = arith.constant 256 : i32
    %add3A_114 = arith.addi %mul3A_112, %add3A_113 : i32
    %mul3A_115 = arith.constant 640 : i32
    %mul3A_116 = arith.muli %arg1, %mul3A_115 : i32
    %add3A_117 = arith.constant 256 : i32
    %add3A_118 = arith.addi %mul3A_116, %add3A_117 : i32
    %dma_start3A_119 = arith.constant 0 : i32
    %dma_start3A_120 = tpu.memref_slice %arg5[%arg0, %add3A_118, %dma_start3A_119] : memref<2x10240x128xf32, #tpu.memory_space<hbm>> -> memref<1x128x128xf32, #tpu.memory_space<hbm>>
    %dma_start3A_121 = tpu.memref_squeeze %dma_start3A_120 : memref<1x128x128xf32, #tpu.memory_space<hbm>> -> memref<128x128xf32, #tpu.memory_space<hbm>>
    %dma_start3A_122 = arith.constant 0 : i32
    %dma_start3A_123 = tpu.memref_slice %arg12[%add3A_114, %dma_start3A_122] : memref<10240x128xf32, #tpu.memory_space<vmem_shared>> -> memref<128x128xf32, #tpu.memory_space<vmem_shared>>
    tpu.enqueue_dma source(%dma_start3A_123 : memref<128x128xf32, #tpu.memory_space<vmem_shared>>) target(%dma_start3A_121 : memref<128x128xf32, #tpu.memory_space<hbm>>) target_semaphore(%arg17 : memref<!tpu.dma_semaphore, #tpu.memory_space<semaphore_mem>>)
    %mul3A_124 = arith.constant 640 : i32
    %mul3A_125 = arith.muli %arg1, %mul3A_124 : i32
    %add3A_126 = arith.constant 384 : i32
    %add3A_127 = arith.addi %mul3A_125, %add3A_126 : i32
    %mul3A_128 = arith.constant 640 : i32
    %mul3A_129 = arith.muli %arg1, %mul3A_128 : i32
    %add3A_130 = arith.constant 384 : i32
    %add3A_131 = arith.addi %mul3A_129, %add3A_130 : i32
    %dma_start3A_132 = arith.constant 0 : i32
    %dma_start3A_133 = tpu.memref_slice %arg5[%arg0, %add3A_131, %dma_start3A_132] : memref<2x10240x128xf32, #tpu.memory_space<hbm>> -> memref<1x128x128xf32, #tpu.memory_space<hbm>>
    %dma_start3A_134 = tpu.memref_squeeze %dma_start3A_133 : memref<1x128x128xf32, #tpu.memory_space<hbm>> -> memref<128x128xf32, #tpu.memory_space<hbm>>
    %dma_start3A_135 = arith.constant 0 : i32
    %dma_start3A_136 = tpu.memref_slice %arg12[%add3A_127, %dma_start3A_135] : memref<10240x128xf32, #tpu.memory_space<vmem_shared>> -> memref<128x128xf32, #tpu.memory_space<vmem_shared>>
    tpu.enqueue_dma source(%dma_start3A_136 : memref<128x128xf32, #tpu.memory_space<vmem_shared>>) target(%dma_start3A_134 : memref<128x128xf32, #tpu.memory_space<hbm>>) target_semaphore(%arg17 : memref<!tpu.dma_semaphore, #tpu.memory_space<semaphore_mem>>)
    %mul3A_137 = arith.constant 640 : i32
    %mul3A_138 = arith.muli %arg1, %mul3A_137 : i32
    %add3A_139 = arith.constant 512 : i32
    %add3A_140 = arith.addi %mul3A_138, %add3A_139 : i32
    %mul3A_141 = arith.constant 640 : i32
    %mul3A_142 = arith.muli %arg1, %mul3A_141 : i32
    %add3A_143 = arith.constant 512 : i32
    %add3A_144 = arith.addi %mul3A_142, %add3A_143 : i32
    %dma_start3A_145 = arith.constant 0 : i32
    %dma_start3A_146 = tpu.memref_slice %arg5[%arg0, %add3A_144, %dma_start3A_145] : memref<2x10240x128xf32, #tpu.memory_space<hbm>> -> memref<1x128x128xf32, #tpu.memory_space<hbm>>
    %dma_start3A_147 = tpu.memref_squeeze %dma_start3A_146 : memref<1x128x128xf32, #tpu.memory_space<hbm>> -> memref<128x128xf32, #tpu.memory_space<hbm>>
    %dma_start3A_148 = arith.constant 0 : i32
    %dma_start3A_149 = tpu.memref_slice %arg12[%add3A_140, %dma_start3A_148] : memref<10240x128xf32, #tpu.memory_space<vmem_shared>> -> memref<128x128xf32, #tpu.memory_space<vmem_shared>>
    tpu.enqueue_dma source(%dma_start3A_149 : memref<128x128xf32, #tpu.memory_space<vmem_shared>>) target(%dma_start3A_147 : memref<128x128xf32, #tpu.memory_space<hbm>>) target_semaphore(%arg17 : memref<!tpu.dma_semaphore, #tpu.memory_space<semaphore_mem>>)
    %dma_wait3A_150 = arith.constant 0 : i32
    %dma_wait3A_151 = tpu.memref_slice %arg5[%arg0, %add3A_92, %dma_wait3A_150] : memref<2x10240x128xf32, #tpu.memory_space<hbm>> -> memref<1x128x128xf32, #tpu.memory_space<hbm>>
    %dma_wait3A_152 = tpu.memref_squeeze %dma_wait3A_151 : memref<1x128x128xf32, #tpu.memory_space<hbm>> -> memref<128x128xf32, #tpu.memory_space<hbm>>
    %dma_wait3A_153 = arith.constant 0 : i32
    %dma_wait3A_154 = tpu.memref_slice %arg12[%add3A_88, %dma_wait3A_153] : memref<10240x128xf32, #tpu.memory_space<vmem_shared>> -> memref<128x128xf32, #tpu.memory_space<vmem_shared>>
    tpu.wait_dma2 semaphore(%arg17 : memref<!tpu.dma_semaphore, #tpu.memory_space<semaphore_mem>>) src(%dma_wait3A_154 : memref<128x128xf32, #tpu.memory_space<vmem_shared>>) dst(%dma_wait3A_152 : memref<128x128xf32, #tpu.memory_space<hbm>>)
    %dma_wait3A_155 = arith.constant 0 : i32
    %dma_wait3A_156 = tpu.memref_slice %arg5[%arg0, %add3A_105, %dma_wait3A_155] : memref<2x10240x128xf32, #tpu.memory_space<hbm>> -> memref<1x128x128xf32, #tpu.memory_space<hbm>>
    %dma_wait3A_157 = tpu.memref_squeeze %dma_wait3A_156 : memref<1x128x128xf32, #tpu.memory_space<hbm>> -> memref<128x128xf32, #tpu.memory_space<hbm>>
    %dma_wait3A_158 = arith.constant 0 : i32
    %dma_wait3A_159 = tpu.memref_slice %arg12[%add3A_101, %dma_wait3A_158] : memref<10240x128xf32, #tpu.memory_space<vmem_shared>> -> memref<128x128xf32, #tpu.memory_space<vmem_shared>>
    tpu.wait_dma2 semaphore(%arg17 : memref<!tpu.dma_semaphore, #tpu.memory_space<semaphore_mem>>) src(%dma_wait3A_159 : memref<128x128xf32, #tpu.memory_space<vmem_shared>>) dst(%dma_wait3A_157 : memref<128x128xf32, #tpu.memory_space<hbm>>)
    %dma_wait3A_160 = arith.constant 0 : i32
    %dma_wait3A_161 = tpu.memref_slice %arg5[%arg0, %add3A_118, %dma_wait3A_160] : memref<2x10240x128xf32, #tpu.memory_space<hbm>> -> memref<1x128x128xf32, #tpu.memory_space<hbm>>
    %dma_wait3A_162 = tpu.memref_squeeze %dma_wait3A_161 : memref<1x128x128xf32, #tpu.memory_space<hbm>> -> memref<128x128xf32, #tpu.memory_space<hbm>>
    %dma_wait3A_163 = arith.constant 0 : i32
    %dma_wait3A_164 = tpu.memref_slice %arg12[%add3A_114, %dma_wait3A_163] : memref<10240x128xf32, #tpu.memory_space<vmem_shared>> -> memref<128x128xf32, #tpu.memory_space<vmem_shared>>
    tpu.wait_dma2 semaphore(%arg17 : memref<!tpu.dma_semaphore, #tpu.memory_space<semaphore_mem>>) src(%dma_wait3A_164 : memref<128x128xf32, #tpu.memory_space<vmem_shared>>) dst(%dma_wait3A_162 : memref<128x128xf32, #tpu.memory_space<hbm>>)
    %dma_wait3A_165 = arith.constant 0 : i32
    %dma_wait3A_166 = tpu.memref_slice %arg5[%arg0, %add3A_131, %dma_wait3A_165] : memref<2x10240x128xf32, #tpu.memory_space<hbm>> -> memref<1x128x128xf32, #tpu.memory_space<hbm>>
    %dma_wait3A_167 = tpu.memref_squeeze %dma_wait3A_166 : memref<1x128x128xf32, #tpu.memory_space<hbm>> -> memref<128x128xf32, #tpu.memory_space<hbm>>
    %dma_wait3A_168 = arith.constant 0 : i32
    %dma_wait3A_169 = tpu.memref_slice %arg12[%add3A_127, %dma_wait3A_168] : memref<10240x128xf32, #tpu.memory_space<vmem_shared>> -> memref<128x128xf32, #tpu.memory_space<vmem_shared>>
    tpu.wait_dma2 semaphore(%arg17 : memref<!tpu.dma_semaphore, #tpu.memory_space<semaphore_mem>>) src(%dma_wait3A_169 : memref<128x128xf32, #tpu.memory_space<vmem_shared>>) dst(%dma_wait3A_167 : memref<128x128xf32, #tpu.memory_space<hbm>>)
    %dma_wait3A_170 = arith.constant 0 : i32
    %dma_wait3A_171 = tpu.memref_slice %arg5[%arg0, %add3A_144, %dma_wait3A_170] : memref<2x10240x128xf32, #tpu.memory_space<hbm>> -> memref<1x128x128xf32, #tpu.memory_space<hbm>>
    %dma_wait3A_172 = tpu.memref_squeeze %dma_wait3A_171 : memref<1x128x128xf32, #tpu.memory_space<hbm>> -> memref<128x128xf32, #tpu.memory_space<hbm>>
    %dma_wait3A_173 = arith.constant 0 : i32
    %dma_wait3A_174 = tpu.memref_slice %arg12[%add3A_140, %dma_wait3A_173] : memref<10240x128xf32, #tpu.memory_space<vmem_shared>> -> memref<128x128xf32, #tpu.memory_space<vmem_shared>>
    tpu.wait_dma2 semaphore(%arg17 : memref<!tpu.dma_semaphore, #tpu.memory_space<semaphore_mem>>) src(%dma_wait3A_174 : memref<128x128xf32, #tpu.memory_space<vmem_shared>>) dst(%dma_wait3A_172 : memref<128x128xf32, #tpu.memory_space<hbm>>)
    return
  }
}

#map = affine_map<(d0, d1) -> (0, 0)>
#map1 = affine_map<(d0, d1) -> (0, 0, 0)>
module attributes {stable_mosaic.version = 14 : i64} {
  func.func @_sc_agg_body(%arg0: i32, %arg1: i32, %arg2: memref<10240x128xf32, #tpu.memory_space<hbm>>, %arg3: memref<32x80x128xi32, #tpu.memory_space<hbm>>, %arg4: memref<32x80x128xi32, #tpu.memory_space<hbm>>, %arg5: memref<2x10240x128xf32, #tpu.memory_space<hbm>>, %arg6: memref<128xi32, #tpu.memory_space<vmem>>, %arg7: memref<128xi32, #tpu.memory_space<vmem>>, %arg8: memref<128xi32, #tpu.memory_space<vmem>>, %arg9: memref<128xi32, #tpu.memory_space<vmem>>, %arg10: memref<128x128xf32, #tpu.memory_space<vmem>>, %arg11: memref<128x128xf32, #tpu.memory_space<vmem>>, %arg12: memref<10240x128xf32, #tpu.memory_space<vmem_shared>>, %arg13: memref<!tpu.dma_semaphore, #tpu.memory_space<semaphore_mem>>, %arg14: memref<!tpu.dma_semaphore, #tpu.memory_space<semaphore_mem>>, %arg15: memref<!tpu.dma_semaphore, #tpu.memory_space<semaphore_mem>>, %arg16: memref<!tpu.dma_semaphore, #tpu.memory_space<semaphore_mem>>, %arg17: memref<!tpu.dma_semaphore, #tpu.memory_space<semaphore_mem>>) attributes {dimension_semantics = [#tpu.dimension_semantics<core_parallel>, #tpu.dimension_semantics<subcore_parallel>], iteration_bounds = array<i64: 2, 16>, scalar_prefetch = 0 : i64, scratch_operands = 12 : i64, tpu.core_type = #tpu.core_type<sc_vector_subcore>, window_params = [{transform_indices = #map}, {transform_indices = #map1}, {transform_indices = #map1}, {transform_indices = #map1}]} {
    %mul3A = arith.constant 16 : i32
    %mul3A_0 = arith.muli %arg0, %mul3A : i32
    %add3A = arith.addi %mul3A_0, %arg1 : i32
    %mul3A_1 = arith.constant 640 : i32
    %mul3A_2 = arith.muli %arg1, %mul3A_1 : i32
    %add3A_3 = arith.constant 0 : i32
    %add3A_4 = arith.addi %mul3A_2, %add3A_3 : i32
    %mul3A_5 = arith.constant 640 : i32
    %mul3A_6 = arith.muli %arg1, %mul3A_5 : i32
    %add3A_7 = arith.constant 0 : i32
    %add3A_8 = arith.addi %mul3A_6, %add3A_7 : i32
    %dma_start3A = arith.constant 0 : i32
    %dma_start3A_9 = tpu.memref_slice %arg12[%add3A_8, %dma_start3A] : memref<10240x128xf32, #tpu.memory_space<vmem_shared>> -> memref<128x128xf32, #tpu.memory_space<vmem_shared>>
    %dma_start3A_10 = arith.constant 0 : i32
    %dma_start3A_11 = tpu.memref_slice %arg2[%add3A_4, %dma_start3A_10] : memref<10240x128xf32, #tpu.memory_space<hbm>> -> memref<128x128xf32, #tpu.memory_space<hbm>>
    tpu.enqueue_dma source(%dma_start3A_11 : memref<128x128xf32, #tpu.memory_space<hbm>>) target(%dma_start3A_9 : memref<128x128xf32, #tpu.memory_space<vmem_shared>>) target_semaphore(%arg17 : memref<!tpu.dma_semaphore, #tpu.memory_space<semaphore_mem>>)
    %mul3A_12 = arith.constant 640 : i32
    %mul3A_13 = arith.muli %arg1, %mul3A_12 : i32
    %add3A_14 = arith.constant 128 : i32
    %add3A_15 = arith.addi %mul3A_13, %add3A_14 : i32
    %mul3A_16 = arith.constant 640 : i32
    %mul3A_17 = arith.muli %arg1, %mul3A_16 : i32
    %add3A_18 = arith.constant 128 : i32
    %add3A_19 = arith.addi %mul3A_17, %add3A_18 : i32
    %dma_start3A_20 = arith.constant 0 : i32
    %dma_start3A_21 = tpu.memref_slice %arg12[%add3A_19, %dma_start3A_20] : memref<10240x128xf32, #tpu.memory_space<vmem_shared>> -> memref<128x128xf32, #tpu.memory_space<vmem_shared>>
    %dma_start3A_22 = arith.constant 0 : i32
    %dma_start3A_23 = tpu.memref_slice %arg2[%add3A_15, %dma_start3A_22] : memref<10240x128xf32, #tpu.memory_space<hbm>> -> memref<128x128xf32, #tpu.memory_space<hbm>>
    tpu.enqueue_dma source(%dma_start3A_23 : memref<128x128xf32, #tpu.memory_space<hbm>>) target(%dma_start3A_21 : memref<128x128xf32, #tpu.memory_space<vmem_shared>>) target_semaphore(%arg17 : memref<!tpu.dma_semaphore, #tpu.memory_space<semaphore_mem>>)
    %mul3A_24 = arith.constant 640 : i32
    %mul3A_25 = arith.muli %arg1, %mul3A_24 : i32
    %add3A_26 = arith.constant 256 : i32
    %add3A_27 = arith.addi %mul3A_25, %add3A_26 : i32
    %mul3A_28 = arith.constant 640 : i32
    %mul3A_29 = arith.muli %arg1, %mul3A_28 : i32
    %add3A_30 = arith.constant 256 : i32
    %add3A_31 = arith.addi %mul3A_29, %add3A_30 : i32
    %dma_start3A_32 = arith.constant 0 : i32
    %dma_start3A_33 = tpu.memref_slice %arg12[%add3A_31, %dma_start3A_32] : memref<10240x128xf32, #tpu.memory_space<vmem_shared>> -> memref<128x128xf32, #tpu.memory_space<vmem_shared>>
    %dma_start3A_34 = arith.constant 0 : i32
    %dma_start3A_35 = tpu.memref_slice %arg2[%add3A_27, %dma_start3A_34] : memref<10240x128xf32, #tpu.memory_space<hbm>> -> memref<128x128xf32, #tpu.memory_space<hbm>>
    tpu.enqueue_dma source(%dma_start3A_35 : memref<128x128xf32, #tpu.memory_space<hbm>>) target(%dma_start3A_33 : memref<128x128xf32, #tpu.memory_space<vmem_shared>>) target_semaphore(%arg17 : memref<!tpu.dma_semaphore, #tpu.memory_space<semaphore_mem>>)
    %mul3A_36 = arith.constant 640 : i32
    %mul3A_37 = arith.muli %arg1, %mul3A_36 : i32
    %add3A_38 = arith.constant 384 : i32
    %add3A_39 = arith.addi %mul3A_37, %add3A_38 : i32
    %mul3A_40 = arith.constant 640 : i32
    %mul3A_41 = arith.muli %arg1, %mul3A_40 : i32
    %add3A_42 = arith.constant 384 : i32
    %add3A_43 = arith.addi %mul3A_41, %add3A_42 : i32
    %dma_start3A_44 = arith.constant 0 : i32
    %dma_start3A_45 = tpu.memref_slice %arg12[%add3A_43, %dma_start3A_44] : memref<10240x128xf32, #tpu.memory_space<vmem_shared>> -> memref<128x128xf32, #tpu.memory_space<vmem_shared>>
    %dma_start3A_46 = arith.constant 0 : i32
    %dma_start3A_47 = tpu.memref_slice %arg2[%add3A_39, %dma_start3A_46] : memref<10240x128xf32, #tpu.memory_space<hbm>> -> memref<128x128xf32, #tpu.memory_space<hbm>>
    tpu.enqueue_dma source(%dma_start3A_47 : memref<128x128xf32, #tpu.memory_space<hbm>>) target(%dma_start3A_45 : memref<128x128xf32, #tpu.memory_space<vmem_shared>>) target_semaphore(%arg17 : memref<!tpu.dma_semaphore, #tpu.memory_space<semaphore_mem>>)
    %mul3A_48 = arith.constant 640 : i32
    %mul3A_49 = arith.muli %arg1, %mul3A_48 : i32
    %add3A_50 = arith.constant 512 : i32
    %add3A_51 = arith.addi %mul3A_49, %add3A_50 : i32
    %mul3A_52 = arith.constant 640 : i32
    %mul3A_53 = arith.muli %arg1, %mul3A_52 : i32
    %add3A_54 = arith.constant 512 : i32
    %add3A_55 = arith.addi %mul3A_53, %add3A_54 : i32
    %dma_start3A_56 = arith.constant 0 : i32
    %dma_start3A_57 = tpu.memref_slice %arg12[%add3A_55, %dma_start3A_56] : memref<10240x128xf32, #tpu.memory_space<vmem_shared>> -> memref<128x128xf32, #tpu.memory_space<vmem_shared>>
    %dma_start3A_58 = arith.constant 0 : i32
    %dma_start3A_59 = tpu.memref_slice %arg2[%add3A_51, %dma_start3A_58] : memref<10240x128xf32, #tpu.memory_space<hbm>> -> memref<128x128xf32, #tpu.memory_space<hbm>>
    tpu.enqueue_dma source(%dma_start3A_59 : memref<128x128xf32, #tpu.memory_space<hbm>>) target(%dma_start3A_57 : memref<128x128xf32, #tpu.memory_space<vmem_shared>>) target_semaphore(%arg17 : memref<!tpu.dma_semaphore, #tpu.memory_space<semaphore_mem>>)
    %dma_wait3A = arith.constant 0 : i32
    %dma_wait3A_60 = tpu.memref_slice %arg12[%add3A_8, %dma_wait3A] : memref<10240x128xf32, #tpu.memory_space<vmem_shared>> -> memref<128x128xf32, #tpu.memory_space<vmem_shared>>
    %dma_wait3A_61 = arith.constant 0 : i32
    %dma_wait3A_62 = tpu.memref_slice %arg2[%add3A_4, %dma_wait3A_61] : memref<10240x128xf32, #tpu.memory_space<hbm>> -> memref<128x128xf32, #tpu.memory_space<hbm>>
    tpu.wait_dma2 semaphore(%arg17 : memref<!tpu.dma_semaphore, #tpu.memory_space<semaphore_mem>>) src(%dma_wait3A_62 : memref<128x128xf32, #tpu.memory_space<hbm>>) dst(%dma_wait3A_60 : memref<128x128xf32, #tpu.memory_space<vmem_shared>>)
    %dma_wait3A_63 = arith.constant 0 : i32
    %dma_wait3A_64 = tpu.memref_slice %arg12[%add3A_19, %dma_wait3A_63] : memref<10240x128xf32, #tpu.memory_space<vmem_shared>> -> memref<128x128xf32, #tpu.memory_space<vmem_shared>>
    %dma_wait3A_65 = arith.constant 0 : i32
    %dma_wait3A_66 = tpu.memref_slice %arg2[%add3A_15, %dma_wait3A_65] : memref<10240x128xf32, #tpu.memory_space<hbm>> -> memref<128x128xf32, #tpu.memory_space<hbm>>
    tpu.wait_dma2 semaphore(%arg17 : memref<!tpu.dma_semaphore, #tpu.memory_space<semaphore_mem>>) src(%dma_wait3A_66 : memref<128x128xf32, #tpu.memory_space<hbm>>) dst(%dma_wait3A_64 : memref<128x128xf32, #tpu.memory_space<vmem_shared>>)
    %dma_wait3A_67 = arith.constant 0 : i32
    %dma_wait3A_68 = tpu.memref_slice %arg12[%add3A_31, %dma_wait3A_67] : memref<10240x128xf32, #tpu.memory_space<vmem_shared>> -> memref<128x128xf32, #tpu.memory_space<vmem_shared>>
    %dma_wait3A_69 = arith.constant 0 : i32
    %dma_wait3A_70 = tpu.memref_slice %arg2[%add3A_27, %dma_wait3A_69] : memref<10240x128xf32, #tpu.memory_space<hbm>> -> memref<128x128xf32, #tpu.memory_space<hbm>>
    tpu.wait_dma2 semaphore(%arg17 : memref<!tpu.dma_semaphore, #tpu.memory_space<semaphore_mem>>) src(%dma_wait3A_70 : memref<128x128xf32, #tpu.memory_space<hbm>>) dst(%dma_wait3A_68 : memref<128x128xf32, #tpu.memory_space<vmem_shared>>)
    %dma_wait3A_71 = arith.constant 0 : i32
    %dma_wait3A_72 = tpu.memref_slice %arg12[%add3A_43, %dma_wait3A_71] : memref<10240x128xf32, #tpu.memory_space<vmem_shared>> -> memref<128x128xf32, #tpu.memory_space<vmem_shared>>
    %dma_wait3A_73 = arith.constant 0 : i32
    %dma_wait3A_74 = tpu.memref_slice %arg2[%add3A_39, %dma_wait3A_73] : memref<10240x128xf32, #tpu.memory_space<hbm>> -> memref<128x128xf32, #tpu.memory_space<hbm>>
    tpu.wait_dma2 semaphore(%arg17 : memref<!tpu.dma_semaphore, #tpu.memory_space<semaphore_mem>>) src(%dma_wait3A_74 : memref<128x128xf32, #tpu.memory_space<hbm>>) dst(%dma_wait3A_72 : memref<128x128xf32, #tpu.memory_space<vmem_shared>>)
    %dma_wait3A_75 = arith.constant 0 : i32
    %dma_wait3A_76 = tpu.memref_slice %arg12[%add3A_55, %dma_wait3A_75] : memref<10240x128xf32, #tpu.memory_space<vmem_shared>> -> memref<128x128xf32, #tpu.memory_space<vmem_shared>>
    %dma_wait3A_77 = arith.constant 0 : i32
    %dma_wait3A_78 = tpu.memref_slice %arg2[%add3A_51, %dma_wait3A_77] : memref<10240x128xf32, #tpu.memory_space<hbm>> -> memref<128x128xf32, #tpu.memory_space<hbm>>
    tpu.wait_dma2 semaphore(%arg17 : memref<!tpu.dma_semaphore, #tpu.memory_space<semaphore_mem>>) src(%dma_wait3A_78 : memref<128x128xf32, #tpu.memory_space<hbm>>) dst(%dma_wait3A_76 : memref<128x128xf32, #tpu.memory_space<vmem_shared>>)
    %barrier3A = arith.constant 0 : index
    tpu.barrier barrier_id(%barrier3A)
    %run_scoped3A = arith.constant 0 : i32
    "tpu.region"() ({
      %run_scoped3A_175 = tpu.sem_alloc : memref<!tpu.dma_semaphore, #tpu.memory_space<semaphore_mem>>
      %dma_start3A_176 = arith.constant 0 : i32
      %dma_start3A_177 = tpu.memref_slice %arg3[%add3A, %run_scoped3A, %dma_start3A_176] : memref<32x80x128xi32, #tpu.memory_space<hbm>> -> memref<1x1x128xi32, #tpu.memory_space<hbm>>
      %dma_start3A_178 = tpu.memref_squeeze %dma_start3A_177 : memref<1x1x128xi32, #tpu.memory_space<hbm>> -> memref<128xi32, #tpu.memory_space<hbm>>
      %dma_start3A_179 = arith.constant 0 : i32
      %dma_start3A_180 = tpu.memref_slice %arg3[%add3A, %run_scoped3A, %dma_start3A_179] : memref<32x80x128xi32, #tpu.memory_space<hbm>> -> memref<1x1x128xi32, #tpu.memory_space<hbm>>
      %dma_start3A_181 = tpu.memref_squeeze %dma_start3A_180 : memref<1x1x128xi32, #tpu.memory_space<hbm>> -> memref<128xi32, #tpu.memory_space<hbm>>
      tpu.enqueue_dma source(%dma_start3A_181 : memref<128xi32, #tpu.memory_space<hbm>>) target(%arg6 : memref<128xi32, #tpu.memory_space<vmem>>) target_semaphore(%run_scoped3A_175 : memref<!tpu.dma_semaphore, #tpu.memory_space<semaphore_mem>>)
      %dma_wait3A_182 = arith.constant 0 : i32
      %dma_wait3A_183 = tpu.memref_slice %arg3[%add3A, %run_scoped3A, %dma_wait3A_182] : memref<32x80x128xi32, #tpu.memory_space<hbm>> -> memref<1x1x128xi32, #tpu.memory_space<hbm>>
      %dma_wait3A_184 = tpu.memref_squeeze %dma_wait3A_183 : memref<1x1x128xi32, #tpu.memory_space<hbm>> -> memref<128xi32, #tpu.memory_space<hbm>>
      %dma_wait3A_185 = arith.constant 0 : i32
      %dma_wait3A_186 = tpu.memref_slice %arg3[%add3A, %run_scoped3A, %dma_wait3A_185] : memref<32x80x128xi32, #tpu.memory_space<hbm>> -> memref<1x1x128xi32, #tpu.memory_space<hbm>>
      %dma_wait3A_187 = tpu.memref_squeeze %dma_wait3A_186 : memref<1x1x128xi32, #tpu.memory_space<hbm>> -> memref<128xi32, #tpu.memory_space<hbm>>
      tpu.wait_dma2 semaphore(%run_scoped3A_175 : memref<!tpu.dma_semaphore, #tpu.memory_space<semaphore_mem>>) src(%dma_wait3A_187 : memref<128xi32, #tpu.memory_space<hbm>>) dst(%arg6 : memref<128xi32, #tpu.memory_space<vmem>>)
      tpu.yield
    }) : () -> ()
    %run_scoped3A_79 = arith.constant 0 : i32
    "tpu.region"() ({
      %run_scoped3A_175 = tpu.sem_alloc : memref<!tpu.dma_semaphore, #tpu.memory_space<semaphore_mem>>
      %dma_start3A_176 = arith.constant 0 : i32
      %dma_start3A_177 = tpu.memref_slice %arg4[%add3A, %run_scoped3A_79, %dma_start3A_176] : memref<32x80x128xi32, #tpu.memory_space<hbm>> -> memref<1x1x128xi32, #tpu.memory_space<hbm>>
      %dma_start3A_178 = tpu.memref_squeeze %dma_start3A_177 : memref<1x1x128xi32, #tpu.memory_space<hbm>> -> memref<128xi32, #tpu.memory_space<hbm>>
      %dma_start3A_179 = arith.constant 0 : i32
      %dma_start3A_180 = tpu.memref_slice %arg4[%add3A, %run_scoped3A_79, %dma_start3A_179] : memref<32x80x128xi32, #tpu.memory_space<hbm>> -> memref<1x1x128xi32, #tpu.memory_space<hbm>>
      %dma_start3A_181 = tpu.memref_squeeze %dma_start3A_180 : memref<1x1x128xi32, #tpu.memory_space<hbm>> -> memref<128xi32, #tpu.memory_space<hbm>>
      tpu.enqueue_dma source(%dma_start3A_181 : memref<128xi32, #tpu.memory_space<hbm>>) target(%arg7 : memref<128xi32, #tpu.memory_space<vmem>>) target_semaphore(%run_scoped3A_175 : memref<!tpu.dma_semaphore, #tpu.memory_space<semaphore_mem>>)
      %dma_wait3A_182 = arith.constant 0 : i32
      %dma_wait3A_183 = tpu.memref_slice %arg4[%add3A, %run_scoped3A_79, %dma_wait3A_182] : memref<32x80x128xi32, #tpu.memory_space<hbm>> -> memref<1x1x128xi32, #tpu.memory_space<hbm>>
      %dma_wait3A_184 = tpu.memref_squeeze %dma_wait3A_183 : memref<1x1x128xi32, #tpu.memory_space<hbm>> -> memref<128xi32, #tpu.memory_space<hbm>>
      %dma_wait3A_185 = arith.constant 0 : i32
      %dma_wait3A_186 = tpu.memref_slice %arg4[%add3A, %run_scoped3A_79, %dma_wait3A_185] : memref<32x80x128xi32, #tpu.memory_space<hbm>> -> memref<1x1x128xi32, #tpu.memory_space<hbm>>
      %dma_wait3A_187 = tpu.memref_squeeze %dma_wait3A_186 : memref<1x1x128xi32, #tpu.memory_space<hbm>> -> memref<128xi32, #tpu.memory_space<hbm>>
      tpu.wait_dma2 semaphore(%run_scoped3A_175 : memref<!tpu.dma_semaphore, #tpu.memory_space<semaphore_mem>>) src(%dma_wait3A_187 : memref<128xi32, #tpu.memory_space<hbm>>) dst(%arg7 : memref<128xi32, #tpu.memory_space<vmem>>)
      tpu.yield
    }) : () -> ()
    %scan3A = arith.constant 0 : i32
    %scan3A_80 = arith.constant 40 : i32
    %scan3A_81 = arith.addi %scan3A, %scan3A_80 : i32
    %scan3A_82 = arith.constant 1 : i32
    scf.for %scan3A_175 = %scan3A to %scan3A_81 step %scan3A_82  : i32 {
      %mul3A_176 = arith.constant 2 : i32
      %mul3A_177 = arith.muli %mul3A_176, %scan3A_175 : i32
      %dma_start3A_178 = arith.constant 0 : i32
      %dma_start3A_179 = arith.constant 0 : i32
      %dma_start3A_180 = tpu.memref_slice %arg2[%dma_start3A_178, %dma_start3A_179] : memref<10240x128xf32, #tpu.memory_space<hbm>> -> memref<10240x128xf32, #tpu.memory_space<hbm>>
      tpu.enqueue_indirect_dma source(%dma_start3A_180 : memref<10240x128xf32, #tpu.memory_space<hbm>>) target(%arg10 : memref<128x128xf32, #tpu.memory_space<vmem>>) offsets(%arg6 : memref<128xi32, #tpu.memory_space<vmem>>) semaphore(%arg13 : memref<!tpu.dma_semaphore, #tpu.memory_space<semaphore_mem>>)
      %add3A_181 = arith.constant 1 : i32
      %add3A_182 = arith.addi %mul3A_177, %add3A_181 : i32
      "tpu.region"() ({
        %run_scoped3A_233 = tpu.sem_alloc : memref<!tpu.dma_semaphore, #tpu.memory_space<semaphore_mem>>
        %dma_start3A_234 = arith.constant 0 : i32
        %dma_start3A_235 = tpu.memref_slice %arg3[%add3A, %add3A_182, %dma_start3A_234] : memref<32x80x128xi32, #tpu.memory_space<hbm>> -> memref<1x1x128xi32, #tpu.memory_space<hbm>>
        %dma_start3A_236 = tpu.memref_squeeze %dma_start3A_235 : memref<1x1x128xi32, #tpu.memory_space<hbm>> -> memref<128xi32, #tpu.memory_space<hbm>>
        %dma_start3A_237 = arith.constant 0 : i32
        %dma_start3A_238 = tpu.memref_slice %arg3[%add3A, %add3A_182, %dma_start3A_237] : memref<32x80x128xi32, #tpu.memory_space<hbm>> -> memref<1x1x128xi32, #tpu.memory_space<hbm>>
        %dma_start3A_239 = tpu.memref_squeeze %dma_start3A_238 : memref<1x1x128xi32, #tpu.memory_space<hbm>> -> memref<128xi32, #tpu.memory_space<hbm>>
        tpu.enqueue_dma source(%dma_start3A_239 : memref<128xi32, #tpu.memory_space<hbm>>) target(%arg8 : memref<128xi32, #tpu.memory_space<vmem>>) target_semaphore(%run_scoped3A_233 : memref<!tpu.dma_semaphore, #tpu.memory_space<semaphore_mem>>)
        %dma_wait3A_240 = arith.constant 0 : i32
        %dma_wait3A_241 = tpu.memref_slice %arg3[%add3A, %add3A_182, %dma_wait3A_240] : memref<32x80x128xi32, #tpu.memory_space<hbm>> -> memref<1x1x128xi32, #tpu.memory_space<hbm>>
        %dma_wait3A_242 = tpu.memref_squeeze %dma_wait3A_241 : memref<1x1x128xi32, #tpu.memory_space<hbm>> -> memref<128xi32, #tpu.memory_space<hbm>>
        %dma_wait3A_243 = arith.constant 0 : i32
        %dma_wait3A_244 = tpu.memref_slice %arg3[%add3A, %add3A_182, %dma_wait3A_243] : memref<32x80x128xi32, #tpu.memory_space<hbm>> -> memref<1x1x128xi32, #tpu.memory_space<hbm>>
        %dma_wait3A_245 = tpu.memref_squeeze %dma_wait3A_244 : memref<1x1x128xi32, #tpu.memory_space<hbm>> -> memref<128xi32, #tpu.memory_space<hbm>>
        tpu.wait_dma2 semaphore(%run_scoped3A_233 : memref<!tpu.dma_semaphore, #tpu.memory_space<semaphore_mem>>) src(%dma_wait3A_245 : memref<128xi32, #tpu.memory_space<hbm>>) dst(%arg8 : memref<128xi32, #tpu.memory_space<vmem>>)
        tpu.yield
      }) : () -> ()
      %add3A_183 = arith.constant 1 : i32
      %add3A_184 = arith.addi %mul3A_177, %add3A_183 : i32
      "tpu.region"() ({
        %run_scoped3A_233 = tpu.sem_alloc : memref<!tpu.dma_semaphore, #tpu.memory_space<semaphore_mem>>
        %dma_start3A_234 = arith.constant 0 : i32
        %dma_start3A_235 = tpu.memref_slice %arg4[%add3A, %add3A_184, %dma_start3A_234] : memref<32x80x128xi32, #tpu.memory_space<hbm>> -> memref<1x1x128xi32, #tpu.memory_space<hbm>>
        %dma_start3A_236 = tpu.memref_squeeze %dma_start3A_235 : memref<1x1x128xi32, #tpu.memory_space<hbm>> -> memref<128xi32, #tpu.memory_space<hbm>>
        %dma_start3A_237 = arith.constant 0 : i32
        %dma_start3A_238 = tpu.memref_slice %arg4[%add3A, %add3A_184, %dma_start3A_237] : memref<32x80x128xi32, #tpu.memory_space<hbm>> -> memref<1x1x128xi32, #tpu.memory_space<hbm>>
        %dma_start3A_239 = tpu.memref_squeeze %dma_start3A_238 : memref<1x1x128xi32, #tpu.memory_space<hbm>> -> memref<128xi32, #tpu.memory_space<hbm>>
        tpu.enqueue_dma source(%dma_start3A_239 : memref<128xi32, #tpu.memory_space<hbm>>) target(%arg9 : memref<128xi32, #tpu.memory_space<vmem>>) target_semaphore(%run_scoped3A_233 : memref<!tpu.dma_semaphore, #tpu.memory_space<semaphore_mem>>)
        %dma_wait3A_240 = arith.constant 0 : i32
        %dma_wait3A_241 = tpu.memref_slice %arg4[%add3A, %add3A_184, %dma_wait3A_240] : memref<32x80x128xi32, #tpu.memory_space<hbm>> -> memref<1x1x128xi32, #tpu.memory_space<hbm>>
        %dma_wait3A_242 = tpu.memref_squeeze %dma_wait3A_241 : memref<1x1x128xi32, #tpu.memory_space<hbm>> -> memref<128xi32, #tpu.memory_space<hbm>>
        %dma_wait3A_243 = arith.constant 0 : i32
        %dma_wait3A_244 = tpu.memref_slice %arg4[%add3A, %add3A_184, %dma_wait3A_243] : memref<32x80x128xi32, #tpu.memory_space<hbm>> -> memref<1x1x128xi32, #tpu.memory_space<hbm>>
        %dma_wait3A_245 = tpu.memref_squeeze %dma_wait3A_244 : memref<1x1x128xi32, #tpu.memory_space<hbm>> -> memref<128xi32, #tpu.memory_space<hbm>>
        tpu.wait_dma2 semaphore(%run_scoped3A_233 : memref<!tpu.dma_semaphore, #tpu.memory_space<semaphore_mem>>) src(%dma_wait3A_245 : memref<128xi32, #tpu.memory_space<hbm>>) dst(%arg9 : memref<128xi32, #tpu.memory_space<vmem>>)
        tpu.yield
      }) : () -> ()
      %dma_start3A_185 = arith.constant 0 : i32
      %dma_start3A_186 = arith.constant 0 : i32
      %dma_start3A_187 = tpu.memref_slice %arg2[%dma_start3A_185, %dma_start3A_186] : memref<10240x128xf32, #tpu.memory_space<hbm>> -> memref<10240x128xf32, #tpu.memory_space<hbm>>
      tpu.enqueue_indirect_dma source(%dma_start3A_187 : memref<10240x128xf32, #tpu.memory_space<hbm>>) target(%arg11 : memref<128x128xf32, #tpu.memory_space<vmem>>) offsets(%arg8 : memref<128xi32, #tpu.memory_space<vmem>>) semaphore(%arg14 : memref<!tpu.dma_semaphore, #tpu.memory_space<semaphore_mem>>)
      %dma_wait3A_188 = arith.constant 0 : i32
      %dma_wait3A_189 = arith.constant 0 : i32
      %dma_wait3A_190 = tpu.memref_slice %arg2[%dma_wait3A_188, %dma_wait3A_189] : memref<10240x128xf32, #tpu.memory_space<hbm>> -> memref<10240x128xf32, #tpu.memory_space<hbm>>
      tpu.wait_indirect_dma semaphore(%arg13 : memref<!tpu.dma_semaphore, #tpu.memory_space<semaphore_mem>>) src(%dma_wait3A_190 : memref<10240x128xf32, #tpu.memory_space<hbm>>) dst(%arg10 : memref<128x128xf32, #tpu.memory_space<vmem>>)
      %dma_start3A_191 = arith.constant 0 : i32
      %dma_start3A_192 = arith.constant 0 : i32
      %dma_start3A_193 = tpu.memref_slice %arg12[%dma_start3A_191, %dma_start3A_192] : memref<10240x128xf32, #tpu.memory_space<vmem_shared>> -> memref<10240x128xf32, #tpu.memory_space<vmem_shared>>
      tpu.enqueue_indirect_dma source(%arg10 : memref<128x128xf32, #tpu.memory_space<vmem>>) target(%dma_start3A_193 : memref<10240x128xf32, #tpu.memory_space<vmem_shared>>) offsets(%arg7 : memref<128xi32, #tpu.memory_space<vmem>>) semaphore(%arg15 : memref<!tpu.dma_semaphore, #tpu.memory_space<semaphore_mem>>) {add = true}
      %dma_wait3A_194 = arith.constant 0 : i32
      %dma_wait3A_195 = arith.constant 0 : i32
      %dma_wait3A_196 = tpu.memref_slice %arg2[%dma_wait3A_194, %dma_wait3A_195] : memref<10240x128xf32, #tpu.memory_space<hbm>> -> memref<10240x128xf32, #tpu.memory_space<hbm>>
      tpu.wait_indirect_dma semaphore(%arg14 : memref<!tpu.dma_semaphore, #tpu.memory_space<semaphore_mem>>) src(%dma_wait3A_196 : memref<10240x128xf32, #tpu.memory_space<hbm>>) dst(%arg11 : memref<128x128xf32, #tpu.memory_space<vmem>>)
      %dma_start3A_197 = arith.constant 0 : i32
      %dma_start3A_198 = arith.constant 0 : i32
      %dma_start3A_199 = tpu.memref_slice %arg12[%dma_start3A_197, %dma_start3A_198] : memref<10240x128xf32, #tpu.memory_space<vmem_shared>> -> memref<10240x128xf32, #tpu.memory_space<vmem_shared>>
      tpu.enqueue_indirect_dma source(%arg11 : memref<128x128xf32, #tpu.memory_space<vmem>>) target(%dma_start3A_199 : memref<10240x128xf32, #tpu.memory_space<vmem_shared>>) offsets(%arg9 : memref<128xi32, #tpu.memory_space<vmem>>) semaphore(%arg16 : memref<!tpu.dma_semaphore, #tpu.memory_space<semaphore_mem>>) {add = true}
      %dma_wait3A_200 = arith.constant 0 : i32
      %dma_wait3A_201 = arith.constant 0 : i32
      %dma_wait3A_202 = tpu.memref_slice %arg12[%dma_wait3A_200, %dma_wait3A_201] : memref<10240x128xf32, #tpu.memory_space<vmem_shared>> -> memref<10240x128xf32, #tpu.memory_space<vmem_shared>>
      tpu.wait_indirect_dma semaphore(%arg15 : memref<!tpu.dma_semaphore, #tpu.memory_space<semaphore_mem>>) src(%arg10 : memref<128x128xf32, #tpu.memory_space<vmem>>) dst(%dma_wait3A_202 : memref<10240x128xf32, #tpu.memory_space<vmem_shared>>)
      %add3A_203 = arith.constant 2 : i32
      %add3A_204 = arith.addi %mul3A_177, %add3A_203 : i32
      %min3A = arith.constant 79 : i32
      %min3A_205 = arith.minsi %add3A_204, %min3A : i32
      %dma_start3A_206 = arith.constant 0 : i32
      %dma_start3A_207 = tpu.memref_slice %arg3[%add3A, %min3A_205, %dma_start3A_206] : memref<32x80x128xi32, #tpu.memory_space<hbm>> -> memref<1x1x128xi32, #tpu.memory_space<hbm>>
      %dma_start3A_208 = tpu.memref_squeeze %dma_start3A_207 : memref<1x1x128xi32, #tpu.memory_space<hbm>> -> memref<128xi32, #tpu.memory_space<hbm>>
      %dma_start3A_209 = arith.constant 0 : i32
      %dma_start3A_210 = tpu.memref_slice %arg3[%add3A, %min3A_205, %dma_start3A_209] : memref<32x80x128xi32, #tpu.memory_space<hbm>> -> memref<1x1x128xi32, #tpu.memory_space<hbm>>
      %dma_start3A_211 = tpu.memref_squeeze %dma_start3A_210 : memref<1x1x128xi32, #tpu.memory_space<hbm>> -> memref<128xi32, #tpu.memory_space<hbm>>
      tpu.enqueue_dma source(%dma_start3A_211 : memref<128xi32, #tpu.memory_space<hbm>>) target(%arg6 : memref<128xi32, #tpu.memory_space<vmem>>) target_semaphore(%arg13 : memref<!tpu.dma_semaphore, #tpu.memory_space<semaphore_mem>>)
      %dma_start3A_212 = arith.constant 0 : i32
      %dma_start3A_213 = tpu.memref_slice %arg4[%add3A, %min3A_205, %dma_start3A_212] : memref<32x80x128xi32, #tpu.memory_space<hbm>> -> memref<1x1x128xi32, #tpu.memory_space<hbm>>
      %dma_start3A_214 = tpu.memref_squeeze %dma_start3A_213 : memref<1x1x128xi32, #tpu.memory_space<hbm>> -> memref<128xi32, #tpu.memory_space<hbm>>
      %dma_start3A_215 = arith.constant 0 : i32
      %dma_start3A_216 = tpu.memref_slice %arg4[%add3A, %min3A_205, %dma_start3A_215] : memref<32x80x128xi32, #tpu.memory_space<hbm>> -> memref<1x1x128xi32, #tpu.memory_space<hbm>>
      %dma_start3A_217 = tpu.memref_squeeze %dma_start3A_216 : memref<1x1x128xi32, #tpu.memory_space<hbm>> -> memref<128xi32, #tpu.memory_space<hbm>>
      tpu.enqueue_dma source(%dma_start3A_217 : memref<128xi32, #tpu.memory_space<hbm>>) target(%arg7 : memref<128xi32, #tpu.memory_space<vmem>>) target_semaphore(%arg14 : memref<!tpu.dma_semaphore, #tpu.memory_space<semaphore_mem>>)
      %dma_wait3A_218 = arith.constant 0 : i32
      %dma_wait3A_219 = arith.constant 0 : i32
      %dma_wait3A_220 = tpu.memref_slice %arg12[%dma_wait3A_218, %dma_wait3A_219] : memref<10240x128xf32, #tpu.memory_space<vmem_shared>> -> memref<10240x128xf32, #tpu.memory_space<vmem_shared>>
      tpu.wait_indirect_dma semaphore(%arg16 : memref<!tpu.dma_semaphore, #tpu.memory_space<semaphore_mem>>) src(%arg11 : memref<128x128xf32, #tpu.memory_space<vmem>>) dst(%dma_wait3A_220 : memref<10240x128xf32, #tpu.memory_space<vmem_shared>>)
      %dma_wait3A_221 = arith.constant 0 : i32
      %dma_wait3A_222 = tpu.memref_slice %arg3[%add3A, %min3A_205, %dma_wait3A_221] : memref<32x80x128xi32, #tpu.memory_space<hbm>> -> memref<1x1x128xi32, #tpu.memory_space<hbm>>
      %dma_wait3A_223 = tpu.memref_squeeze %dma_wait3A_222 : memref<1x1x128xi32, #tpu.memory_space<hbm>> -> memref<128xi32, #tpu.memory_space<hbm>>
      %dma_wait3A_224 = arith.constant 0 : i32
      %dma_wait3A_225 = tpu.memref_slice %arg3[%add3A, %min3A_205, %dma_wait3A_224] : memref<32x80x128xi32, #tpu.memory_space<hbm>> -> memref<1x1x128xi32, #tpu.memory_space<hbm>>
      %dma_wait3A_226 = tpu.memref_squeeze %dma_wait3A_225 : memref<1x1x128xi32, #tpu.memory_space<hbm>> -> memref<128xi32, #tpu.memory_space<hbm>>
      tpu.wait_dma2 semaphore(%arg13 : memref<!tpu.dma_semaphore, #tpu.memory_space<semaphore_mem>>) src(%dma_wait3A_226 : memref<128xi32, #tpu.memory_space<hbm>>) dst(%arg6 : memref<128xi32, #tpu.memory_space<vmem>>)
      %dma_wait3A_227 = arith.constant 0 : i32
      %dma_wait3A_228 = tpu.memref_slice %arg4[%add3A, %min3A_205, %dma_wait3A_227] : memref<32x80x128xi32, #tpu.memory_space<hbm>> -> memref<1x1x128xi32, #tpu.memory_space<hbm>>
      %dma_wait3A_229 = tpu.memref_squeeze %dma_wait3A_228 : memref<1x1x128xi32, #tpu.memory_space<hbm>> -> memref<128xi32, #tpu.memory_space<hbm>>
      %dma_wait3A_230 = arith.constant 0 : i32
      %dma_wait3A_231 = tpu.memref_slice %arg4[%add3A, %min3A_205, %dma_wait3A_230] : memref<32x80x128xi32, #tpu.memory_space<hbm>> -> memref<1x1x128xi32, #tpu.memory_space<hbm>>
      %dma_wait3A_232 = tpu.memref_squeeze %dma_wait3A_231 : memref<1x1x128xi32, #tpu.memory_space<hbm>> -> memref<128xi32, #tpu.memory_space<hbm>>
      tpu.wait_dma2 semaphore(%arg14 : memref<!tpu.dma_semaphore, #tpu.memory_space<semaphore_mem>>) src(%dma_wait3A_232 : memref<128xi32, #tpu.memory_space<hbm>>) dst(%arg7 : memref<128xi32, #tpu.memory_space<vmem>>)
    }
    %scan3A_83 = arith.constant 40 : i32
    %barrier3A_84 = arith.constant 0 : index
    tpu.barrier barrier_id(%barrier3A_84)
    %mul3A_85 = arith.constant 640 : i32
    %mul3A_86 = arith.muli %arg1, %mul3A_85 : i32
    %add3A_87 = arith.constant 0 : i32
    %add3A_88 = arith.addi %mul3A_86, %add3A_87 : i32
    %mul3A_89 = arith.constant 640 : i32
    %mul3A_90 = arith.muli %arg1, %mul3A_89 : i32
    %add3A_91 = arith.constant 0 : i32
    %add3A_92 = arith.addi %mul3A_90, %add3A_91 : i32
    %dma_start3A_93 = arith.constant 0 : i32
    %dma_start3A_94 = tpu.memref_slice %arg5[%arg0, %add3A_92, %dma_start3A_93] : memref<2x10240x128xf32, #tpu.memory_space<hbm>> -> memref<1x128x128xf32, #tpu.memory_space<hbm>>
    %dma_start3A_95 = tpu.memref_squeeze %dma_start3A_94 : memref<1x128x128xf32, #tpu.memory_space<hbm>> -> memref<128x128xf32, #tpu.memory_space<hbm>>
    %dma_start3A_96 = arith.constant 0 : i32
    %dma_start3A_97 = tpu.memref_slice %arg12[%add3A_88, %dma_start3A_96] : memref<10240x128xf32, #tpu.memory_space<vmem_shared>> -> memref<128x128xf32, #tpu.memory_space<vmem_shared>>
    tpu.enqueue_dma source(%dma_start3A_97 : memref<128x128xf32, #tpu.memory_space<vmem_shared>>) target(%dma_start3A_95 : memref<128x128xf32, #tpu.memory_space<hbm>>) target_semaphore(%arg17 : memref<!tpu.dma_semaphore, #tpu.memory_space<semaphore_mem>>)
    %mul3A_98 = arith.constant 640 : i32
    %mul3A_99 = arith.muli %arg1, %mul3A_98 : i32
    %add3A_100 = arith.constant 128 : i32
    %add3A_101 = arith.addi %mul3A_99, %add3A_100 : i32
    %mul3A_102 = arith.constant 640 : i32
    %mul3A_103 = arith.muli %arg1, %mul3A_102 : i32
    %add3A_104 = arith.constant 128 : i32
    %add3A_105 = arith.addi %mul3A_103, %add3A_104 : i32
    %dma_start3A_106 = arith.constant 0 : i32
    %dma_start3A_107 = tpu.memref_slice %arg5[%arg0, %add3A_105, %dma_start3A_106] : memref<2x10240x128xf32, #tpu.memory_space<hbm>> -> memref<1x128x128xf32, #tpu.memory_space<hbm>>
    %dma_start3A_108 = tpu.memref_squeeze %dma_start3A_107 : memref<1x128x128xf32, #tpu.memory_space<hbm>> -> memref<128x128xf32, #tpu.memory_space<hbm>>
    %dma_start3A_109 = arith.constant 0 : i32
    %dma_start3A_110 = tpu.memref_slice %arg12[%add3A_101, %dma_start3A_109] : memref<10240x128xf32, #tpu.memory_space<vmem_shared>> -> memref<128x128xf32, #tpu.memory_space<vmem_shared>>
    tpu.enqueue_dma source(%dma_start3A_110 : memref<128x128xf32, #tpu.memory_space<vmem_shared>>) target(%dma_start3A_108 : memref<128x128xf32, #tpu.memory_space<hbm>>) target_semaphore(%arg17 : memref<!tpu.dma_semaphore, #tpu.memory_space<semaphore_mem>>)
    %mul3A_111 = arith.constant 640 : i32
    %mul3A_112 = arith.muli %arg1, %mul3A_111 : i32
    %add3A_113 = arith.constant 256 : i32
    %add3A_114 = arith.addi %mul3A_112, %add3A_113 : i32
    %mul3A_115 = arith.constant 640 : i32
    %mul3A_116 = arith.muli %arg1, %mul3A_115 : i32
    %add3A_117 = arith.constant 256 : i32
    %add3A_118 = arith.addi %mul3A_116, %add3A_117 : i32
    %dma_start3A_119 = arith.constant 0 : i32
    %dma_start3A_120 = tpu.memref_slice %arg5[%arg0, %add3A_118, %dma_start3A_119] : memref<2x10240x128xf32, #tpu.memory_space<hbm>> -> memref<1x128x128xf32, #tpu.memory_space<hbm>>
    %dma_start3A_121 = tpu.memref_squeeze %dma_start3A_120 : memref<1x128x128xf32, #tpu.memory_space<hbm>> -> memref<128x128xf32, #tpu.memory_space<hbm>>
    %dma_start3A_122 = arith.constant 0 : i32
    %dma_start3A_123 = tpu.memref_slice %arg12[%add3A_114, %dma_start3A_122] : memref<10240x128xf32, #tpu.memory_space<vmem_shared>> -> memref<128x128xf32, #tpu.memory_space<vmem_shared>>
    tpu.enqueue_dma source(%dma_start3A_123 : memref<128x128xf32, #tpu.memory_space<vmem_shared>>) target(%dma_start3A_121 : memref<128x128xf32, #tpu.memory_space<hbm>>) target_semaphore(%arg17 : memref<!tpu.dma_semaphore, #tpu.memory_space<semaphore_mem>>)
    %mul3A_124 = arith.constant 640 : i32
    %mul3A_125 = arith.muli %arg1, %mul3A_124 : i32
    %add3A_126 = arith.constant 384 : i32
    %add3A_127 = arith.addi %mul3A_125, %add3A_126 : i32
    %mul3A_128 = arith.constant 640 : i32
    %mul3A_129 = arith.muli %arg1, %mul3A_128 : i32
    %add3A_130 = arith.constant 384 : i32
    %add3A_131 = arith.addi %mul3A_129, %add3A_130 : i32
    %dma_start3A_132 = arith.constant 0 : i32
    %dma_start3A_133 = tpu.memref_slice %arg5[%arg0, %add3A_131, %dma_start3A_132] : memref<2x10240x128xf32, #tpu.memory_space<hbm>> -> memref<1x128x128xf32, #tpu.memory_space<hbm>>
    %dma_start3A_134 = tpu.memref_squeeze %dma_start3A_133 : memref<1x128x128xf32, #tpu.memory_space<hbm>> -> memref<128x128xf32, #tpu.memory_space<hbm>>
    %dma_start3A_135 = arith.constant 0 : i32
    %dma_start3A_136 = tpu.memref_slice %arg12[%add3A_127, %dma_start3A_135] : memref<10240x128xf32, #tpu.memory_space<vmem_shared>> -> memref<128x128xf32, #tpu.memory_space<vmem_shared>>
    tpu.enqueue_dma source(%dma_start3A_136 : memref<128x128xf32, #tpu.memory_space<vmem_shared>>) target(%dma_start3A_134 : memref<128x128xf32, #tpu.memory_space<hbm>>) target_semaphore(%arg17 : memref<!tpu.dma_semaphore, #tpu.memory_space<semaphore_mem>>)
    %mul3A_137 = arith.constant 640 : i32
    %mul3A_138 = arith.muli %arg1, %mul3A_137 : i32
    %add3A_139 = arith.constant 512 : i32
    %add3A_140 = arith.addi %mul3A_138, %add3A_139 : i32
    %mul3A_141 = arith.constant 640 : i32
    %mul3A_142 = arith.muli %arg1, %mul3A_141 : i32
    %add3A_143 = arith.constant 512 : i32
    %add3A_144 = arith.addi %mul3A_142, %add3A_143 : i32
    %dma_start3A_145 = arith.constant 0 : i32
    %dma_start3A_146 = tpu.memref_slice %arg5[%arg0, %add3A_144, %dma_start3A_145] : memref<2x10240x128xf32, #tpu.memory_space<hbm>> -> memref<1x128x128xf32, #tpu.memory_space<hbm>>
    %dma_start3A_147 = tpu.memref_squeeze %dma_start3A_146 : memref<1x128x128xf32, #tpu.memory_space<hbm>> -> memref<128x128xf32, #tpu.memory_space<hbm>>
    %dma_start3A_148 = arith.constant 0 : i32
    %dma_start3A_149 = tpu.memref_slice %arg12[%add3A_140, %dma_start3A_148] : memref<10240x128xf32, #tpu.memory_space<vmem_shared>> -> memref<128x128xf32, #tpu.memory_space<vmem_shared>>
    tpu.enqueue_dma source(%dma_start3A_149 : memref<128x128xf32, #tpu.memory_space<vmem_shared>>) target(%dma_start3A_147 : memref<128x128xf32, #tpu.memory_space<hbm>>) target_semaphore(%arg17 : memref<!tpu.dma_semaphore, #tpu.memory_space<semaphore_mem>>)
    %dma_wait3A_150 = arith.constant 0 : i32
    %dma_wait3A_151 = tpu.memref_slice %arg5[%arg0, %add3A_92, %dma_wait3A_150] : memref<2x10240x128xf32, #tpu.memory_space<hbm>> -> memref<1x128x128xf32, #tpu.memory_space<hbm>>
    %dma_wait3A_152 = tpu.memref_squeeze %dma_wait3A_151 : memref<1x128x128xf32, #tpu.memory_space<hbm>> -> memref<128x128xf32, #tpu.memory_space<hbm>>
    %dma_wait3A_153 = arith.constant 0 : i32
    %dma_wait3A_154 = tpu.memref_slice %arg12[%add3A_88, %dma_wait3A_153] : memref<10240x128xf32, #tpu.memory_space<vmem_shared>> -> memref<128x128xf32, #tpu.memory_space<vmem_shared>>
    tpu.wait_dma2 semaphore(%arg17 : memref<!tpu.dma_semaphore, #tpu.memory_space<semaphore_mem>>) src(%dma_wait3A_154 : memref<128x128xf32, #tpu.memory_space<vmem_shared>>) dst(%dma_wait3A_152 : memref<128x128xf32, #tpu.memory_space<hbm>>)
    %dma_wait3A_155 = arith.constant 0 : i32
    %dma_wait3A_156 = tpu.memref_slice %arg5[%arg0, %add3A_105, %dma_wait3A_155] : memref<2x10240x128xf32, #tpu.memory_space<hbm>> -> memref<1x128x128xf32, #tpu.memory_space<hbm>>
    %dma_wait3A_157 = tpu.memref_squeeze %dma_wait3A_156 : memref<1x128x128xf32, #tpu.memory_space<hbm>> -> memref<128x128xf32, #tpu.memory_space<hbm>>
    %dma_wait3A_158 = arith.constant 0 : i32
    %dma_wait3A_159 = tpu.memref_slice %arg12[%add3A_101, %dma_wait3A_158] : memref<10240x128xf32, #tpu.memory_space<vmem_shared>> -> memref<128x128xf32, #tpu.memory_space<vmem_shared>>
    tpu.wait_dma2 semaphore(%arg17 : memref<!tpu.dma_semaphore, #tpu.memory_space<semaphore_mem>>) src(%dma_wait3A_159 : memref<128x128xf32, #tpu.memory_space<vmem_shared>>) dst(%dma_wait3A_157 : memref<128x128xf32, #tpu.memory_space<hbm>>)
    %dma_wait3A_160 = arith.constant 0 : i32
    %dma_wait3A_161 = tpu.memref_slice %arg5[%arg0, %add3A_118, %dma_wait3A_160] : memref<2x10240x128xf32, #tpu.memory_space<hbm>> -> memref<1x128x128xf32, #tpu.memory_space<hbm>>
    %dma_wait3A_162 = tpu.memref_squeeze %dma_wait3A_161 : memref<1x128x128xf32, #tpu.memory_space<hbm>> -> memref<128x128xf32, #tpu.memory_space<hbm>>
    %dma_wait3A_163 = arith.constant 0 : i32
    %dma_wait3A_164 = tpu.memref_slice %arg12[%add3A_114, %dma_wait3A_163] : memref<10240x128xf32, #tpu.memory_space<vmem_shared>> -> memref<128x128xf32, #tpu.memory_space<vmem_shared>>
    tpu.wait_dma2 semaphore(%arg17 : memref<!tpu.dma_semaphore, #tpu.memory_space<semaphore_mem>>) src(%dma_wait3A_164 : memref<128x128xf32, #tpu.memory_space<vmem_shared>>) dst(%dma_wait3A_162 : memref<128x128xf32, #tpu.memory_space<hbm>>)
    %dma_wait3A_165 = arith.constant 0 : i32
    %dma_wait3A_166 = tpu.memref_slice %arg5[%arg0, %add3A_131, %dma_wait3A_165] : memref<2x10240x128xf32, #tpu.memory_space<hbm>> -> memref<1x128x128xf32, #tpu.memory_space<hbm>>
    %dma_wait3A_167 = tpu.memref_squeeze %dma_wait3A_166 : memref<1x128x128xf32, #tpu.memory_space<hbm>> -> memref<128x128xf32, #tpu.memory_space<hbm>>
    %dma_wait3A_168 = arith.constant 0 : i32
    %dma_wait3A_169 = tpu.memref_slice %arg12[%add3A_127, %dma_wait3A_168] : memref<10240x128xf32, #tpu.memory_space<vmem_shared>> -> memref<128x128xf32, #tpu.memory_space<vmem_shared>>
    tpu.wait_dma2 semaphore(%arg17 : memref<!tpu.dma_semaphore, #tpu.memory_space<semaphore_mem>>) src(%dma_wait3A_169 : memref<128x128xf32, #tpu.memory_space<vmem_shared>>) dst(%dma_wait3A_167 : memref<128x128xf32, #tpu.memory_space<hbm>>)
    %dma_wait3A_170 = arith.constant 0 : i32
    %dma_wait3A_171 = tpu.memref_slice %arg5[%arg0, %add3A_144, %dma_wait3A_170] : memref<2x10240x128xf32, #tpu.memory_space<hbm>> -> memref<1x128x128xf32, #tpu.memory_space<hbm>>
    %dma_wait3A_172 = tpu.memref_squeeze %dma_wait3A_171 : memref<1x128x128xf32, #tpu.memory_space<hbm>> -> memref<128x128xf32, #tpu.memory_space<hbm>>
    %dma_wait3A_173 = arith.constant 0 : i32
    %dma_wait3A_174 = tpu.memref_slice %arg12[%add3A_140, %dma_wait3A_173] : memref<10240x128xf32, #tpu.memory_space<vmem_shared>> -> memref<128x128xf32, #tpu.memory_space<vmem_shared>>
    tpu.wait_dma2 semaphore(%arg17 : memref<!tpu.dma_semaphore, #tpu.memory_space<semaphore_mem>>) src(%dma_wait3A_174 : memref<128x128xf32, #tpu.memory_space<vmem_shared>>) dst(%dma_wait3A_172 : memref<128x128xf32, #tpu.memory_space<hbm>>)
    return
  }
}

module attributes {stable_mosaic.version = 14 : i64} {
  func.func @_tc0a_body(%arg0: i32, %arg1: memref<2048x128xf32, #tpu.memory_space<vmem>>, %arg2: memref<128x128xf32, #tpu.memory_space<vmem>>, %arg3: memref<1x128xf32, #tpu.memory_space<vmem>>, %arg4: memref<128x128xf32, #tpu.memory_space<vmem>>, %arg5: memref<2048x128xf32, #tpu.memory_space<vmem>>) attributes {dimension_semantics = [#tpu.dimension_semantics<arbitrary>], iteration_bounds = array<i64: 5>, scalar_prefetch = 0 : i64, scratch_operands = 0 : i64, tpu.core_type = #tpu.core_type<tc>, window_params = [{transform_indices = @transform_0, window_bounds = array<i64: 2048, 128>}, {pipeline_mode = #tpu.pipeline_mode<synchronous>, transform_indices = @transform_1, window_bounds = array<i64: 128, 128>}, {pipeline_mode = #tpu.pipeline_mode<synchronous>, transform_indices = @transform_2, window_bounds = array<i64: 1, 128>}, {pipeline_mode = #tpu.pipeline_mode<synchronous>, transform_indices = @transform_3, window_bounds = array<i64: 128, 128>}, {transform_indices = @transform_4, window_bounds = array<i64: 2048, 128>}]} {
    %get3A = arith.constant 0 : index
    %get3A_0 = arith.constant 0 : index
    %get3A_1 = vector.load %arg1[%get3A, %get3A_0] : memref<2048x128xf32, #tpu.memory_space<vmem>>, vector<2048x128xf32>
    %get3A_2 = arith.constant 0 : index
    %get3A_3 = arith.constant 0 : index
    %get3A_4 = vector.load %arg2[%get3A_2, %get3A_3] : memref<128x128xf32, #tpu.memory_space<vmem>>, vector<128x128xf32>
    %dot_general3A = arith.constant dense<0.000000e+00> : vector<2048x128xf32>
    %dot_general3A_5 = tpu.matmul %get3A_1, %get3A_4, %dot_general3A {dimension_numbers = #tpu.dot_dimension_numbers<[1], [0], [0], [1], [0, 0, 1, 1], [], []>, transpose_lhs_hint = false} : vector<2048x128xf32>, vector<128x128xf32>, vector<2048x128xf32> -> vector<2048x128xf32>
    %get3A_6 = arith.constant 0 : index
    %get3A_7 = arith.constant 0 : index
    %get3A_8 = vector.load %arg3[%get3A_6, %get3A_7] : memref<1x128xf32, #tpu.memory_space<vmem>>, vector<1x128xf32>
    %add3A = vector.broadcast %get3A_8 : vector<1x128xf32> to vector<2048x128xf32>
    %add3A_9 = arith.addf %dot_general3A_5, %add3A : vector<2048x128xf32>
    %get3A_10 = arith.constant 0 : index
    %get3A_11 = arith.constant 0 : index
    %get3A_12 = vector.load %arg4[%get3A_10, %get3A_11] : memref<128x128xf32, #tpu.memory_space<vmem>>, vector<128x128xf32>
    %dot_general3A_13 = arith.constant dense<0.000000e+00> : vector<2048x128xf32>
    %dot_general3A_14 = tpu.matmul %add3A_9, %get3A_12, %dot_general3A_13 {dimension_numbers = #tpu.dot_dimension_numbers<[1], [0], [0], [1], [0, 0, 1, 1], [], []>, transpose_lhs_hint = false} : vector<2048x128xf32>, vector<128x128xf32>, vector<2048x128xf32> -> vector<2048x128xf32>
    %swap3A = arith.constant 0 : index
    %swap3A_15 = arith.constant 0 : index
    %swap3A_16 = vector.load %arg5[%swap3A, %swap3A_15] : memref<2048x128xf32, #tpu.memory_space<vmem>>, vector<2048x128xf32>
    tpu.vector_store %arg5[%swap3A, %swap3A_15], %dot_general3A_14 {strides = array<i32>} : memref<2048x128xf32, #tpu.memory_space<vmem>>, vector<2048x128xf32>,
    return
  }
  func.func @transform_0(%arg0: i32) -> (i32, i32) {
    %c0_i32 = arith.constant 0 : i32
    %c0_i32_0 = arith.constant 0 : i32
    return %arg0, %c0_i32 : i32, i32
  }
  func.func @transform_1(%arg0: i32) -> (i32, i32) {
    %c0_i32 = arith.constant 0 : i32
    %c0_i32_0 = arith.constant 0 : i32
    %c0_i32_1 = arith.constant 0 : i32
    return %c0_i32, %c0_i32_0 : i32, i32
  }
  func.func @transform_2(%arg0: i32) -> (i32, i32) {
    %c0_i32 = arith.constant 0 : i32
    %c0_i32_0 = arith.constant 0 : i32
    %c0_i32_1 = arith.constant 0 : i32
    return %c0_i32, %c0_i32_0 : i32, i32
  }
  func.func @transform_3(%arg0: i32) -> (i32, i32) {
    %c0_i32 = arith.constant 0 : i32
    %c0_i32_0 = arith.constant 0 : i32
    %c0_i32_1 = arith.constant 0 : i32
    return %c0_i32, %c0_i32_0 : i32, i32
  }
  func.func @transform_4(%arg0: i32) -> (i32, i32) {
    %c0_i32 = arith.constant 0 : i32
    %c0_i32_0 = arith.constant 0 : i32
    return %arg0, %c0_i32 : i32, i32
  }
}

module attributes {stable_mosaic.version = 14 : i64} {
  func.func @_tc0b_body(%arg0: i32, %arg1: memref<2048x128xf32, #tpu.memory_space<vmem>>, %arg2: memref<2048x16xf32, #tpu.memory_space<vmem>>, %arg3: memref<2048x16xf32, #tpu.memory_space<vmem>>, %arg4: memref<2048x128xf32, #tpu.memory_space<vmem>>, %arg5: memref<2048x1xf32, #tpu.memory_space<vmem>>) attributes {dimension_semantics = [#tpu.dimension_semantics<arbitrary>], iteration_bounds = array<i64: 5>, scalar_prefetch = 0 : i64, scratch_operands = 0 : i64, tpu.core_type = #tpu.core_type<tc>, window_params = [{transform_indices = @transform_0, window_bounds = array<i64: 2048, 128>}, {transform_indices = @transform_1, window_bounds = array<i64: 2048, 16>}, {transform_indices = @transform_2, window_bounds = array<i64: 2048, 16>}, {transform_indices = @transform_3, window_bounds = array<i64: 2048, 128>}, {transform_indices = @transform_4, window_bounds = array<i64: 2048, 1>}]} {
    %get3A = arith.constant 0 : index
    %get3A_0 = arith.constant 0 : index
    %get3A_1 = vector.load %arg2[%get3A, %get3A_0] : memref<2048x16xf32, #tpu.memory_space<vmem>>, vector<2048x1xf32>
    %get3A_2 = arith.constant 0 : index
    %get3A_3 = arith.constant 0 : index
    %get3A_4 = vector.load %arg3[%get3A_2, %get3A_3] : memref<2048x16xf32, #tpu.memory_space<vmem>>, vector<2048x1xf32>
    %add3A = arith.addf %get3A_1, %get3A_4 : vector<2048x1xf32>
    %sub3A = arith.constant 1.000000e+00 : f32
    %sub3A_5 = vector.broadcast %sub3A : f32 to vector<2048x1xf32>
    %sub3A_6 = arith.subf %add3A, %sub3A_5 : vector<2048x1xf32>
    %rsqrt3A = math.rsqrt %sub3A_6 : vector<2048x1xf32>
    %swap3A = arith.constant 0 : index
    %swap3A_7 = arith.constant 0 : index
    %swap3A_8 = vector.load %arg5[%swap3A, %swap3A_7] : memref<2048x1xf32, #tpu.memory_space<vmem>>, vector<2048x1xf32>
    tpu.vector_store %arg5[%swap3A, %swap3A_7], %rsqrt3A {strides = array<i32>} : memref<2048x1xf32, #tpu.memory_space<vmem>>, vector<2048x1xf32>,
    %get3A_9 = arith.constant 0 : index
    %get3A_10 = arith.constant 0 : index
    %get3A_11 = vector.load %arg1[%get3A_9, %get3A_10] : memref<2048x128xf32, #tpu.memory_space<vmem>>, vector<2048x128xf32>
    %mul3A = vector.broadcast %rsqrt3A : vector<2048x1xf32> to vector<2048x128xf32>
    %mul3A_12 = arith.mulf %mul3A, %get3A_11 : vector<2048x128xf32>
    %swap3A_13 = arith.constant 0 : index
    %swap3A_14 = arith.constant 0 : index
    %swap3A_15 = vector.load %arg4[%swap3A_13, %swap3A_14] : memref<2048x128xf32, #tpu.memory_space<vmem>>, vector<2048x128xf32>
    tpu.vector_store %arg4[%swap3A_13, %swap3A_14], %mul3A_12 {strides = array<i32>} : memref<2048x128xf32, #tpu.memory_space<vmem>>, vector<2048x128xf32>,
    return
  }
  func.func @transform_0(%arg0: i32) -> (i32, i32) {
    %c0_i32 = arith.constant 0 : i32
    %c0_i32_0 = arith.constant 0 : i32
    return %arg0, %c0_i32 : i32, i32
  }
  func.func @transform_1(%arg0: i32) -> (i32, i32) {
    %c0_i32 = arith.constant 0 : i32
    %c0_i32_0 = arith.constant 0 : i32
    return %arg0, %c0_i32 : i32, i32
  }
  func.func @transform_2(%arg0: i32) -> (i32, i32) {
    %c0_i32 = arith.constant 0 : i32
    %c0_i32_0 = arith.constant 0 : i32
    return %arg0, %c0_i32 : i32, i32
  }
  func.func @transform_3(%arg0: i32) -> (i32, i32) {
    %c0_i32 = arith.constant 0 : i32
    %c0_i32_0 = arith.constant 0 : i32
    return %arg0, %c0_i32 : i32, i32
  }
  func.func @transform_4(%arg0: i32) -> (i32, i32) {
    %c0_i32 = arith.constant 0 : i32
    %c0_i32_0 = arith.constant 0 : i32
    return %arg0, %c0_i32 : i32, i32
  }
}

module attributes {stable_mosaic.version = 14 : i64} {
  func.func @_tcmid_body(%arg0: i32, %arg1: memref<2048x128xf32, #tpu.memory_space<vmem>>, %arg2: memref<2048x128xf32, #tpu.memory_space<vmem>>, %arg3: memref<2048x128xf32, #tpu.memory_space<vmem>>, %arg4: memref<2048x1xf32, #tpu.memory_space<vmem>>, %arg5: memref<1x128xf32, #tpu.memory_space<vmem>>, %arg6: memref<128x128xf32, #tpu.memory_space<vmem>>, %arg7: memref<2048x128xf32, #tpu.memory_space<vmem>>) attributes {dimension_semantics = [#tpu.dimension_semantics<arbitrary>], iteration_bounds = array<i64: 5>, scalar_prefetch = 0 : i64, scratch_operands = 0 : i64, tpu.core_type = #tpu.core_type<tc>, window_params = [{transform_indices = @transform_0, window_bounds = array<i64: 2048, 128>}, {transform_indices = @transform_1, window_bounds = array<i64: 2048, 128>}, {transform_indices = @transform_2, window_bounds = array<i64: 2048, 128>}, {transform_indices = @transform_3, window_bounds = array<i64: 2048, 1>}, {pipeline_mode = #tpu.pipeline_mode<synchronous>, transform_indices = @transform_4, window_bounds = array<i64: 1, 128>}, {pipeline_mode = #tpu.pipeline_mode<synchronous>, transform_indices = @transform_5, window_bounds = array<i64: 128, 128>}, {transform_indices = @transform_6, window_bounds = array<i64: 2048, 128>}]} {
    %get3A = arith.constant 0 : index
    %get3A_0 = arith.constant 0 : index
    %get3A_1 = vector.load %arg4[%get3A, %get3A_0] : memref<2048x1xf32, #tpu.memory_space<vmem>>, vector<2048x1xf32>
    %get3A_2 = arith.constant 0 : index
    %get3A_3 = arith.constant 0 : index
    %get3A_4 = vector.load %arg1[%get3A_2, %get3A_3] : memref<2048x128xf32, #tpu.memory_space<vmem>>, vector<2048x128xf32>
    %get3A_5 = arith.constant 0 : index
    %get3A_6 = arith.constant 0 : index
    %get3A_7 = vector.load %arg2[%get3A_5, %get3A_6] : memref<2048x128xf32, #tpu.memory_space<vmem>>, vector<2048x128xf32>
    %add3A = arith.addf %get3A_4, %get3A_7 : vector<2048x128xf32>
    %get3A_8 = arith.constant 0 : index
    %get3A_9 = arith.constant 0 : index
    %get3A_10 = vector.load %arg3[%get3A_8, %get3A_9] : memref<2048x128xf32, #tpu.memory_space<vmem>>, vector<2048x128xf32>
    %sub3A = arith.subf %add3A, %get3A_10 : vector<2048x128xf32>
    %mul3A = vector.broadcast %get3A_1 : vector<2048x1xf32> to vector<2048x128xf32>
    %mul3A_11 = arith.mulf %mul3A, %sub3A : vector<2048x128xf32>
    %get3A_12 = arith.constant 0 : index
    %get3A_13 = arith.constant 0 : index
    %get3A_14 = vector.load %arg5[%get3A_12, %get3A_13] : memref<1x128xf32, #tpu.memory_space<vmem>>, vector<1x128xf32>
    %add3A_15 = vector.broadcast %get3A_14 : vector<1x128xf32> to vector<2048x128xf32>
    %add3A_16 = arith.addf %mul3A_11, %add3A_15 : vector<2048x128xf32>
    %max3A = arith.constant 0.000000e+00 : f32
    %max3A_17 = vector.broadcast %max3A : f32 to vector<2048x128xf32>
    %max3A_18 = arith.maximumf %add3A_16, %max3A_17 : vector<2048x128xf32>
    %get3A_19 = arith.constant 0 : index
    %get3A_20 = arith.constant 0 : index
    %get3A_21 = vector.load %arg6[%get3A_19, %get3A_20] : memref<128x128xf32, #tpu.memory_space<vmem>>, vector<128x128xf32>
    %dot_general3A = arith.constant dense<0.000000e+00> : vector<2048x128xf32>
    %dot_general3A_22 = tpu.matmul %max3A_18, %get3A_21, %dot_general3A {dimension_numbers = #tpu.dot_dimension_numbers<[1], [0], [0], [1], [0, 0, 1, 1], [], []>, transpose_lhs_hint = false} : vector<2048x128xf32>, vector<128x128xf32>, vector<2048x128xf32> -> vector<2048x128xf32>
    %mul3A_23 = vector.broadcast %get3A_1 : vector<2048x1xf32> to vector<2048x128xf32>
    %mul3A_24 = arith.mulf %mul3A_23, %dot_general3A_22 : vector<2048x128xf32>
    %swap3A = arith.constant 0 : index
    %swap3A_25 = arith.constant 0 : index
    %swap3A_26 = vector.load %arg7[%swap3A, %swap3A_25] : memref<2048x128xf32, #tpu.memory_space<vmem>>, vector<2048x128xf32>
    tpu.vector_store %arg7[%swap3A, %swap3A_25], %mul3A_24 {strides = array<i32>} : memref<2048x128xf32, #tpu.memory_space<vmem>>, vector<2048x128xf32>,
    return
  }
  func.func @transform_0(%arg0: i32) -> (i32, i32) {
    %c0_i32 = arith.constant 0 : i32
    %c0_i32_0 = arith.constant 0 : i32
    return %arg0, %c0_i32 : i32, i32
  }
  func.func @transform_1(%arg0: i32) -> (i32, i32) {
    %c0_i32 = arith.constant 0 : i32
    %c0_i32_0 = arith.constant 0 : i32
    return %arg0, %c0_i32 : i32, i32
  }
  func.func @transform_2(%arg0: i32) -> (i32, i32) {
    %c0_i32 = arith.constant 0 : i32
    %c0_i32_0 = arith.constant 0 : i32
    return %arg0, %c0_i32 : i32, i32
  }
  func.func @transform_3(%arg0: i32) -> (i32, i32) {
    %c0_i32 = arith.constant 0 : i32
    %c0_i32_0 = arith.constant 0 : i32
    return %arg0, %c0_i32 : i32, i32
  }
  func.func @transform_4(%arg0: i32) -> (i32, i32) {
    %c0_i32 = arith.constant 0 : i32
    %c0_i32_0 = arith.constant 0 : i32
    %c0_i32_1 = arith.constant 0 : i32
    return %c0_i32, %c0_i32_0 : i32, i32
  }
  func.func @transform_5(%arg0: i32) -> (i32, i32) {
    %c0_i32 = arith.constant 0 : i32
    %c0_i32_0 = arith.constant 0 : i32
    %c0_i32_1 = arith.constant 0 : i32
    return %c0_i32, %c0_i32_0 : i32, i32
  }
  func.func @transform_6(%arg0: i32) -> (i32, i32) {
    %c0_i32 = arith.constant 0 : i32
    %c0_i32_0 = arith.constant 0 : i32
    return %arg0, %c0_i32 : i32, i32
  }
}

module attributes {stable_mosaic.version = 14 : i64} {
  func.func @_tcfinal_body(%arg0: i32, %arg1: memref<2048x128xf32, #tpu.memory_space<vmem>>, %arg2: memref<2048x128xf32, #tpu.memory_space<vmem>>, %arg3: memref<2048x128xf32, #tpu.memory_space<vmem>>, %arg4: memref<2048x1xf32, #tpu.memory_space<vmem>>, %arg5: memref<1x128xf32, #tpu.memory_space<vmem>>, %arg6: memref<1x2048xi32, #tpu.memory_space<vmem>>, %arg7: memref<128x64xf32, #tpu.memory_space<vmem>>, %arg8: memref<1x64xf32, #tpu.memory_space<vmem>>, %arg9: memref<64x10xf32, #tpu.memory_space<vmem>>, %arg10: memref<1x10xf32, #tpu.memory_space<vmem>>, %arg11: memref<64x10xf32, #tpu.memory_space<vmem>>, %arg12: memref<64x128xf32, #tpu.memory_space<vmem>>, %arg13: memref<64x1xf32, #tpu.memory_space<vmem>>) attributes {dimension_semantics = [#tpu.dimension_semantics<arbitrary>], iteration_bounds = array<i64: 5>, scalar_prefetch = 0 : i64, scratch_operands = 2 : i64, tpu.core_type = #tpu.core_type<tc>, window_params = [{transform_indices = @transform_0, window_bounds = array<i64: 2048, 128>}, {transform_indices = @transform_1, window_bounds = array<i64: 2048, 128>}, {transform_indices = @transform_2, window_bounds = array<i64: 2048, 128>}, {transform_indices = @transform_3, window_bounds = array<i64: 2048, 1>}, {pipeline_mode = #tpu.pipeline_mode<synchronous>, transform_indices = @transform_4, window_bounds = array<i64: 1, 128>}, {transform_indices = @transform_5, window_bounds = array<i64: 1, 2048>}, {pipeline_mode = #tpu.pipeline_mode<synchronous>, transform_indices = @transform_6, window_bounds = array<i64: 128, 64>}, {pipeline_mode = #tpu.pipeline_mode<synchronous>, transform_indices = @transform_7, window_bounds = array<i64: 1, 64>}, {pipeline_mode = #tpu.pipeline_mode<synchronous>, transform_indices = @transform_8, window_bounds = array<i64: 64, 10>}, {pipeline_mode = #tpu.pipeline_mode<synchronous>, transform_indices = @transform_9, window_bounds = array<i64: 1, 10>}, {pipeline_mode = #tpu.pipeline_mode<synchronous>, transform_indices = @transform_10, window_bounds = array<i64: 64, 10>}]} {
    %eq3A = arith.constant 0 : i32
    %eq3A_0 = arith.cmpi eq, %arg0, %eq3A : i32
    %convert_element_type3A = arith.extui %eq3A_0 : i1 to i32
    %cond3A = arith.constant 0 : i32
    %cond3A_1 = arith.cmpi ne, %convert_element_type3A, %cond3A : i32
    scf.if %cond3A_1 {
      %broadcast_in_dim3A_49 = arith.constant 0.000000e+00 : f32
      %broadcast_in_dim3A_50 = vector.broadcast %broadcast_in_dim3A_49 : f32 to vector<64x128xf32>
      %swap3A_51 = arith.constant 0 : index
      %swap3A_52 = arith.constant 0 : index
      %swap3A_53 = vector.load %arg12[%swap3A_51, %swap3A_52] : memref<64x128xf32, #tpu.memory_space<vmem>>, vector<64x128xf32>
      tpu.vector_store %arg12[%swap3A_51, %swap3A_52], %broadcast_in_dim3A_50 {strides = array<i32>} : memref<64x128xf32, #tpu.memory_space<vmem>>, vector<64x128xf32>,
      %broadcast_in_dim3A_54 = arith.constant 0.000000e+00 : f32
      %broadcast_in_dim3A_55 = vector.broadcast %broadcast_in_dim3A_54 : f32 to vector<64x1xf32>
      %swap3A_56 = arith.constant 0 : index
      %swap3A_57 = arith.constant 0 : index
      %swap3A_58 = vector.load %arg13[%swap3A_56, %swap3A_57] : memref<64x1xf32, #tpu.memory_space<vmem>>, vector<64x1xf32>
      tpu.vector_store %arg13[%swap3A_56, %swap3A_57], %broadcast_in_dim3A_55 {strides = array<i32>} : memref<64x1xf32, #tpu.memory_space<vmem>>, vector<64x1xf32>,
    } else {
    }
    %get3A = arith.constant 0 : index
    %get3A_2 = arith.constant 0 : index
    %get3A_3 = vector.load %arg4[%get3A, %get3A_2] : memref<2048x1xf32, #tpu.memory_space<vmem>>, vector<2048x1xf32>
    %get3A_4 = arith.constant 0 : index
    %get3A_5 = arith.constant 0 : index
    %get3A_6 = vector.load %arg1[%get3A_4, %get3A_5] : memref<2048x128xf32, #tpu.memory_space<vmem>>, vector<2048x128xf32>
    %get3A_7 = arith.constant 0 : index
    %get3A_8 = arith.constant 0 : index
    %get3A_9 = vector.load %arg2[%get3A_7, %get3A_8] : memref<2048x128xf32, #tpu.memory_space<vmem>>, vector<2048x128xf32>
    %add3A = arith.addf %get3A_6, %get3A_9 : vector<2048x128xf32>
    %get3A_10 = arith.constant 0 : index
    %get3A_11 = arith.constant 0 : index
    %get3A_12 = vector.load %arg3[%get3A_10, %get3A_11] : memref<2048x128xf32, #tpu.memory_space<vmem>>, vector<2048x128xf32>
    %sub3A = arith.subf %add3A, %get3A_12 : vector<2048x128xf32>
    %mul3A = vector.broadcast %get3A_3 : vector<2048x1xf32> to vector<2048x128xf32>
    %mul3A_13 = arith.mulf %mul3A, %sub3A : vector<2048x128xf32>
    %get3A_14 = arith.constant 0 : index
    %get3A_15 = arith.constant 0 : index
    %get3A_16 = vector.load %arg5[%get3A_14, %get3A_15] : memref<1x128xf32, #tpu.memory_space<vmem>>, vector<1x128xf32>
    %add3A_17 = vector.broadcast %get3A_16 : vector<1x128xf32> to vector<2048x128xf32>
    %add3A_18 = arith.addf %mul3A_13, %add3A_17 : vector<2048x128xf32>
    %max3A = arith.constant 0.000000e+00 : f32
    %max3A_19 = vector.broadcast %max3A : f32 to vector<2048x128xf32>
    %max3A_20 = arith.maximumf %add3A_18, %max3A_19 : vector<2048x128xf32>
    %iota3A = tpu.iota {dimensions = array<i32: 0>} : vector<64x1xi32>
    %get3A_21 = arith.constant 0 : index
    %get3A_22 = arith.constant 0 : index
    %get3A_23 = vector.load %arg6[%get3A_21, %get3A_22] : memref<1x2048xi32, #tpu.memory_space<vmem>>, vector<1x2048xi32>
    %eq3A_24 = vector.broadcast %get3A_23 : vector<1x2048xi32> to vector<64x2048xi32>
    %eq3A_25 = vector.broadcast %iota3A : vector<64x1xi32> to vector<64x2048xi32>
    %eq3A_26 = arith.cmpi eq, %eq3A_24, %eq3A_25 : vector<64x2048xi32>
    %convert_element_type3A_27 = arith.extui %eq3A_26 : vector<64x2048xi1> to vector<64x2048xi32>
    %convert_element_type3A_28 = arith.sitofp %convert_element_type3A_27 : vector<64x2048xi32> to vector<64x2048xf32>
    %get3A_29 = arith.constant 0 : index
    %get3A_30 = arith.constant 0 : index
    %get3A_31 = vector.load %arg12[%get3A_29, %get3A_30] : memref<64x128xf32, #tpu.memory_space<vmem>>, vector<64x128xf32>
    %dot_general3A = arith.constant dense<0.000000e+00> : vector<64x128xf32>
    %dot_general3A_32 = tpu.matmul %convert_element_type3A_28, %max3A_20, %dot_general3A {dimension_numbers = #tpu.dot_dimension_numbers<[1], [0], [0], [1], [0, 0, 1, 1], [], []>, transpose_lhs_hint = false} : vector<64x2048xf32>, vector<2048x128xf32>, vector<64x128xf32> -> vector<64x128xf32>
    %add3A_33 = arith.addf %get3A_31, %dot_general3A_32 : vector<64x128xf32>
    %swap3A = arith.constant 0 : index
    %swap3A_34 = arith.constant 0 : index
    %swap3A_35 = vector.load %arg12[%swap3A, %swap3A_34] : memref<64x128xf32, #tpu.memory_space<vmem>>, vector<64x128xf32>
    tpu.vector_store %arg12[%swap3A, %swap3A_34], %add3A_33 {strides = array<i32>} : memref<64x128xf32, #tpu.memory_space<vmem>>, vector<64x128xf32>,
    %get3A_36 = arith.constant 0 : index
    %get3A_37 = arith.constant 0 : index
    %get3A_38 = vector.load %arg13[%get3A_36, %get3A_37] : memref<64x1xf32, #tpu.memory_space<vmem>>, vector<64x1xf32>
    %reduce_sum3A = arith.constant dense<0.000000e+00> : vector<64xf32>
    %reduce_sum3A_39 = vector.multi_reduction <add>, %convert_element_type3A_28, %reduce_sum3A [1] : vector<64x2048xf32> to vector<64xf32>
    %broadcast_in_dim3A = vector.shape_cast %reduce_sum3A_39 : vector<64xf32> to vector<64x1xf32>
    %add3A_40 = arith.addf %get3A_38, %broadcast_in_dim3A : vector<64x1xf32>
    %swap3A_41 = arith.constant 0 : index
    %swap3A_42 = arith.constant 0 : index
    %swap3A_43 = vector.load %arg13[%swap3A_41, %swap3A_42] : memref<64x1xf32, #tpu.memory_space<vmem>>, vector<64x1xf32>
    tpu.vector_store %arg13[%swap3A_41, %swap3A_42], %add3A_40 {strides = array<i32>} : memref<64x1xf32, #tpu.memory_space<vmem>>, vector<64x1xf32>,
    %eq3A_44 = arith.constant 4 : i32
    %eq3A_45 = arith.cmpi eq, %arg0, %eq3A_44 : i32
    %convert_element_type3A_46 = arith.extui %eq3A_45 : i1 to i32
    %cond3A_47 = arith.constant 0 : i32
    %cond3A_48 = arith.cmpi ne, %convert_element_type3A_46, %cond3A_47 : i32
    scf.if %cond3A_48 {
      %get3A_49 = arith.constant 0 : index
      %get3A_50 = arith.constant 0 : index
      %get3A_51 = vector.load %arg12[%get3A_49, %get3A_50] : memref<64x128xf32, #tpu.memory_space<vmem>>, vector<64x128xf32>
      %get3A_52 = arith.constant 0 : index
      %get3A_53 = arith.constant 0 : index
      %get3A_54 = vector.load %arg13[%get3A_52, %get3A_53] : memref<64x1xf32, #tpu.memory_space<vmem>>, vector<64x1xf32>
      %max3A_55 = arith.constant 1.000000e+00 : f32
      %max3A_56 = vector.broadcast %max3A_55 : f32 to vector<64x1xf32>
      %max3A_57 = arith.maximumf %get3A_54, %max3A_56 : vector<64x1xf32>
      %div3A = vector.broadcast %max3A_57 : vector<64x1xf32> to vector<64x128xf32>
      %div3A_58 = arith.divf %get3A_51, %div3A : vector<64x128xf32>
      %get3A_59 = arith.constant 0 : index
      %get3A_60 = arith.constant 0 : index
      %get3A_61 = vector.load %arg7[%get3A_59, %get3A_60] : memref<128x64xf32, #tpu.memory_space<vmem>>, vector<128x64xf32>
      %dot_general3A_62 = arith.constant dense<0.000000e+00> : vector<64x64xf32>
      %dot_general3A_63 = tpu.matmul %div3A_58, %get3A_61, %dot_general3A_62 {dimension_numbers = #tpu.dot_dimension_numbers<[1], [0], [0], [1], [0, 0, 1, 1], [], []>, transpose_lhs_hint = false} : vector<64x128xf32>, vector<128x64xf32>, vector<64x64xf32> -> vector<64x64xf32>
      %get3A_64 = arith.constant 0 : index
      %get3A_65 = arith.constant 0 : index
      %get3A_66 = vector.load %arg8[%get3A_64, %get3A_65] : memref<1x64xf32, #tpu.memory_space<vmem>>, vector<1x64xf32>
      %add3A_67 = vector.broadcast %get3A_66 : vector<1x64xf32> to vector<64x64xf32>
      %add3A_68 = arith.addf %dot_general3A_63, %add3A_67 : vector<64x64xf32>
      %max3A_69 = arith.constant 0.000000e+00 : f32
      %max3A_70 = vector.broadcast %max3A_69 : f32 to vector<64x64xf32>
      %max3A_71 = arith.maximumf %add3A_68, %max3A_70 : vector<64x64xf32>
      %get3A_72 = arith.constant 0 : index
      %get3A_73 = arith.constant 0 : index
      %get3A_74 = vector.load %arg9[%get3A_72, %get3A_73] : memref<64x10xf32, #tpu.memory_space<vmem>>, vector<64x10xf32>
      %dot_general3A_75 = arith.constant dense<0.000000e+00> : vector<64x10xf32>
      %dot_general3A_76 = tpu.matmul %max3A_71, %get3A_74, %dot_general3A_75 {dimension_numbers = #tpu.dot_dimension_numbers<[1], [0], [0], [1], [0, 0, 1, 1], [], []>, transpose_lhs_hint = false} : vector<64x64xf32>, vector<64x10xf32>, vector<64x10xf32> -> vector<64x10xf32>
      %get3A_77 = arith.constant 0 : index
      %get3A_78 = arith.constant 0 : index
      %get3A_79 = vector.load %arg10[%get3A_77, %get3A_78] : memref<1x10xf32, #tpu.memory_space<vmem>>, vector<1x10xf32>
      %add3A_80 = vector.broadcast %get3A_79 : vector<1x10xf32> to vector<64x10xf32>
      %add3A_81 = arith.addf %dot_general3A_76, %add3A_80 : vector<64x10xf32>
      %swap3A_82 = arith.constant 0 : index
      %swap3A_83 = arith.constant 0 : index
      %swap3A_84 = vector.load %arg11[%swap3A_82, %swap3A_83] : memref<64x10xf32, #tpu.memory_space<vmem>>, vector<64x10xf32>
      tpu.vector_store %arg11[%swap3A_82, %swap3A_83], %add3A_81 {strides = array<i32>} : memref<64x10xf32, #tpu.memory_space<vmem>>, vector<64x10xf32>,
    } else {
    }
    return
  }
  func.func @transform_0(%arg0: i32) -> (i32, i32) {
    %c0_i32 = arith.constant 0 : i32
    %c0_i32_0 = arith.constant 0 : i32
    return %arg0, %c0_i32 : i32, i32
  }
  func.func @transform_1(%arg0: i32) -> (i32, i32) {
    %c0_i32 = arith.constant 0 : i32
    %c0_i32_0 = arith.constant 0 : i32
    return %arg0, %c0_i32 : i32, i32
  }
  func.func @transform_2(%arg0: i32) -> (i32, i32) {
    %c0_i32 = arith.constant 0 : i32
    %c0_i32_0 = arith.constant 0 : i32
    return %arg0, %c0_i32 : i32, i32
  }
  func.func @transform_3(%arg0: i32) -> (i32, i32) {
    %c0_i32 = arith.constant 0 : i32
    %c0_i32_0 = arith.constant 0 : i32
    return %arg0, %c0_i32 : i32, i32
  }
  func.func @transform_4(%arg0: i32) -> (i32, i32) {
    %c0_i32 = arith.constant 0 : i32
    %c0_i32_0 = arith.constant 0 : i32
    %c0_i32_1 = arith.constant 0 : i32
    return %c0_i32, %c0_i32_0 : i32, i32
  }
  func.func @transform_5(%arg0: i32) -> (i32, i32) {
    %c0_i32 = arith.constant 0 : i32
    %c0_i32_0 = arith.constant 0 : i32
    return %c0_i32, %arg0 : i32, i32
  }
  func.func @transform_6(%arg0: i32) -> (i32, i32) {
    %c0_i32 = arith.constant 0 : i32
    %c0_i32_0 = arith.constant 0 : i32
    %c0_i32_1 = arith.constant 0 : i32
    return %c0_i32, %c0_i32_0 : i32, i32
  }
  func.func @transform_7(%arg0: i32) -> (i32, i32) {
    %c0_i32 = arith.constant 0 : i32
    %c0_i32_0 = arith.constant 0 : i32
    %c0_i32_1 = arith.constant 0 : i32
    return %c0_i32, %c0_i32_0 : i32, i32
  }
  func.func @transform_8(%arg0: i32) -> (i32, i32) {
    %c0_i32 = arith.constant 0 : i32
    %c0_i32_0 = arith.constant 0 : i32
    %c0_i32_1 = arith.constant 0 : i32
    return %c0_i32, %c0_i32_0 : i32, i32
  }
  func.func @transform_9(%arg0: i32) -> (i32, i32) {
    %c0_i32 = arith.constant 0 : i32
    %c0_i32_0 = arith.constant 0 : i32
    %c0_i32_1 = arith.constant 0 : i32
    return %c0_i32, %c0_i32_0 : i32, i32
  }
  func.func @transform_10(%arg0: i32) -> (i32, i32) {
    %c0_i32 = arith.constant 0 : i32
    %c0_i32_0 = arith.constant 0 : i32
    %c0_i32_1 = arith.constant 0 : i32
    return %c0_i32, %c0_i32_0 : i32, i32
  }
}

</mosaic_0001>

<sc_bundles>
// kernel: kernel.11.cloned.1.call-start
scs
__scs_entry_jumppad:
0x0: {  	(pc) =	sbr.rel $0x88, $3  }
0x1: {  	(tag) =	ssettag $0x0;
	lr =	simm.s32 $0x1  }
0x2: {  	[smem:$0x3F92] =	sst lr;
	_ =	strace $0xD0000000  }
0x3: {  	_ = 	snop  }
0x4: {  	_ = 	snop  }
0x5: {  	_ = 	snop  }
0x6: {  	_ = 	snop  }
0x7: {  	_ = 	snop  }
__scs_overlays_trampoline_lowered:
0x8: {  	[smem:$0x3FA1] =	sst s0  }
0x9: {  	[smem:$0x3FA2] =	sst s1  }
0xa: {  	[smem:$0x3FA3] =	sst s2  }
0xb: {  	[smem:$0x3FA4] =	sst s3  }
0xc: {  	[smem:$0x3FA5] =	sst s4  }
0xd: {  	[smem:$0x3FA6] =	sst s5  }
0xe: {  	[smem:$0x3FA7] =	sst s6  }
0xf: {  	[smem:$0x3FA8] =	sst s7  }
0x10: {  	[smem:$0x3FA9] =	sst s8  }
0x11: {  	[smem:$0x3FAA] =	sst s9;
	s0 =	simm.s32 @!p0 $0x0  }
0x12: {  	s1 =	sld [smem:$0x3F90];
	s0 =	simm.s32 @p0 $0x1  }
0x13: {  	[smem:$0x3FAB] =	sst s0;
	s0 =	simm.s32 @!p1 $0x0  }
0x14: {  	s2 =	sld [smem:$0x3F8F];
	s0 =	simm.s32 @p1 $0x1  }
0x15: {  	[smem:$0x3FAC] =	sst s0;
	s0 =	simm.s32 @!p2 $0x0  }
0x16: {  	s3 =	sld [smem:$0x3FDB];
	s0 =	simm.s32 @p2 $0x1  }
0x17: {  	s4 =	simm.s32 $0x1BF5;
	[smem:$0x3FAE] =	sst s0  }
0x18: {  	s0 =	sld [smem:$0x3F91];
	_ =	swait.ge [sflag:s4], $0x0  }
0x19: {  	s7 =	sld [smem:$0x3F92]  }
0x1a: {  	s8 =	sadd.s32 $0xFFFFE003, lr  }
0x1b: {  	s9 =	sadd.s32 $0xFFFFFEF7, lr;
	s5 =	simm.s32 $0xFFFFFFFF;
	p2 =	slt.u32 s8, $0xFFFFF086  }
0x1c: {  	p1 =	slt.u32 s9, $0xF7A;
	s5 =	simm.s32 @!p2 $0x0  }
0x1d: {  	s5 =	simm.s32 @p1 $0x1;
	p0 =	seq.s32 s7, s2  }
0x1e: {  	s7 =	smul.u32 @!p0 $0xF7A, s2;
	p2 =	seq.s32 @!p0 s5, $0x0  }
0x1f: {  	s9 =	smul.u32 $0xF7A, s1;
	s8 =	simm.s32 @!p0 $0x1BF5;
	p2 =	por !p2, p0  }
0x20: {  	[sflag:s8] =	ssyncset.s32 @!p0 $0xFFFFF086;
	s6 =	sadd.s32 @!p0 s3, s7;
	s7 =	simm.s32 @!p0 $0x108  }
0x21: {  	s3 =	sadd.s32 s3, s9;
	s6 =	sadd.s32 @!p0 $0x88, s6;
	s7 =	simm.s32 @p2 $0x1082  }
0x22: {  	[simem:s7], [sflag:s8] =	dma.local @!p0 [hbm:s6], $0xF7A  }
0x23: {  	s9 =	sor.u32 $0xD0000000, s2;
	s6 =	simm.s32 $0x108;
	_ =	swait.ge @!p0 [sflag:s8], $0x0  }
0x24: {  	s3 =	sadd.s32 $0x88, s3;
	s6 =	simm.s32 @!p1 $0x1082;
	[sflag:s4] =	ssyncset.s32 $0xFFFFF086  }
0x25: {  	[simem:s6], [sflag:s4] =	dma.local [hbm:s3], $0xF7A  }
0x26: {  	[smem:$0x3F92] =	sst s1;
	(tag) =	ssettag s2;
	_ =	strace s9  }
0x27: {  	s1 =	sld [smem:$0x3FA2]  }
0x28: {  	s2 =	sld [smem:$0x3FA3]  }
0x29: {  	s4 =	sld [smem:$0x3FA5]  }
0x2a: {  	p0 =	seq.s32 s5, $0x0;
	s5 =	sld [smem:$0x3FA6]  }
0x2b: {  	s6 =	sld [smem:$0x3FA7]  }
0x2c: {  	s7 =	sld [smem:$0x3FA8]  }
0x2d: {  	s3 =	simm.s32 $0x108;
	s8 =	sld [smem:$0x3FA9]  }
0x2e: {  	s3 =	simm.s32 @!p0 $0x1082;
	s9 =	sld [smem:$0x3FAA]  }
0x2f: {  	lr =	sadd.s32 s0, s3;
	s0 =	sld [smem:$0x3FA1]  }
0x30: {  	s3 =	sld [smem:$0x3FA4]  }
0x31: {  	[smem:$0x3FAD] =	sst s10  }
0x32: {  	s10 =	sld [smem:$0x3FAB];
	_ =	sdelay $0x3  }
0x33: {  	p0 =	seq.s32 s10, $0x1;
	s10 =	sld [smem:$0x3FAD];
	_ =	sdelay $0x3  }
0x34: {  	[smem:$0x3FAD] =	sst s10  }
0x35: {  	s10 =	sld [smem:$0x3FAC];
	_ =	sdelay $0x3  }
0x36: {  	p1 =	seq.s32 s10, $0x1;
	s10 =	sld [smem:$0x3FAD];
	_ =	sdelay $0x3  }
0x37: {  	[smem:$0x3FAD] =	sst s10  }
0x38: {  	s10 =	sld [smem:$0x3FAE]  }
0x39: {  	_ = 	snop;
	(pc) =	sbr.ind lr, $3  }
0x3a: {  	_ = 	snop  }
0x3b: {  	_ = 	snop  }
0x3c: {  	p2 =	seq.s32 s10, $0x1;
	s10 =	sld [smem:$0x3FAD]  }
0x3d: {  	_ =	shalt  }
0x3e: {  	_ =	shalt  }
0x3f: {  	_ =	shalt  }
0x40: {  	_ =	shalt  }
0x41: {  	_ =	shalt  }
0x42: {  	_ =	shalt  }
0x43: {  	_ =	shalt  }
0x44: {  	_ =	shalt  }
0x45: {  	_ =	shalt  }
0x46: {  	_ =	shalt  }
0x47: {  	_ =	shalt  }
0x48: {  	_ =	shalt  }
0x49: {  	_ =	shalt  }
0x4a: {  	_ =	shalt  }
0x4b: {  	_ =	shalt  }
0x4c: {  	_ =	shalt  }
0x4d: {  	_ =	shalt  }
0x4e: {  	_ =	shalt  }
0x4f: {  	_ =	shalt  }
0x50: {  	_ =	shalt  }
0x51: {  	_ =	shalt  }
0x52: {  	_ =	shalt  }
0x53: {  	_ =	shalt  }
0x54: {  	_ =	shalt  }
0x55: {  	_ =	shalt  }
0x56: {  	_ =	shalt  }
0x57: {  	_ =	shalt  }
0x58: {  	_ =	shalt  }
0x59: {  	_ =	shalt  }
0x5a: {  	_ =	shalt  }
0x5b: {  	_ =	shalt  }
0x5c: {  	_ =	shalt  }
0x5d: {  	_ =	shalt  }
0x5e: {  	_ =	shalt  }
0x5f: {  	_ =	shalt  }
0x60: {  	_ =	shalt  }
0x61: {  	_ =	shalt  }
0x62: {  	_ =	shalt  }
0x63: {  	_ =	shalt  }
0x64: {  	_ =	shalt  }
0x65: {  	_ =	shalt  }
0x66: {  	_ =	shalt  }
0x67: {  	_ =	shalt  }
0x68: {  	_ =	shalt  }
0x69: {  	_ =	shalt  }
0x6a: {  	_ =	shalt  }
0x6b: {  	_ =	shalt  }
0x6c: {  	_ =	shalt  }
0x6d: {  	_ =	shalt  }
0x6e: {  	_ =	shalt  }
0x6f: {  	_ =	shalt  }
0x70: {  	_ =	shalt  }
0x71: {  	_ =	shalt  }
0x72: {  	_ =	shalt  }
0x73: {  	_ =	shalt  }
0x74: {  	_ =	shalt  }
0x75: {  	_ =	shalt  }
0x76: {  	_ =	shalt  }
0x77: {  	_ =	shalt  }
0x78: {  	_ =	shalt  }
0x79: {  	_ =	shalt  }
0x7a: {  	_ =	shalt  }
0x7b: {  	_ =	shalt  }
0x7c: {  	_ =	shalt  }
0x7d: {  	_ =	shalt  }
0x7e: {  	_ =	shalt  }
0x7f: {  	_ =	shalt  }
0x80: {  	_ =	shalt  }
0x81: {  	_ =	shalt  }
0x82: {  	_ =	shalt  }
0x83: {  	_ =	shalt  }
0x84: {  	_ =	shalt  }
0x85: {  	_ =	shalt  }
0x86: {  	_ =	shalt  }
0x87: {  	_ =	shalt  }
.Lfunc_end0:
.L_simem_size_0:
called_computation_lowered:
.L_overlay_start_0:
0x88: {  	s2 =	sld [smem:$0x3FD9]  }
0x89: {  	s3 =	sld [smem:$0x3FFE];
	_ =	sdelay $0x1  }
0x8a: {  	s1 =	srdreg.scid  }
0x8b: {  	s0 =	sand.u32 $0x1, s1  }
0x8c: {  	s16 =	sshll.u32 s0, $0xA;
	s2 =	sadd.s32 s3, s2  }
0x8d: {  	s2 =	sadd.s32 s2, s16  }
0x8e: {  	[smem:$0x3FB9] =	sst s2  }
0x8f: {  	_ = 	snop  }
0x90: {  	(tm) =	ssettm $0x1  }
0x91: {  	s17 =	sld [smem:$0x3FFB];
	_ =	sdelay $0x3  }
0x92: {  	_ =	strace s17  }
0x93: {  	s2 =	sld [smem:$0x3FFC];
	_ =	sdelay $0x3  }
0x94: {  	_ =	strace s2  }
0x95: {  	s2 =	sld [smem:$0x3FFD];
	_ =	sdelay $0x3  }
0x96: {  	_ =	strace s2  }
0x97: {  	_ =	strace $0x8FFFFFFF  }
0x98: {  	s18 =	sld [smem:$0x3FDB];
	_ =	sdelay $0x1  }
0x99: {  	s19 =	simm.s32 $_scs_section_size  }
0x9a: {  	s4 =	simm.s32 $_size__tile_overlayer_lowered;
	s5 =	simm.s32 $_tile_overlayer_lowered  }
0x9b: {  	s22 =	simm.s32 $0x1BFF;
	s21 =	sshll.u32 s5, $0x1;
	s2 =	sadd.s32 s19, s18  }
0x9c: {  	s6 =	simm.s32 $0x0;
	s20 =	sshll.u32 s4, $0x1;
	s4 =	sadd.s32 s21, s2  }
0x9d: {  	[timem:s6], [sflag:s22] =	dma.local [hbm:s4], s20  }
0x9e: {  	_ =	swait.ge [sflag:s22], s20  }
0x9f: {  	s3 =	ssub.s32 $0x0, s20;
	[sflag:s22] =	ssyncset.done $0x0  }
0xa0: {  	[sflag:s22] =	ssyncadd.s32 s3;
	_ =	sdelay $0x1  }
0xa1: {  	s23 =	simm.s32 $0x1B8B  }
0xa2: {  	_ =	swait.ge [sflag:s23], $0x1  }
0xa3: {  	[sflag:s23] =	ssyncset.done $0x0  }
0xa4: {  	s25 =	simm.s32 $0x1B8E;
	s24 =	sld [smem:$0x3FFE];
	[sflag:s23] =	ssyncadd.s32 $0xFFFFFFFF  }
0xa5: {  	s26 =	simm.s32 $execute0_lowered;
	[smem:$0x3FD2] =	sst s25  }
0xa6: {  	s4 =	sshll.u32 s26, $0x1;
	_ =	strace $0x80000046;
	[dreg:$0x1] =	wrdreg $0xFFFFFFFF  }
0xa7: {  	s28 =	simm.s32 $_size_execute0_lowered;
	s2 =	sadd.s32 s2, s4;
	[dreg:$0x0] =	wrdreg $0x0  }
0xa8: {  	s4 =	sshll.u32 s28, $0x1;
	[dreg:$0x2] =	wrdreg s2  }
0xa9: {  	[dreg:$0x3] =	wrdreg s4  }
0xaa: {  	[dreg:$0x4] =	wrdreg $0xC0  }
0xab: {  	_ =	task [dreg:s6], $0x5FFFF  }
0xac: {  	[dreg:$0x1] =	wrdreg $0xFFFFFFFF  }
0xad: {  	[dreg:$0x0] =	wrdreg $0x60  }
0xae: {  	[dreg:$0x2] =	wrdreg s24  }
0xaf: {  	[dreg:$0x3] =	wrdreg $0x41000  }
0xb0: {  	[dreg:$0x4] =	wrdreg $0x9  }
0xb1: {  	_ =	task.clear_ibuf [dreg:s6], $0x5FFFF;
	_ =	strace $0x90000046  }
0xb2: {  	s29 =	simm.s32 $0x9;
	_ =	strace $0x80000048  }
0xb3: {  	_ =	swait.ge [sflag:s29], $0x1  }
0xb4: {  	[sflag:s29] =	ssyncadd.s32 $0xFFFFFFFF  }
0xb5: {  	_ =	strace $0x90000048  }
0xb6: {  	_ =	sfence  }
0xb7: {  	s30 =	sld [smem:$0x0];
	_ =	sdelay $0x2  }
0xb8: {  	s31 =	sshll.u32 s1, $0xD;
	s1 =	sshrl.u32 s1, $0x2  }
0xb9: {  	s3 =	sand.u32 $0x4000, s31;
	s1 =	sadd.s32 s1, s30  }
0xba: {  	s0 =	sor.u32 s3, s0;
	s1 =	sshll.u32 s1, $0x11  }
0xbb: {  	s0 =	sor.u32 s1, s0  }
0xbc: {  	s0 =	sadd.s32 $0x8F2B, s0  }
0xbd: {  	[sflag:s0] =	ssyncadd.remote.s32 $0x1  }
0xbe: {  	_ =	sfence.sel $0xFFFF  }
0xbf: {  	[dreg:$0x0] =	wrdreg $0xFFFFFFFF;
	(pc) =	sbr.abs _section_cstart, $3  }
0xc0: {  	[dreg:$0x1] =	wrdreg $0xFFFFFFFF  }
0xc1: {  	_ =	task.clear_ibuf [dreg:s6], $0x2FFFF;
	_ =	strace $0x9FFFFFFF  }
0xc2: {  	(tm) =	ssettm $0x7FFFFFFF  }
0xc3: {  	_ =	shalt  }
tec
execute0_lowered:
.L_overlay_start_1:
0x0: {  	(tag) =	ssettag $0x1  }
0x1: {  	s0 =	rddreg [dreg:$0x0]  }
0x2: {  	s1 =	rddreg [dreg:$0x1];
	s2 =	simm.s32 $0x0  }
0x3: {  	s3 =	srdreg.scid;
	s4 =	stileid.u32;
	s28 =	simm.s32 $0x3  }
0x4: {  	s29 =	simm.s32 $0x80;
	s30 =	simm.s32 $0x100;
	s31 =	simm.s32 $0x2  }
0x5: {  	[smem:$0x7FF] =	sst s2;
	s3 =	sand.u32 $0x1, s3;
	s15 =	sadd.s32 $0x19E00, s0  }
0x6: {  	s5 =	sadd.s32 $0xFE00, s0;
	s8 =	smul.u32 $0x50000, s4;
	s0 =	sadd.s32 $0x41E00, s0  }
0x7: {  	s10 =	smul.u32 $0x280, s4;
	s20 =	sshll.u32 s4, $0x6;
	_ =	strace $0x80000047  }
0x8: {  	s6 =	ssub.s32 $0x2, s3;
	s9 =	sshll.u32 s3, $0x4;
	s3 =	smul.u32 $0x140000, s3  }
0x9: {  	s16 =	smov.u32 s15;
	s7 =	sshrl.u32 s6, $0x1;
	s8 =	sshrl.u32 s8, $0x2  }
0xa: {  	s9 =	sor.u32 s4, s9;
	s11 =	sadd.s32 $0x80, s10;
	s23 =	sadd.s32 $0x100, s10  }
0xb: {  	s14 =	sadd.s32 $0x180, s10;
	s10 =	sadd.s32 $0x200, s10;
	s6 =	ssub.s32 s6, s7  }
0xc: {  	s7 =	smul.u32 $0x14000, s4;
	s8 =	sadd.s32 s8, s1;
	s12 =	sshll.u32 s11, $0x7  }
0xd: {  	s11 =	sshll.u32 s11, $0x4;
	s13 =	sshll.u32 s23, $0x7;
	s26 =	sshll.u32 s14, $0x7  }
0xe: {  	s14 =	sshll.u32 s14, $0x4;
	[dreg:$0x3] =	wrdreg s8;
	s21 =	sadd.s32 s12, s1  }
0xf: {  	s17 =	smul.u32 $0x2800, s9;
	s22 =	sadd.s32 s15, s11;
	[dreg:$0x5] =	wrdreg s21  }
0x10: {  	s11 =	sshll.u32 s23, $0x4;
	s24 =	sadd.s32 s13, s1;
	[dreg:$0x6] =	wrdreg s22  }
0x11: {  	s18 =	sadd.s32 s26, s1;
	s23 =	sadd.s32 s3, s13;
	[dreg:$0x7] =	wrdreg s24  }
0x12: {  	s19 =	sshrl.u32 s7, $0x3;
	s25 =	sadd.s32 s15, s11;
	[dreg:$0x9] =	wrdreg s18  }
0x13: {  	s18 =	sshll.u32 s10, $0x7;
	s10 =	sshll.u32 s10, $0x4;
	s7 =	sadd.s32 s7, s3  }
0x14: {  	s22 =	sadd.s32 s3, s12;
	s11 =	sadd.s32 s3, s26;
	s24 =	sshrl.u32 s17, $0x3  }
0x15: {  	s8 =	sadd.s32 s15, s19;
	[dreg:$0x8] =	wrdreg s25;
	s19 =	sadd.s32 s15, s14  }
0x16: {  	s21 =	sadd.s32 s15, s10;
	s3 =	sadd.s32 s3, s18;
	s7 =	sshrl.u32 s7, $0x3  }
0x17: {  	s9 =	sshrl.u32 s22, $0x3;
	s25 =	sshrl.u32 s23, $0x3;
	[dreg:$0x4] =	wrdreg s8  }
0x18: {  	s26 =	sshrl.u32 s11, $0x3;
	s8 =	sor.u32 $0x1C03, s20;
	[dreg:$0xa] =	wrdreg s19  }
0x19: {  	s20 =	sadd.s32 s18, s1;
	[dreg:$0xc] =	wrdreg s21;
	s18 =	sadd.s32 s5, s24  }
0x1a: {  	s19 =	sadd.s32 s0, s7;
	s3 =	sshrl.u32 s3, $0x3;
	s21 =	sadd.s32 s0, s25  }
0x1b: {  	s22 =	sadd.s32 s0, s26;
	s24 =	smax.u32 s6, $0x1;
	s26 =	simm.s32 $0x4  }
0x1c: {  	[dreg:$0xb] =	wrdreg s20;
	s20 =	sadd.s32 s0, s9;
	s23 =	sadd.s32 s0, s3  }
0x1d: {  	s25 =	sadd.s32 $0x4F0, s18;
	s0 =	simm.s32 $0x1;
	s3 =	simm.s32 $0x0  }
.LBB2_1:
0x1e: {  	s4 =	rddreg [dreg:$0x3]  }
0x1f: {  	s10 =	rddreg [dreg:$0x4];
	s6 =	sshrl.u32 s4, $0x3  }
0x20: {  	[spmem:s6], [sflag:s8] =	dma.local [hbm:s10], $0x800  }
0x21: {  	s4 =	rddreg [dreg:$0x5]  }
0x22: {  	s11 =	rddreg [dreg:$0x6];
	s7 =	sshrl.u32 s4, $0x3  }
0x23: {  	[spmem:s7], [sflag:s8] =	dma.local [hbm:s11], $0x800  }
0x24: {  	s4 =	rddreg [dreg:$0x7]  }
0x25: {  	s12 =	rddreg [dreg:$0x8];
	s9 =	sshrl.u32 s4, $0x3  }
0x26: {  	[spmem:s9], [sflag:s8] =	dma.local [hbm:s12], $0x800  }
0x27: {  	s4 =	rddreg [dreg:$0x9]  }
0x28: {  	s13 =	rddreg [dreg:$0xa];
	s10 =	sshrl.u32 s4, $0x3  }
0x29: {  	[spmem:s10], [sflag:s8] =	dma.local [hbm:s13], $0x800  }
0x2a: {  	s4 =	rddreg [dreg:$0xb]  }
0x2b: {  	s14 =	rddreg [dreg:$0xc];
	s11 =	sshrl.u32 s4, $0x3  }
0x2c: {  	[spmem:s11], [sflag:s8] =	dma.local [hbm:s14], $0x800  }
0x2d: {  	[tilespmem:s30], [sflag:$0x4] =	stream.linear.gather [hbm4b:s16+s2], $0x4000, $0x38;
	[tilespmem:$0x6900] =	vst v63  }
0x2e: {  	_ =	swait.ge [sflag:s26], $0x4000  }
0x2f: {  	[sflag:s26] =	ssyncset.done $0x0  }
0x30: {  	[sflag:s26] =	ssyncadd.s32 $0xFFFFC000  }
0x31: {  	_ =	swait.ge [sflag:s28], $0x800  }
0x32: {  	[sflag:s28] =	ssyncset.done $0x0  }
0x33: {  	[sflag:s28] =	ssyncadd.s32 $0xFFFFF800  }
0x34: {  	_ =	swait.ge [sflag:s28], $0x800  }
0x35: {  	[sflag:s28] =	ssyncset.done $0x0  }
0x36: {  	[sflag:s28] =	ssyncadd.s32 $0xFFFFF800  }
0x37: {  	_ =	swait.ge [sflag:s28], $0x800  }
0x38: {  	[sflag:s28] =	ssyncset.done $0x0  }
0x39: {  	[sflag:s28] =	ssyncadd.s32 $0xFFFFF800  }
0x3a: {  	_ =	swait.ge [sflag:s28], $0x800  }
0x3b: {  	[sflag:s28] =	ssyncset.done $0x0  }
0x3c: {  	[sflag:s28] =	ssyncadd.s32 $0xFFFFF800  }
0x3d: {  	s12 =	simm.s32 $0x0;
	_ =	swait.ge [sflag:s28], $0x800  }
0x3e: {  	s13 =	sand.u32 $0x3C00, s12;
	[sflag:s28] =	ssyncset.done $0x0  }
0x3f: {  	s12 =	sand.u32 $0x300, s12;
	s13 =	sadd.s32 s17, s13;
	[sflag:s28] =	ssyncadd.s32 $0xFFFFF800  }
0x40: {  	s12 =	sor.u32 s13, s12;
	[bflag:$0x0] =	sbarrier.arrive $0xFFFF  }
0x41: {  	[tilespmem:s2], [sflag:$0x4] =	stream.linear.gather [hbm4b:s18+s2], $0x80, $0x38;
	[tilespmem:$0x6900] =	vst v63  }
0x42: {  	s12 =	sor.u32 $0x80, s12;
	_ =	swait.ge [sflag:s26], $0x80  }
0x43: {  	s12 =	sshrl.u32 s12, $0x3;
	[sflag:s26] =	ssyncset.done $0x0  }
0x44: {  	s12 =	sadd.s32 s5, s12;
	[sflag:s26] =	ssyncadd.s32 $0xFFFFFF80  }
0x45: {  	[tilespmem:s29], [sflag:$0x2] =	stream.linear.gather [hbm4b:s12+s2], $0x80, $0x38;
	[tilespmem:$0x6900] =	vst v63  }
0x46: {  	_ = 	snop  }
0x47: {  	[spmem:s1] =	stream.indirect.scatter.add.f32 [tilespmem:s30], [sflag:$0x4], $0x10, s2, s29, $0xb8;
	[tilespmem:$0x6900] =	vst v63  }
0x48: {  	_ =	swait.ge [sflag:s26], $0x800  }
0x49: {  	s15 =	sand.u32 $0x7C00, s30;
	[sflag:s26] =	ssyncset.done $0x0  }
0x4a: {  	s4 =	sand.u32 $0x380, s30;
	s12 =	sadd.s32 s17, s15;
	[sflag:s26] =	ssyncadd.s32 $0xFFFFF800  }
0x4b: {  	s12 =	sor.u32 s4, s12;
	_ =	swait.ge [sflag:s31], $0x80  }
0x4c: {  	s12 =	sshrl.u32 s12, $0x3;
	[sflag:s31] =	ssyncset.done $0x0  }
0x4d: {  	s12 =	sadd.s32 s5, s12;
	[sflag:s31] =	ssyncadd.s32 $0xFFFFFF80  }
0x4e: {  	[tilespmem:s2], [sflag:$0x1] =	stream.linear.gather [hbm4b:s12+s2], $0x80, $0x38;
	[tilespmem:$0x6900] =	vst v63  }
0x4f: {  	s14 =	simm.s32 $0x100  }
0x50: {  	[spmem:s1] =	stream.indirect.scatter.add.f32 [tilespmem:s30], [sflag:$0x4], $0x10, s29, s29, $0xb8;
	[tilespmem:$0x6900] =	vst v63  }
0x51: {  	s15 =	sand.u32 $0x3C00, s14;
	_ =	swait.ge [sflag:s26], $0x800  }
0x52: {  	s13 =	sadd.s32 s17, s15;
	s12 =	sand.u32 $0x300, s14;
	[sflag:s26] =	ssyncset.done $0x0  }
0x53: {  	s13 =	sor.u32 s13, s12;
	[sflag:s26] =	ssyncadd.s32 $0xFFFFF800  }
0x54: {  	s12 =	simm.s32 $0x200;
	s14 =	sor.u32 $0x80, s13;
	_ =	swait.ge [sflag:s0], $0x80  }
0x55: {  	s13 =	simm.s32 $0x300;
	s14 =	sshrl.u32 s14, $0x3;
	[sflag:s0] =	ssyncset.done $0x0  }
.LBB2_2:
0x56: {  	s14 =	sadd.s32 s5, s14  }
0x57: {  	[sflag:s0] =	ssyncadd.s32 $0xFFFFFF80;
	s15 =	smov.u32 s13;
	s4 =	sadd.s32 $0x100, s13  }
0x58: {  	[tilespmem:s29], [sflag:$0x2] =	stream.linear.gather [hbm4b:s14+s2], $0x80, $0x38;
	[tilespmem:$0x6900] =	vst v63  }
0x59: {  	p0 =	sne.s32 s13, $0x2700  }
0x5a: {  	[spmem:s1] =	stream.indirect.scatter.add.f32 [tilespmem:s30], [sflag:$0x4], $0x10, s2, s29, $0xb8;
	[tilespmem:$0x6900] =	vst v63  }
0x5b: {  	_ =	swait.ge [sflag:s26], $0x800  }
0x5c: {  	s13 =	sand.u32 $0x7C00, s12;
	[sflag:s26] =	ssyncset.done $0x0  }
0x5d: {  	s12 =	sand.u32 $0x380, s12;
	s13 =	sadd.s32 s17, s13;
	[sflag:s26] =	ssyncadd.s32 $0xFFFFF800  }
0x5e: {  	s13 =	sor.u32 s12, s13;
	s12 =	smov.u32 s15;
	_ =	swait.ge [sflag:s31], $0x80  }
0x5f: {  	s13 =	sshrl.u32 s13, $0x3;
	[sflag:s31] =	ssyncset.done $0x0  }
0x60: {  	s13 =	sadd.s32 s5, s13;
	[sflag:s31] =	ssyncadd.s32 $0xFFFFFF80  }
0x61: {  	[tilespmem:s2], [sflag:$0x1] =	stream.linear.gather [hbm4b:s13+s2], $0x80, $0x38;
	[tilespmem:$0x6900] =	vst v63  }
0x62: {  	s13 =	sadd.s32 $0xFFFFFF00, s12  }
0x63: {  	[spmem:s1] =	stream.indirect.scatter.add.f32 [tilespmem:s30], [sflag:$0x4], $0x10, s29, s29, $0xb8;
	[tilespmem:$0x6900] =	vst v63  }
.Ltmp0:
0x64: {  	s14 =	sand.u32 $0x3C00, s13;
	_ =	swait.ge [sflag:s26], $0x800;
	(pc) =	sbr.rel @p0 .LBB2_2-.Ltmp0, $4  }
0x65: {  	s13 =	sand.u32 $0x300, s13;
	s14 =	sadd.s32 s17, s14;
	[sflag:s26] =	ssyncset.done $0x0  }
0x66: {  	s13 =	sor.u32 s14, s13;
	[sflag:s26] =	ssyncadd.s32 $0xFFFFF800  }
0x67: {  	s13 =	sor.u32 $0x80, s13;
	_ =	swait.ge [sflag:s0], $0x80  }
0x68: {  	s14 =	sshrl.u32 s13, $0x3;
	s13 =	smov.u32 s4;
	[sflag:s0] =	ssyncset.done $0x0  }
0x69: {  	s4 =	sadd.s32 s5, s14;
	[sflag:s0] =	ssyncadd.s32 $0xFFFFFF80  }
0x6a: {  	[tilespmem:s29], [sflag:$0x2] =	stream.linear.gather [hbm4b:s4+s2], $0x80, $0x38;
	[tilespmem:$0x6900] =	vst v63  }
0x6b: {  	_ = 	snop  }
0x6c: {  	[spmem:s1] =	stream.indirect.scatter.add.f32 [tilespmem:s30], [sflag:$0x4], $0x10, s2, s29, $0xb8;
	[tilespmem:$0x6900] =	vst v63  }
0x6d: {  	_ =	swait.ge [sflag:s26], $0x800  }
0x6e: {  	s14 =	sand.u32 $0x7C00, s12;
	[sflag:s26] =	ssyncset.done $0x0  }
0x6f: {  	s15 =	sand.u32 $0x380, s12;
	s4 =	sadd.s32 s17, s14;
	[sflag:s26] =	ssyncadd.s32 $0xFFFFF800  }
0x70: {  	s4 =	sor.u32 s15, s4;
	_ =	swait.ge [sflag:s31], $0x80  }
0x71: {  	s4 =	sshrl.u32 s4, $0x3;
	[sflag:s31] =	ssyncset.done $0x0  }
0x72: {  	s4 =	sadd.s32 s5, s4;
	[sflag:s31] =	ssyncadd.s32 $0xFFFFFF80  }
0x73: {  	[tilespmem:s2], [sflag:$0x1] =	stream.linear.gather [hbm4b:s4+s2], $0x80, $0x38;
	[tilespmem:$0x6900] =	vst v63  }
0x74: {  	_ = 	snop  }
0x75: {  	[spmem:s1] =	stream.indirect.scatter.add.f32 [tilespmem:s30], [sflag:$0x4], $0x10, s29, s29, $0xb8;
	[tilespmem:$0x6900] =	vst v63  }
0x76: {  	_ =	swait.ge [sflag:s26], $0x800  }
0x77: {  	[sflag:s26] =	ssyncset.done $0x0  }
0x78: {  	[sflag:s26] =	ssyncadd.s32 $0xFFFFF800  }
0x79: {  	_ =	swait.ge [sflag:s0], $0x80  }
0x7a: {  	[sflag:s0] =	ssyncset.done $0x0  }
0x7b: {  	[sflag:s0] =	ssyncadd.s32 $0xFFFFFF80  }
0x7c: {  	[tilespmem:s29], [sflag:$0x2] =	stream.linear.gather [hbm4b:s25+s2], $0x80, $0x38;
	[tilespmem:$0x6900] =	vst v63  }
0x7d: {  	_ = 	snop  }
0x7e: {  	[spmem:s1] =	stream.indirect.scatter.add.f32 [tilespmem:s30], [sflag:$0x4], $0x10, s2, s29, $0xb8;
	[tilespmem:$0x6900] =	vst v63  }
0x7f: {  	_ =	swait.ge [sflag:s26], $0x800  }
0x80: {  	[sflag:s26] =	ssyncset.done $0x0  }
0x81: {  	[sflag:s26] =	ssyncadd.s32 $0xFFFFF800  }
0x82: {  	_ =	swait.ge [sflag:s31], $0x80  }
0x83: {  	[sflag:s31] =	ssyncset.done $0x0  }
0x84: {  	[sflag:s31] =	ssyncadd.s32 $0xFFFFFF80  }
0x85: {  	[tilespmem:s2], [sflag:$0x1] =	stream.linear.gather [hbm4b:s25+s2], $0x80, $0x38;
	[tilespmem:$0x6900] =	vst v63  }
0x86: {  	_ = 	snop  }
0x87: {  	[spmem:s1] =	stream.indirect.scatter.add.f32 [tilespmem:s30], [sflag:$0x4], $0x10, s29, s29, $0xb8;
	[tilespmem:$0x6900] =	vst v63  }
0x88: {  	_ =	swait.ge [sflag:s26], $0x800  }
0x89: {  	[sflag:s26] =	ssyncset.done $0x0  }
0x8a: {  	[sflag:s26] =	ssyncadd.s32 $0xFFFFF800  }
0x8b: {  	_ =	swait.ge [sflag:s0], $0x80  }
0x8c: {  	[sflag:s0] =	ssyncset.done $0x0  }
0x8d: {  	[sflag:s0] =	ssyncadd.s32 $0xFFFFFF80  }
0x8e: {  	[bflag:$0x0] =	sbarrier.arrive $0xFFFF  }
0x8f: {  	[hbm:s19], [sflag:s8] =	dma.local [spmem:s6], $0x800  }
0x90: {  	[hbm:s20], [sflag:s8] =	dma.local [spmem:s7], $0x800  }
0x91: {  	[hbm:s21], [sflag:s8] =	dma.local [spmem:s9], $0x800  }
0x92: {  	[hbm:s22], [sflag:s8] =	dma.local [spmem:s10], $0x800  }
0x93: {  	[hbm:s23], [sflag:s8] =	dma.local [spmem:s11], $0x800  }
0x94: {  	_ =	swait.ge [sflag:s28], $0x800  }
0x95: {  	[sflag:s28] =	ssyncset.done $0x0  }
0x96: {  	[sflag:s28] =	ssyncadd.s32 $0xFFFFF800  }
0x97: {  	_ =	swait.ge [sflag:s28], $0x800  }
0x98: {  	[sflag:s28] =	ssyncset.done $0x0  }
0x99: {  	[sflag:s28] =	ssyncadd.s32 $0xFFFFF800  }
0x9a: {  	_ =	swait.ge [sflag:s28], $0x800  }
0x9b: {  	[sflag:s28] =	ssyncset.done $0x0  }
0x9c: {  	s3 =	sadd.s32 $0x1, s3;
	[sflag:s28] =	ssyncadd.s32 $0xFFFFF800  }
0x9d: {  	p0 =	sne.s32 s3, s24;
	_ =	swait.ge [sflag:s28], $0x800  }
.Ltmp1:
0x9e: {  	[sflag:s28] =	ssyncset.done $0x0;
	(pc) =	sbr.rel @p0 .LBB2_1-.Ltmp1, $4  }
0x9f: {  	[sflag:s28] =	ssyncadd.s32 $0xFFFFF800  }
0xa0: {  	_ =	swait.ge [sflag:s28], $0x800  }
0xa1: {  	[sflag:s28] =	ssyncset.done $0x0  }
0xa2: {  	[sflag:s28] =	ssyncadd.s32 $0xFFFFF800  }
0xa3: {  	_ =	sfence.sel $0x180000  }
0xa4: {  	[bflag:$0x0] =	sbarrier.arrive $0xFFFF  }
0xa5: {  	_ =	strace $0x90000047  }
0xa6: {  	s0 =	stileid.u32;
	[bflag:$0x2] =	sbarrier.arrive $0xFFFF  }
0xa7: {  	p0 =	sne.s32 s0, $0x0;
	s0 =	rddreg [dreg:$0x2]  }
0xa8: {  	s0 =	sadd.s32 @!p0 $0x100000, s0  }
0xa9: {  	[sflag:s0] =	ssyncadd.tile.s32 @!p0 $0x1;
	_ =	shalt  }
.Lfunc_end2:
_tile_overlayer_lowered:
.L_overlay_start_2:
0xaa: {  	(tag) =	ssettag $0x2  }
0xab: {  	s0 =	rddreg [dreg:$0x0];
	s2 =	stileid.u32  }
0xac: {  	s1 =	rddreg [dreg:$0x1];
	p0 =	sne.s32 s2, $0x0  }
0xad: {  	s3 =	rddreg [dreg:$0x2];
	[bflag:$0x3] =	sbarrier.arrive $0xFFFF;
	s2 =	simm.s32 @!p0 $0x1C04  }
0xae: {  	[timem:s3], [sflag:s2] =	dma.local @!p0 [hbm:s0], s1  }
0xaf: {  	s0 =	simm.s32 @!p0 $0x4  }
0xb0: {  	_ =	swait.ge @!p0 [sflag:s0], s1  }
0xb1: {  	s1 =	ssub.s32 @!p0 $0x0, s1;
	[sflag:s0] =	ssyncset.done @!p0 $0x0  }
0xb2: {  	[sflag:s0] =	ssyncadd.s32 @!p0 s1  }
0xb3: {  	[bflag:$0x3] =	sbarrier.arrive $0xFFFF  }
0xb4: {  	_ =	shalt  }

// kernel: kernel.14.cloned.1.call-start
scs
__scs_entry_jumppad:
0x0: {  	(pc) =	sbr.rel $0x88, $3  }
0x1: {  	(tag) =	ssettag $0x0;
	lr =	simm.s32 $0x1  }
0x2: {  	[smem:$0x3F92] =	sst lr;
	_ =	strace $0xD0000000  }
0x3: {  	_ = 	snop  }
0x4: {  	_ = 	snop  }
0x5: {  	_ = 	snop  }
0x6: {  	_ = 	snop  }
0x7: {  	_ = 	snop  }
__scs_overlays_trampoline_lowered:
0x8: {  	[smem:$0x3FA1] =	sst s0  }
0x9: {  	[smem:$0x3FA2] =	sst s1  }
0xa: {  	[smem:$0x3FA3] =	sst s2  }
0xb: {  	[smem:$0x3FA4] =	sst s3  }
0xc: {  	[smem:$0x3FA5] =	sst s4  }
0xd: {  	[smem:$0x3FA6] =	sst s5  }
0xe: {  	[smem:$0x3FA7] =	sst s6  }
0xf: {  	[smem:$0x3FA8] =	sst s7  }
0x10: {  	[smem:$0x3FA9] =	sst s8  }
0x11: {  	[smem:$0x3FAA] =	sst s9;
	s0 =	simm.s32 @!p0 $0x0  }
0x12: {  	s1 =	sld [smem:$0x3F90];
	s0 =	simm.s32 @p0 $0x1  }
0x13: {  	[smem:$0x3FAB] =	sst s0;
	s0 =	simm.s32 @!p1 $0x0  }
0x14: {  	s2 =	sld [smem:$0x3F8F];
	s0 =	simm.s32 @p1 $0x1  }
0x15: {  	[smem:$0x3FAC] =	sst s0;
	s0 =	simm.s32 @!p2 $0x0  }
0x16: {  	s3 =	sld [smem:$0x3FDB];
	s0 =	simm.s32 @p2 $0x1  }
0x17: {  	s4 =	simm.s32 $0x1BF5;
	[smem:$0x3FAE] =	sst s0  }
0x18: {  	s0 =	sld [smem:$0x3F91];
	_ =	swait.ge [sflag:s4], $0x0  }
0x19: {  	s7 =	sld [smem:$0x3F92]  }
0x1a: {  	s8 =	sadd.s32 $0xFFFFE003, lr  }
0x1b: {  	s9 =	sadd.s32 $0xFFFFFEF7, lr;
	s5 =	simm.s32 $0xFFFFFFFF;
	p2 =	slt.u32 s8, $0xFFFFF086  }
0x1c: {  	p1 =	slt.u32 s9, $0xF7A;
	s5 =	simm.s32 @!p2 $0x0  }
0x1d: {  	s5 =	simm.s32 @p1 $0x1;
	p0 =	seq.s32 s7, s2  }
0x1e: {  	s7 =	smul.u32 @!p0 $0xF7A, s2;
	p2 =	seq.s32 @!p0 s5, $0x0  }
0x1f: {  	s9 =	smul.u32 $0xF7A, s1;
	s8 =	simm.s32 @!p0 $0x1BF5;
	p2 =	por !p2, p0  }
0x20: {  	[sflag:s8] =	ssyncset.s32 @!p0 $0xFFFFF086;
	s6 =	sadd.s32 @!p0 s3, s7;
	s7 =	simm.s32 @!p0 $0x108  }
0x21: {  	s3 =	sadd.s32 s3, s9;
	s6 =	sadd.s32 @!p0 $0x88, s6;
	s7 =	simm.s32 @p2 $0x1082  }
0x22: {  	[simem:s7], [sflag:s8] =	dma.local @!p0 [hbm:s6], $0xF7A  }
0x23: {  	s9 =	sor.u32 $0xD0000000, s2;
	s6 =	simm.s32 $0x108;
	_ =	swait.ge @!p0 [sflag:s8], $0x0  }
0x24: {  	s3 =	sadd.s32 $0x88, s3;
	s6 =	simm.s32 @!p1 $0x1082;
	[sflag:s4] =	ssyncset.s32 $0xFFFFF086  }
0x25: {  	[simem:s6], [sflag:s4] =	dma.local [hbm:s3], $0xF7A  }
0x26: {  	[smem:$0x3F92] =	sst s1;
	(tag) =	ssettag s2;
	_ =	strace s9  }
0x27: {  	s1 =	sld [smem:$0x3FA2]  }
0x28: {  	s2 =	sld [smem:$0x3FA3]  }
0x29: {  	s4 =	sld [smem:$0x3FA5]  }
0x2a: {  	p0 =	seq.s32 s5, $0x0;
	s5 =	sld [smem:$0x3FA6]  }
0x2b: {  	s6 =	sld [smem:$0x3FA7]  }
0x2c: {  	s7 =	sld [smem:$0x3FA8]  }
0x2d: {  	s3 =	simm.s32 $0x108;
	s8 =	sld [smem:$0x3FA9]  }
0x2e: {  	s3 =	simm.s32 @!p0 $0x1082;
	s9 =	sld [smem:$0x3FAA]  }
0x2f: {  	lr =	sadd.s32 s0, s3;
	s0 =	sld [smem:$0x3FA1]  }
0x30: {  	s3 =	sld [smem:$0x3FA4]  }
0x31: {  	[smem:$0x3FAD] =	sst s10  }
0x32: {  	s10 =	sld [smem:$0x3FAB];
	_ =	sdelay $0x3  }
0x33: {  	p0 =	seq.s32 s10, $0x1;
	s10 =	sld [smem:$0x3FAD];
	_ =	sdelay $0x3  }
0x34: {  	[smem:$0x3FAD] =	sst s10  }
0x35: {  	s10 =	sld [smem:$0x3FAC];
	_ =	sdelay $0x3  }
0x36: {  	p1 =	seq.s32 s10, $0x1;
	s10 =	sld [smem:$0x3FAD];
	_ =	sdelay $0x3  }
0x37: {  	[smem:$0x3FAD] =	sst s10  }
0x38: {  	s10 =	sld [smem:$0x3FAE]  }
0x39: {  	_ = 	snop;
	(pc) =	sbr.ind lr, $3  }
0x3a: {  	_ = 	snop  }
0x3b: {  	_ = 	snop  }
0x3c: {  	p2 =	seq.s32 s10, $0x1;
	s10 =	sld [smem:$0x3FAD]  }
0x3d: {  	_ =	shalt  }
0x3e: {  	_ =	shalt  }
0x3f: {  	_ =	shalt  }
0x40: {  	_ =	shalt  }
0x41: {  	_ =	shalt  }
0x42: {  	_ =	shalt  }
0x43: {  	_ =	shalt  }
0x44: {  	_ =	shalt  }
0x45: {  	_ =	shalt  }
0x46: {  	_ =	shalt  }
0x47: {  	_ =	shalt  }
0x48: {  	_ =	shalt  }
0x49: {  	_ =	shalt  }
0x4a: {  	_ =	shalt  }
0x4b: {  	_ =	shalt  }
0x4c: {  	_ =	shalt  }
0x4d: {  	_ =	shalt  }
0x4e: {  	_ =	shalt  }
0x4f: {  	_ =	shalt  }
0x50: {  	_ =	shalt  }
0x51: {  	_ =	shalt  }
0x52: {  	_ =	shalt  }
0x53: {  	_ =	shalt  }
0x54: {  	_ =	shalt  }
0x55: {  	_ =	shalt  }
0x56: {  	_ =	shalt  }
0x57: {  	_ =	shalt  }
0x58: {  	_ =	shalt  }
0x59: {  	_ =	shalt  }
0x5a: {  	_ =	shalt  }
0x5b: {  	_ =	shalt  }
0x5c: {  	_ =	shalt  }
0x5d: {  	_ =	shalt  }
0x5e: {  	_ =	shalt  }
0x5f: {  	_ =	shalt  }
0x60: {  	_ =	shalt  }
0x61: {  	_ =	shalt  }
0x62: {  	_ =	shalt  }
0x63: {  	_ =	shalt  }
0x64: {  	_ =	shalt  }
0x65: {  	_ =	shalt  }
0x66: {  	_ =	shalt  }
0x67: {  	_ =	shalt  }
0x68: {  	_ =	shalt  }
0x69: {  	_ =	shalt  }
0x6a: {  	_ =	shalt  }
0x6b: {  	_ =	shalt  }
0x6c: {  	_ =	shalt  }
0x6d: {  	_ =	shalt  }
0x6e: {  	_ =	shalt  }
0x6f: {  	_ =	shalt  }
0x70: {  	_ =	shalt  }
0x71: {  	_ =	shalt  }
0x72: {  	_ =	shalt  }
0x73: {  	_ =	shalt  }
0x74: {  	_ =	shalt  }
0x75: {  	_ =	shalt  }
0x76: {  	_ =	shalt  }
0x77: {  	_ =	shalt  }
0x78: {  	_ =	shalt  }
0x79: {  	_ =	shalt  }
0x7a: {  	_ =	shalt  }
0x7b: {  	_ =	shalt  }
0x7c: {  	_ =	shalt  }
0x7d: {  	_ =	shalt  }
0x7e: {  	_ =	shalt  }
0x7f: {  	_ =	shalt  }
0x80: {  	_ =	shalt  }
0x81: {  	_ =	shalt  }
0x82: {  	_ =	shalt  }
0x83: {  	_ =	shalt  }
0x84: {  	_ =	shalt  }
0x85: {  	_ =	shalt  }
0x86: {  	_ =	shalt  }
0x87: {  	_ =	shalt  }
.Lfunc_end0:
.L_simem_size_0:
called_computation.1_lowered:
.L_overlay_start_0:
0x88: {  	s2 =	sld [smem:$0x3FD9]  }
0x89: {  	s3 =	sld [smem:$0x3FFE];
	_ =	sdelay $0x1  }
0x8a: {  	s1 =	srdreg.scid  }
0x8b: {  	s0 =	sand.u32 $0x1, s1  }
0x8c: {  	s16 =	sshll.u32 s0, $0xA;
	s2 =	sadd.s32 s3, s2  }
0x8d: {  	s2 =	sadd.s32 s2, s16  }
0x8e: {  	[smem:$0x3FB9] =	sst s2  }
0x8f: {  	_ = 	snop  }
0x90: {  	(tm) =	ssettm $0x1  }
0x91: {  	s17 =	sld [smem:$0x3FFB];
	_ =	sdelay $0x3  }
0x92: {  	_ =	strace s17  }
0x93: {  	s2 =	sld [smem:$0x3FFC];
	_ =	sdelay $0x3  }
0x94: {  	_ =	strace s2  }
0x95: {  	s2 =	sld [smem:$0x3FFD];
	_ =	sdelay $0x3  }
0x96: {  	_ =	strace s2  }
0x97: {  	_ =	strace $0x8FFFFFFF  }
0x98: {  	s18 =	sld [smem:$0x3FDB];
	_ =	sdelay $0x1  }
0x99: {  	s19 =	simm.s32 $_scs_section_size  }
0x9a: {  	s4 =	simm.s32 $_size__tile_overlayer_lowered;
	s5 =	simm.s32 $_tile_overlayer_lowered  }
0x9b: {  	s22 =	simm.s32 $0x1BFF;
	s21 =	sshll.u32 s5, $0x1;
	s2 =	sadd.s32 s19, s18  }
0x9c: {  	s6 =	simm.s32 $0x0;
	s20 =	sshll.u32 s4, $0x1;
	s4 =	sadd.s32 s21, s2  }
0x9d: {  	[timem:s6], [sflag:s22] =	dma.local [hbm:s4], s20  }
0x9e: {  	_ =	swait.ge [sflag:s22], s20  }
0x9f: {  	s3 =	ssub.s32 $0x0, s20;
	[sflag:s22] =	ssyncset.done $0x0  }
0xa0: {  	[sflag:s22] =	ssyncadd.s32 s3;
	_ =	sdelay $0x1  }
0xa1: {  	s23 =	simm.s32 $0x1B8B  }
0xa2: {  	_ =	swait.ge [sflag:s23], $0x1  }
0xa3: {  	[sflag:s23] =	ssyncset.done $0x0  }
0xa4: {  	s25 =	simm.s32 $0x1B8E;
	s24 =	sld [smem:$0x3FFE];
	[sflag:s23] =	ssyncadd.s32 $0xFFFFFFFF  }
0xa5: {  	s26 =	simm.s32 $execute0_lowered;
	[smem:$0x3FD2] =	sst s25  }
0xa6: {  	s4 =	sshll.u32 s26, $0x1;
	_ =	strace $0x80000049;
	[dreg:$0x1] =	wrdreg $0xFFFFFFFF  }
0xa7: {  	s28 =	simm.s32 $_size_execute0_lowered;
	s2 =	sadd.s32 s2, s4;
	[dreg:$0x0] =	wrdreg $0x0  }
0xa8: {  	s4 =	sshll.u32 s28, $0x1;
	[dreg:$0x2] =	wrdreg s2  }
0xa9: {  	[dreg:$0x3] =	wrdreg s4  }
0xaa: {  	[dreg:$0x4] =	wrdreg $0xC0  }
0xab: {  	_ =	task [dreg:s6], $0x5FFFF  }
0xac: {  	[dreg:$0x1] =	wrdreg $0xFFFFFFFF  }
0xad: {  	[dreg:$0x0] =	wrdreg $0x60  }
0xae: {  	[dreg:$0x2] =	wrdreg s24  }
0xaf: {  	[dreg:$0x3] =	wrdreg $0x82000  }
0xb0: {  	[dreg:$0x4] =	wrdreg $0x9  }
0xb1: {  	_ =	task.clear_ibuf [dreg:s6], $0x5FFFF;
	_ =	strace $0x90000049  }
0xb2: {  	s29 =	simm.s32 $0x9;
	_ =	strace $0x8000004B  }
0xb3: {  	_ =	swait.ge [sflag:s29], $0x1  }
0xb4: {  	[sflag:s29] =	ssyncadd.s32 $0xFFFFFFFF  }
0xb5: {  	_ =	strace $0x9000004B  }
0xb6: {  	_ =	sfence  }
0xb7: {  	s30 =	sld [smem:$0x0];
	_ =	sdelay $0x2  }
0xb8: {  	s31 =	sshll.u32 s1, $0xD;
	s1 =	sshrl.u32 s1, $0x2  }
0xb9: {  	s3 =	sand.u32 $0x4000, s31;
	s1 =	sadd.s32 s1, s30  }
0xba: {  	s0 =	sor.u32 s3, s0;
	s1 =	sshll.u32 s1, $0x11  }
0xbb: {  	s0 =	sor.u32 s1, s0  }
0xbc: {  	s0 =	sadd.s32 $0x8F2B, s0  }
0xbd: {  	[sflag:s0] =	ssyncadd.remote.s32 $0x1  }
0xbe: {  	_ =	sfence.sel $0xFFFF  }
0xbf: {  	[dreg:$0x0] =	wrdreg $0xFFFFFFFF;
	(pc) =	sbr.abs _section_cstart, $3  }
0xc0: {  	[dreg:$0x1] =	wrdreg $0xFFFFFFFF  }
0xc1: {  	_ =	task.clear_ibuf [dreg:s6], $0x2FFFF;
	_ =	strace $0x9FFFFFFF  }
0xc2: {  	(tm) =	ssettm $0x7FFFFFFF  }
0xc3: {  	_ =	shalt  }
tec
execute0_lowered:
.L_overlay_start_1:
0x0: {  	(tag) =	ssettag $0x1  }
0x1: {  	s0 =	rddreg [dreg:$0x0]  }
0x2: {  	s1 =	rddreg [dreg:$0x1];
	s2 =	simm.s32 $0x0;
	s3 =	srdreg.scid  }
0x3: {  	s13 =	stileid.u32;
	s30 =	simm.s32 $0x5;
	s31 =	simm.s32 $0x6  }
0x4: {  	[smem:$0x7FF] =	sst s2;
	s4 =	sadd.s32 $0x19E00, s0;
	s8 =	smul.u32 $0x50000, s13  }
0x5: {  	s5 =	sadd.s32 $0x5E00, s0;
	s3 =	sand.u32 $0x1, s3;
	s10 =	smul.u32 $0x280, s13  }
0x6: {  	s6 =	sadd.s32 $0xFE00, s0;
	s0 =	sadd.s32 $0x69E00, s0;
	s12 =	smul.u32 $0x14000, s13  }
0x7: {  	s22 =	sshll.u32 s13, $0x6;
	_ =	strace $0x8000004A;
	s7 =	ssub.s32 $0x2, s3  }
0x8: {  	s11 =	sshll.u32 s3, $0x4;
	s3 =	smul.u32 $0x140000, s3;
	s9 =	sshrl.u32 s7, $0x1  }
0x9: {  	s8 =	sshrl.u32 s8, $0x2;
	s11 =	sor.u32 s13, s11;
	s21 =	sshrl.u32 s12, $0x3  }
0xa: {  	s23 =	sadd.s32 $0x80, s10;
	s25 =	sadd.s32 $0x100, s10;
	s17 =	sadd.s32 $0x180, s10  }
0xb: {  	s10 =	sadd.s32 $0x200, s10;
	s7 =	ssub.s32 s7, s9;
	s8 =	sadd.s32 s8, s1  }
0xc: {  	s9 =	sor.u32 $0x1C05, s22;
	s24 =	sshll.u32 s23, $0x7;
	s13 =	sshll.u32 s23, $0x4  }
0xd: {  	s26 =	sshll.u32 s25, $0x7;
	s18 =	sshll.u32 s17, $0x7;
	s19 =	sshll.u32 s10, $0x7  }
0xe: {  	s10 =	sshll.u32 s10, $0x4;
	[dreg:$0x3] =	wrdreg s8;
	s8 =	sadd.s32 s4, s21  }
0xf: {  	s12 =	sadd.s32 s12, s3;
	s14 =	sadd.s32 s24, s1;
	[dreg:$0x4] =	wrdreg s8  }
0x10: {  	s13 =	sadd.s32 s4, s13;
	s15 =	sadd.s32 s26, s1;
	[dreg:$0x5] =	wrdreg s14  }
0x11: {  	s16 =	sadd.s32 s18, s1;
	s10 =	sadd.s32 s4, s10;
	[dreg:$0x6] =	wrdreg s13  }
0x12: {  	s20 =	sshrl.u32 s12, $0x3;
	s12 =	simm.s32 $0x2;
	[dreg:$0x7] =	wrdreg s15  }
0x13: {  	s14 =	sshll.u32 s25, $0x4;
	[dreg:$0x9] =	wrdreg s16;
	s8 =	sadd.s32 s3, s24  }
0x14: {  	s13 =	sadd.s32 s3, s26;
	s15 =	sadd.s32 s3, s18;
	s3 =	sadd.s32 s3, s19  }
0x15: {  	[dreg:$0xc] =	wrdreg s10;
	s18 =	smul.u32 $0x2800, s11;
	s10 =	sadd.s32 s0, s20  }
0x16: {  	s26 =	smax.u32 s7, $0x1;
	s7 =	simm.s32 $0x100;
	[dreg:$0xd] =	wrdreg s10  }
0x17: {  	s14 =	sadd.s32 s4, s14;
	s8 =	sshrl.u32 s8, $0x3;
	[dreg:$0x14] =	wrdreg s26  }
0x18: {  	[dreg:$0x8] =	wrdreg s14;
	s14 =	sshll.u32 s17, $0x4;
	s8 =	sadd.s32 s0, s8  }
0x19: {  	s21 =	sshrl.u32 s13, $0x3;
	s14 =	sadd.s32 s4, s14;
	[dreg:$0xe] =	wrdreg s8  }
0x1a: {  	s23 =	sshrl.u32 s18, $0x3;
	s8 =	sadd.s32 s0, s21;
	[dreg:$0xa] =	wrdreg s14  }
0x1b: {  	s11 =	simm.s32 $0x1;
	s24 =	sadd.s32 s5, s23;
	[dreg:$0xf] =	wrdreg s8  }
0x1c: {  	s22 =	sshrl.u32 s15, $0x3;
	s25 =	sadd.s32 s6, s23;
	[dreg:$0x12] =	wrdreg s24  }
0x1d: {  	s3 =	sshrl.u32 s3, $0x3;
	s14 =	sadd.s32 s19, s1;
	[dreg:$0x13] =	wrdreg s25  }
0x1e: {  	s10 =	simm.s32 $0x4200;
	s8 =	sadd.s32 s0, s22;
	[dreg:$0xb] =	wrdreg s14  }
0x1f: {  	s13 =	simm.s32 $0x3;
	s0 =	sadd.s32 s0, s3;
	[dreg:$0x10] =	wrdreg s8  }
0x20: {  	s15 =	simm.s32 $0x0;
	s3 =	simm.s32 $0x200;
	[dreg:$0x11] =	wrdreg s0  }
0x21: {  	s0 =	sadd.s32 $0x4F0, s23;
	s8 =	simm.s32 $0x180;
	s14 =	simm.s32 $0x4  }
0x22: {  	s28 =	sadd.s32 s5, s0;
	s29 =	sadd.s32 s6, s0;
	s0 =	simm.s32 $0x80  }
.LBB2_1:
0x23: {  	s16 =	rddreg [dreg:$0x3]  }
0x24: {  	s17 =	rddreg [dreg:$0x4];
	s16 =	sshrl.u32 s16, $0x3  }
0x25: {  	[spmem:s16], [sflag:s9] =	dma.local [hbm:s17], $0x800  }
0x26: {  	s17 =	rddreg [dreg:$0x5]  }
0x27: {  	s19 =	rddreg [dreg:$0x6];
	s17 =	sshrl.u32 s17, $0x3  }
0x28: {  	[spmem:s17], [sflag:s9] =	dma.local [hbm:s19], $0x800  }
0x29: {  	s19 =	rddreg [dreg:$0x7]  }
0x2a: {  	s20 =	rddreg [dreg:$0x8];
	s19 =	sshrl.u32 s19, $0x3  }
0x2b: {  	[spmem:s19], [sflag:s9] =	dma.local [hbm:s20], $0x800  }
0x2c: {  	s20 =	rddreg [dreg:$0x9]  }
0x2d: {  	s21 =	rddreg [dreg:$0xa];
	s20 =	sshrl.u32 s20, $0x3  }
0x2e: {  	[spmem:s20], [sflag:s9] =	dma.local [hbm:s21], $0x800  }
0x2f: {  	s21 =	rddreg [dreg:$0xb]  }
0x30: {  	s22 =	rddreg [dreg:$0xc];
	s21 =	sshrl.u32 s21, $0x3  }
0x31: {  	[spmem:s21], [sflag:s9] =	dma.local [hbm:s22], $0x800  }
0x32: {  	_ =	swait.ge [sflag:s30], $0x800  }
0x33: {  	[sflag:s30] =	ssyncset.done $0x0  }
0x34: {  	[sflag:s30] =	ssyncadd.s32 $0xFFFFF800  }
0x35: {  	_ =	swait.ge [sflag:s30], $0x800  }
0x36: {  	[sflag:s30] =	ssyncset.done $0x0  }
0x37: {  	[sflag:s30] =	ssyncadd.s32 $0xFFFFF800  }
0x38: {  	_ =	swait.ge [sflag:s30], $0x800  }
0x39: {  	[sflag:s30] =	ssyncset.done $0x0  }
0x3a: {  	[sflag:s30] =	ssyncadd.s32 $0xFFFFF800  }
0x3b: {  	_ =	swait.ge [sflag:s30], $0x800  }
0x3c: {  	[sflag:s30] =	ssyncset.done $0x0  }
0x3d: {  	[sflag:s30] =	ssyncadd.s32 $0xFFFFF800  }
0x3e: {  	_ =	swait.ge [sflag:s30], $0x800  }
0x3f: {  	[sflag:s30] =	ssyncset.done $0x0  }
0x40: {  	[sflag:s30] =	ssyncadd.s32 $0xFFFFF800  }
0x41: {  	[bflag:$0x0] =	sbarrier.arrive $0xFFFF  }
0x42: {  	s23 =	rddreg [dreg:$0x12]  }
0x43: {  	[tilespmem:s2], [sflag:$0x6] =	stream.linear.gather [hbm4b:s23+s2], $0x80, $0x38;
	[tilespmem:$0x1C200] =	vst v63  }
0x44: {  	s25 =	simm.s32 $0x0;
	_ =	swait.ge [sflag:s31], $0x80  }
0x45: {  	s22 =	sand.u32 $0x300, s25;
	s23 =	sand.u32 $0x3C00, s25;
	[sflag:s31] =	ssyncset.done $0x0  }
0x46: {  	s23 =	sadd.s32 s18, s23;
	s24 =	rddreg [dreg:$0x13];
	[sflag:s31] =	ssyncadd.s32 $0xFFFFFF80  }
0x47: {  	[tilespmem:s0], [sflag:$0x6] =	stream.linear.gather [hbm4b:s24+s2], $0x80, $0x38;
	[tilespmem:$0x1C200] =	vst v63  }
0x48: {  	s22 =	sor.u32 s23, s22;
	_ =	swait.ge [sflag:s31], $0x80  }
0x49: {  	s22 =	sor.u32 $0x80, s22;
	[sflag:s31] =	ssyncset.done $0x0  }
0x4a: {  	s22 =	sshrl.u32 s22, $0x3;
	[sflag:s31] =	ssyncadd.s32 $0xFFFFFF80  }
0x4b: {  	[tilespmem:s3], [sflag:$0x1] =	stream.indirect.gather [hbm4b:s4+s0], $0x80, s2, s0, $0xb8;
	[tilespmem:$0x1C200] =	vst v63  }
0x4c: {  	s26 =	sadd.s32 s5, s22  }
0x4d: {  	[tilespmem:s7], [sflag:$0x6] =	stream.linear.gather [hbm4b:s26+s2], $0x80, $0x38;
	[tilespmem:$0x1C200] =	vst v63  }
0x4e: {  	_ =	swait.ge [sflag:s31], $0x80  }
0x4f: {  	[sflag:s31] =	ssyncset.done $0x0  }
0x50: {  	s22 =	sadd.s32 s6, s22;
	[sflag:s31] =	ssyncadd.s32 $0xFFFFFF80  }
0x51: {  	[tilespmem:s8], [sflag:$0x6] =	stream.linear.gather [hbm4b:s22+s2], $0x80, $0x38;
	[tilespmem:$0x1C200] =	vst v63  }
0x52: {  	_ =	swait.ge [sflag:s31], $0x80  }
0x53: {  	[sflag:s31] =	ssyncset.done $0x0  }
0x54: {  	[sflag:s31] =	ssyncadd.s32 $0xFFFFFF80  }
0x55: {  	[tilespmem:s10], [sflag:$0x2] =	stream.indirect.gather [hbm4b:s4+s0], $0x80, s7, s0, $0xb8;
	[tilespmem:$0x1C200] =	vst v63  }
0x56: {  	_ =	swait.ge [sflag:s11], $0x4000  }
0x57: {  	[sflag:s11] =	ssyncset.done $0x0  }
0x58: {  	[sflag:s11] =	ssyncadd.s32 $0xFFFFC000  }
0x59: {  	[spmem:s1] =	stream.indirect.scatter.add.f32 [tilespmem:s3], [sflag:$0x3], $0x80, s0, s0, $0xb8;
	[tilespmem:$0x1C200] =	vst v63  }
0x5a: {  	_ =	swait.ge [sflag:s12], $0x4000  }
0x5b: {  	s23 =	sand.u32 $0x7C00, s7;
	[sflag:s12] =	ssyncset.done $0x0  }
0x5c: {  	s24 =	sand.u32 $0x380, s7;
	s22 =	sadd.s32 s18, s23;
	[sflag:s12] =	ssyncadd.s32 $0xFFFFC000  }
0x5d: {  	[spmem:s1] =	stream.indirect.scatter.add.f32 [tilespmem:s10], [sflag:$0x4], $0x80, s8, s0, $0xb8;
	[tilespmem:$0x1C200] =	vst v63  }
0x5e: {  	s22 =	sor.u32 s24, s22;
	_ =	swait.ge [sflag:s13], $0x4000  }
0x5f: {  	s22 =	sshrl.u32 s22, $0x3;
	[sflag:s13] =	ssyncset.done $0x0  }
0x60: {  	s25 =	sadd.s32 s5, s22;
	[sflag:s13] =	ssyncadd.s32 $0xFFFFC000  }
0x61: {  	[tilespmem:s2], [sflag:$0x1] =	stream.linear.gather [hbm4b:s25+s2], $0x80, $0x38;
	[tilespmem:$0x1C200] =	vst v63  }
0x62: {  	s22 =	sadd.s32 s6, s22  }
0x63: {  	[tilespmem:s0], [sflag:$0x2] =	stream.linear.gather [hbm4b:s22+s2], $0x80, $0x38;
	[tilespmem:$0x1C200] =	vst v63  }
0x64: {  	_ =	swait.ge [sflag:s14], $0x4000  }
0x65: {  	s26 =	simm.s32 $0x100;
	[sflag:s14] =	ssyncset.done $0x0  }
0x66: {  	s24 =	sand.u32 $0x3C00, s26;
	[sflag:s14] =	ssyncadd.s32 $0xFFFFC000  }
0x67: {  	s23 =	sand.u32 $0x300, s26;
	s24 =	sadd.s32 s18, s24;
	_ =	swait.ge [sflag:s11], $0x80  }
0x68: {  	s24 =	sor.u32 s24, s23;
	[sflag:s11] =	ssyncset.done $0x0  }
0x69: {  	s23 =	simm.s32 $0x300;
	s22 =	simm.s32 $0x200;
	[sflag:s11] =	ssyncadd.s32 $0xFFFFFF80  }
.LBB2_2:
0x6a: {  	s24 =	sor.u32 $0x80, s24  }
0x6b: {  	_ =	swait.ge [sflag:s12], $0x80;
	s26 =	smov.u32 s23;
	s25 =	sadd.s32 $0x100, s23  }
0x6c: {  	p0 =	sne.s32 s23, $0x2700;
	s23 =	sshrl.u32 s24, $0x3;
	[sflag:s12] =	ssyncset.done $0x0  }
0x6d: {  	s24 =	sadd.s32 s5, s23;
	[sflag:s12] =	ssyncadd.s32 $0xFFFFFF80  }
0x6e: {  	[tilespmem:s3], [sflag:$0x1] =	stream.indirect.gather [hbm4b:s4+s0], $0x80, s2, s0, $0xb8;
	[tilespmem:$0x1C200] =	vst v63  }
0x6f: {  	_ = 	snop  }
0x70: {  	[tilespmem:s7], [sflag:$0x6] =	stream.linear.gather [hbm4b:s24+s2], $0x80, $0x38;
	[tilespmem:$0x1C200] =	vst v63  }
0x71: {  	s23 =	sadd.s32 s6, s23;
	_ =	swait.ge [sflag:s31], $0x80  }
0x72: {  	[sflag:s31] =	ssyncset.done $0x0  }
0x73: {  	[sflag:s31] =	ssyncadd.s32 $0xFFFFFF80  }
0x74: {  	[tilespmem:s8], [sflag:$0x6] =	stream.linear.gather [hbm4b:s23+s2], $0x80, $0x38;
	[tilespmem:$0x1C200] =	vst v63  }
0x75: {  	_ =	swait.ge [sflag:s31], $0x80  }
0x76: {  	[sflag:s31] =	ssyncset.done $0x0  }
0x77: {  	[sflag:s31] =	ssyncadd.s32 $0xFFFFFF80  }
0x78: {  	[tilespmem:s10], [sflag:$0x2] =	stream.indirect.gather [hbm4b:s4+s0], $0x80, s7, s0, $0xb8;
	[tilespmem:$0x1C200] =	vst v63  }
0x79: {  	_ =	swait.ge [sflag:s11], $0x4000  }
0x7a: {  	[sflag:s11] =	ssyncset.done $0x0  }
0x7b: {  	[sflag:s11] =	ssyncadd.s32 $0xFFFFC000  }
0x7c: {  	[spmem:s1] =	stream.indirect.scatter.add.f32 [tilespmem:s3], [sflag:$0x3], $0x80, s0, s0, $0xb8;
	[tilespmem:$0x1C200] =	vst v63  }
0x7d: {  	s23 =	sand.u32 $0x7C00, s22;
	_ =	swait.ge [sflag:s12], $0x4000  }
0x7e: {  	s22 =	sand.u32 $0x380, s22;
	s23 =	sadd.s32 s18, s23;
	[sflag:s12] =	ssyncset.done $0x0  }
0x7f: {  	s23 =	sor.u32 s22, s23;
	s22 =	smov.u32 s26;
	[sflag:s12] =	ssyncadd.s32 $0xFFFFC000  }
0x80: {  	[spmem:s1] =	stream.indirect.scatter.add.f32 [tilespmem:s10], [sflag:$0x4], $0x80, s8, s0, $0xb8;
	[tilespmem:$0x1C200] =	vst v63  }
0x81: {  	s23 =	sshrl.u32 s23, $0x3;
	_ =	swait.ge [sflag:s13], $0x4000  }
0x82: {  	s24 =	sadd.s32 s5, s23;
	[sflag:s13] =	ssyncset.done $0x0  }
0x83: {  	[sflag:s13] =	ssyncadd.s32 $0xFFFFC000  }
0x84: {  	[tilespmem:s2], [sflag:$0x1] =	stream.linear.gather [hbm4b:s24+s2], $0x80, $0x38;
	[tilespmem:$0x1C200] =	vst v63  }
0x85: {  	s23 =	sadd.s32 s6, s23  }
0x86: {  	[tilespmem:s0], [sflag:$0x2] =	stream.linear.gather [hbm4b:s23+s2], $0x80, $0x38;
	[tilespmem:$0x1C200] =	vst v63  }
0x87: {  	_ =	swait.ge [sflag:s14], $0x4000  }
.Ltmp0:
0x88: {  	[sflag:s14] =	ssyncset.done $0x0;
	(pc) =	sbr.rel @p0 .LBB2_2-.Ltmp0, $4  }
0x89: {  	s23 =	sadd.s32 $0xFFFFFF00, s22;
	[sflag:s14] =	ssyncadd.s32 $0xFFFFC000  }
0x8a: {  	s24 =	sand.u32 $0x3C00, s23;
	s23 =	sand.u32 $0x300, s23;
	_ =	swait.ge [sflag:s11], $0x80  }
0x8b: {  	s24 =	sadd.s32 s18, s24;
	[sflag:s11] =	ssyncset.done $0x0  }
0x8c: {  	s24 =	sor.u32 s24, s23;
	s23 =	smov.u32 s25;
	[sflag:s11] =	ssyncadd.s32 $0xFFFFFF80  }
0x8d: {  	_ =	swait.ge [sflag:s12], $0x80  }
0x8e: {  	s23 =	sor.u32 $0x80, s24;
	[sflag:s12] =	ssyncset.done $0x0  }
0x8f: {  	s23 =	sshrl.u32 s23, $0x3;
	[sflag:s12] =	ssyncadd.s32 $0xFFFFFF80  }
0x90: {  	[tilespmem:s3], [sflag:$0x1] =	stream.indirect.gather [hbm4b:s4+s0], $0x80, s2, s0, $0xb8;
	[tilespmem:$0x1C200] =	vst v63  }
0x91: {  	s26 =	sadd.s32 s5, s23  }
0x92: {  	[tilespmem:s7], [sflag:$0x6] =	stream.linear.gather [hbm4b:s26+s2], $0x80, $0x38;
	[tilespmem:$0x1C200] =	vst v63  }
0x93: {  	_ =	swait.ge [sflag:s31], $0x80  }
0x94: {  	[sflag:s31] =	ssyncset.done $0x0  }
0x95: {  	s23 =	sadd.s32 s6, s23;
	[sflag:s31] =	ssyncadd.s32 $0xFFFFFF80  }
0x96: {  	[tilespmem:s8], [sflag:$0x6] =	stream.linear.gather [hbm4b:s23+s2], $0x80, $0x38;
	[tilespmem:$0x1C200] =	vst v63  }
0x97: {  	_ =	swait.ge [sflag:s31], $0x80  }
0x98: {  	[sflag:s31] =	ssyncset.done $0x0  }
0x99: {  	[sflag:s31] =	ssyncadd.s32 $0xFFFFFF80  }
0x9a: {  	[tilespmem:s10], [sflag:$0x2] =	stream.indirect.gather [hbm4b:s4+s0], $0x80, s7, s0, $0xb8;
	[tilespmem:$0x1C200] =	vst v63  }
0x9b: {  	_ =	swait.ge [sflag:s11], $0x4000  }
0x9c: {  	[sflag:s11] =	ssyncset.done $0x0  }
0x9d: {  	[sflag:s11] =	ssyncadd.s32 $0xFFFFC000  }
0x9e: {  	[spmem:s1] =	stream.indirect.scatter.add.f32 [tilespmem:s3], [sflag:$0x3], $0x80, s0, s0, $0xb8;
	[tilespmem:$0x1C200] =	vst v63  }
0x9f: {  	_ =	swait.ge [sflag:s12], $0x4000  }
0xa0: {  	s25 =	sand.u32 $0x7C00, s22;
	[sflag:s12] =	ssyncset.done $0x0  }
0xa1: {  	s26 =	sand.u32 $0x380, s22;
	s23 =	sadd.s32 s18, s25;
	[sflag:s12] =	ssyncadd.s32 $0xFFFFC000  }
0xa2: {  	[spmem:s1] =	stream.indirect.scatter.add.f32 [tilespmem:s10], [sflag:$0x4], $0x80, s8, s0, $0xb8;
	[tilespmem:$0x1C200] =	vst v63  }
0xa3: {  	s22 =	sor.u32 s26, s23;
	_ =	swait.ge [sflag:s13], $0x4000  }
0xa4: {  	s22 =	sshrl.u32 s22, $0x3;
	[sflag:s13] =	ssyncset.done $0x0  }
0xa5: {  	s24 =	sadd.s32 s5, s22;
	[sflag:s13] =	ssyncadd.s32 $0xFFFFC000  }
0xa6: {  	[tilespmem:s2], [sflag:$0x1] =	stream.linear.gather [hbm4b:s24+s2], $0x80, $0x38;
	[tilespmem:$0x1C200] =	vst v63  }
0xa7: {  	s22 =	sadd.s32 s6, s22  }
0xa8: {  	[tilespmem:s0], [sflag:$0x2] =	stream.linear.gather [hbm4b:s22+s2], $0x80, $0x38;
	[tilespmem:$0x1C200] =	vst v63  }
0xa9: {  	_ =	swait.ge [sflag:s14], $0x4000  }
0xaa: {  	[sflag:s14] =	ssyncset.done $0x0  }
0xab: {  	[sflag:s14] =	ssyncadd.s32 $0xFFFFC000  }
0xac: {  	_ =	swait.ge [sflag:s11], $0x80  }
0xad: {  	[sflag:s11] =	ssyncset.done $0x0  }
0xae: {  	[sflag:s11] =	ssyncadd.s32 $0xFFFFFF80  }
0xaf: {  	_ =	swait.ge [sflag:s12], $0x80  }
0xb0: {  	[sflag:s12] =	ssyncset.done $0x0  }
0xb1: {  	[sflag:s12] =	ssyncadd.s32 $0xFFFFFF80  }
0xb2: {  	[tilespmem:s3], [sflag:$0x1] =	stream.indirect.gather [hbm4b:s4+s0], $0x80, s2, s0, $0xb8;
	[tilespmem:$0x1C200] =	vst v63  }
0xb3: {  	_ = 	snop  }
0xb4: {  	[tilespmem:s7], [sflag:$0x6] =	stream.linear.gather [hbm4b:s28+s2], $0x80, $0x38;
	[tilespmem:$0x1C200] =	vst v63  }
0xb5: {  	_ =	swait.ge [sflag:s31], $0x80  }
0xb6: {  	[sflag:s31] =	ssyncset.done $0x0  }
0xb7: {  	[sflag:s31] =	ssyncadd.s32 $0xFFFFFF80  }
0xb8: {  	[tilespmem:s8], [sflag:$0x6] =	stream.linear.gather [hbm4b:s29+s2], $0x80, $0x38;
	[tilespmem:$0x1C200] =	vst v63  }
0xb9: {  	_ =	swait.ge [sflag:s31], $0x80  }
0xba: {  	[sflag:s31] =	ssyncset.done $0x0  }
0xbb: {  	[sflag:s31] =	ssyncadd.s32 $0xFFFFFF80  }
0xbc: {  	[tilespmem:s10], [sflag:$0x2] =	stream.indirect.gather [hbm4b:s4+s0], $0x80, s7, s0, $0xb8;
	[tilespmem:$0x1C200] =	vst v63  }
0xbd: {  	_ =	swait.ge [sflag:s11], $0x4000  }
0xbe: {  	[sflag:s11] =	ssyncset.done $0x0  }
0xbf: {  	[sflag:s11] =	ssyncadd.s32 $0xFFFFC000  }
0xc0: {  	[spmem:s1] =	stream.indirect.scatter.add.f32 [tilespmem:s3], [sflag:$0x3], $0x80, s0, s0, $0xb8;
	[tilespmem:$0x1C200] =	vst v63  }
0xc1: {  	_ =	swait.ge [sflag:s12], $0x4000  }
0xc2: {  	[sflag:s12] =	ssyncset.done $0x0  }
0xc3: {  	[sflag:s12] =	ssyncadd.s32 $0xFFFFC000  }
0xc4: {  	[spmem:s1] =	stream.indirect.scatter.add.f32 [tilespmem:s10], [sflag:$0x4], $0x80, s8, s0, $0xb8;
	[tilespmem:$0x1C200] =	vst v63  }
0xc5: {  	_ =	swait.ge [sflag:s13], $0x4000  }
0xc6: {  	[sflag:s13] =	ssyncset.done $0x0  }
0xc7: {  	[sflag:s13] =	ssyncadd.s32 $0xFFFFC000  }
0xc8: {  	[tilespmem:s2], [sflag:$0x1] =	stream.linear.gather [hbm4b:s28+s2], $0x80, $0x38;
	[tilespmem:$0x1C200] =	vst v63  }
0xc9: {  	_ = 	snop  }
0xca: {  	[tilespmem:s0], [sflag:$0x2] =	stream.linear.gather [hbm4b:s29+s2], $0x80, $0x38;
	[tilespmem:$0x1C200] =	vst v63  }
0xcb: {  	_ =	swait.ge [sflag:s14], $0x4000  }
0xcc: {  	[sflag:s14] =	ssyncset.done $0x0  }
0xcd: {  	[sflag:s14] =	ssyncadd.s32 $0xFFFFC000  }
0xce: {  	_ =	swait.ge [sflag:s11], $0x80  }
0xcf: {  	[sflag:s11] =	ssyncset.done $0x0  }
0xd0: {  	[sflag:s11] =	ssyncadd.s32 $0xFFFFFF80  }
0xd1: {  	_ =	swait.ge [sflag:s12], $0x80  }
0xd2: {  	[sflag:s12] =	ssyncset.done $0x0  }
0xd3: {  	[sflag:s12] =	ssyncadd.s32 $0xFFFFFF80  }
0xd4: {  	[bflag:$0x0] =	sbarrier.arrive $0xFFFF  }
0xd5: {  	s25 =	rddreg [dreg:$0xd]  }
0xd6: {  	[hbm:s25], [sflag:s9] =	dma.local [spmem:s16], $0x800  }
0xd7: {  	s16 =	rddreg [dreg:$0xe]  }
0xd8: {  	[hbm:s16], [sflag:s9] =	dma.local [spmem:s17], $0x800  }
0xd9: {  	s16 =	rddreg [dreg:$0xf]  }
0xda: {  	[hbm:s16], [sflag:s9] =	dma.local [spmem:s19], $0x800  }
0xdb: {  	s16 =	rddreg [dreg:$0x10]  }
0xdc: {  	[hbm:s16], [sflag:s9] =	dma.local [spmem:s20], $0x800  }
0xdd: {  	s16 =	rddreg [dreg:$0x11]  }
0xde: {  	[hbm:s16], [sflag:s9] =	dma.local [spmem:s21], $0x800  }
0xdf: {  	_ =	swait.ge [sflag:s30], $0x800  }
0xe0: {  	[sflag:s30] =	ssyncset.done $0x0  }
0xe1: {  	[sflag:s30] =	ssyncadd.s32 $0xFFFFF800  }
0xe2: {  	_ =	swait.ge [sflag:s30], $0x800  }
0xe3: {  	[sflag:s30] =	ssyncset.done $0x0  }
0xe4: {  	[sflag:s30] =	ssyncadd.s32 $0xFFFFF800  }
0xe5: {  	_ =	swait.ge [sflag:s30], $0x800  }
0xe6: {  	[sflag:s30] =	ssyncset.done $0x0  }
0xe7: {  	[sflag:s30] =	ssyncadd.s32 $0xFFFFF800  }
0xe8: {  	_ =	swait.ge [sflag:s30], $0x800  }
0xe9: {  	[sflag:s30] =	ssyncset.done $0x0  }
0xea: {  	[sflag:s30] =	ssyncadd.s32 $0xFFFFF800  }
0xeb: {  	_ =	swait.ge [sflag:s30], $0x800  }
0xec: {  	s15 =	sadd.s32 $0x1, s15;
	s26 =	rddreg [dreg:$0x14]  }
0xed: {  	p0 =	sne.s32 s15, s26  }
.Ltmp1:
0xee: {  	_ = 	snop;
	(pc) =	sbr.rel @p0 .LBB2_1-.Ltmp1, $3  }
0xef: {  	_ =	sdelay $0x1  }
0xf0: {  	[sflag:s30] =	ssyncset.done $0x0  }
0xf1: {  	[sflag:s30] =	ssyncadd.s32 $0xFFFFF800  }
0xf2: {  	_ =	sfence.sel $0x180000  }
0xf3: {  	[bflag:$0x0] =	sbarrier.arrive $0xFFFF  }
0xf4: {  	_ =	strace $0x9000004A  }
0xf5: {  	s0 =	stileid.u32;
	[bflag:$0x2] =	sbarrier.arrive $0xFFFF  }
0xf6: {  	p0 =	sne.s32 s0, $0x0;
	s0 =	rddreg [dreg:$0x2]  }
0xf7: {  	s0 =	sadd.s32 @!p0 $0x100000, s0  }
0xf8: {  	[sflag:s0] =	ssyncadd.tile.s32 @!p0 $0x1;
	_ =	shalt  }
.Lfunc_end2:
_tile_overlayer_lowered:
.L_overlay_start_2:
0xf9: {  	(tag) =	ssettag $0x2  }
0xfa: {  	s0 =	rddreg [dreg:$0x0];
	s2 =	stileid.u32  }
0xfb: {  	s1 =	rddreg [dreg:$0x1];
	p0 =	sne.s32 s2, $0x0  }
0xfc: {  	s3 =	rddreg [dreg:$0x2];
	[bflag:$0x3] =	sbarrier.arrive $0xFFFF;
	s2 =	simm.s32 @!p0 $0x1C06  }
0xfd: {  	[timem:s3], [sflag:s2] =	dma.local @!p0 [hbm:s0], s1  }
0xfe: {  	s0 =	simm.s32 @!p0 $0x6  }
0xff: {  	_ =	swait.ge @!p0 [sflag:s0], s1  }
0x100: {  	s1 =	ssub.s32 @!p0 $0x0, s1;
	[sflag:s0] =	ssyncset.done @!p0 $0x0  }
0x101: {  	[sflag:s0] =	ssyncadd.s32 @!p0 s1  }
0x102: {  	[bflag:$0x3] =	sbarrier.arrive $0xFFFF  }
0x103: {  	_ =	shalt  }

// kernel: kernel.17.cloned.1.call-start
scs
__scs_entry_jumppad:
0x0: {  	(pc) =	sbr.rel $0x88, $3  }
0x1: {  	(tag) =	ssettag $0x0;
	lr =	simm.s32 $0x1  }
0x2: {  	[smem:$0x3F92] =	sst lr;
	_ =	strace $0xD0000000  }
0x3: {  	_ = 	snop  }
0x4: {  	_ = 	snop  }
0x5: {  	_ = 	snop  }
0x6: {  	_ = 	snop  }
0x7: {  	_ = 	snop  }
__scs_overlays_trampoline_lowered:
0x8: {  	[smem:$0x3FA1] =	sst s0  }
0x9: {  	[smem:$0x3FA2] =	sst s1  }
0xa: {  	[smem:$0x3FA3] =	sst s2  }
0xb: {  	[smem:$0x3FA4] =	sst s3  }
0xc: {  	[smem:$0x3FA5] =	sst s4  }
0xd: {  	[smem:$0x3FA6] =	sst s5  }
0xe: {  	[smem:$0x3FA7] =	sst s6  }
0xf: {  	[smem:$0x3FA8] =	sst s7  }
0x10: {  	[smem:$0x3FA9] =	sst s8  }
0x11: {  	[smem:$0x3FAA] =	sst s9;
	s0 =	simm.s32 @!p0 $0x0  }
0x12: {  	s1 =	sld [smem:$0x3F90];
	s0 =	simm.s32 @p0 $0x1  }
0x13: {  	[smem:$0x3FAB] =	sst s0;
	s0 =	simm.s32 @!p1 $0x0  }
0x14: {  	s2 =	sld [smem:$0x3F8F];
	s0 =	simm.s32 @p1 $0x1  }
0x15: {  	[smem:$0x3FAC] =	sst s0;
	s0 =	simm.s32 @!p2 $0x0  }
0x16: {  	s3 =	sld [smem:$0x3FDB];
	s0 =	simm.s32 @p2 $0x1  }
0x17: {  	s4 =	simm.s32 $0x1BF5;
	[smem:$0x3FAE] =	sst s0  }
0x18: {  	s0 =	sld [smem:$0x3F91];
	_ =	swait.ge [sflag:s4], $0x0  }
0x19: {  	s7 =	sld [smem:$0x3F92]  }
0x1a: {  	s8 =	sadd.s32 $0xFFFFE003, lr  }
0x1b: {  	s9 =	sadd.s32 $0xFFFFFEF7, lr;
	s5 =	simm.s32 $0xFFFFFFFF;
	p2 =	slt.u32 s8, $0xFFFFF086  }
0x1c: {  	p1 =	slt.u32 s9, $0xF7A;
	s5 =	simm.s32 @!p2 $0x0  }
0x1d: {  	s5 =	simm.s32 @p1 $0x1;
	p0 =	seq.s32 s7, s2  }
0x1e: {  	s7 =	smul.u32 @!p0 $0xF7A, s2;
	p2 =	seq.s32 @!p0 s5, $0x0  }
0x1f: {  	s9 =	smul.u32 $0xF7A, s1;
	s8 =	simm.s32 @!p0 $0x1BF5;
	p2 =	por !p2, p0  }
0x20: {  	[sflag:s8] =	ssyncset.s32 @!p0 $0xFFFFF086;
	s6 =	sadd.s32 @!p0 s3, s7;
	s7 =	simm.s32 @!p0 $0x108  }
0x21: {  	s3 =	sadd.s32 s3, s9;
	s6 =	sadd.s32 @!p0 $0x88, s6;
	s7 =	simm.s32 @p2 $0x1082  }
0x22: {  	[simem:s7], [sflag:s8] =	dma.local @!p0 [hbm:s6], $0xF7A  }
0x23: {  	s9 =	sor.u32 $0xD0000000, s2;
	s6 =	simm.s32 $0x108;
	_ =	swait.ge @!p0 [sflag:s8], $0x0  }
0x24: {  	s3 =	sadd.s32 $0x88, s3;
	s6 =	simm.s32 @!p1 $0x1082;
	[sflag:s4] =	ssyncset.s32 $0xFFFFF086  }
0x25: {  	[simem:s6], [sflag:s4] =	dma.local [hbm:s3], $0xF7A  }
0x26: {  	[smem:$0x3F92] =	sst s1;
	(tag) =	ssettag s2;
	_ =	strace s9  }
0x27: {  	s1 =	sld [smem:$0x3FA2]  }
0x28: {  	s2 =	sld [smem:$0x3FA3]  }
0x29: {  	s4 =	sld [smem:$0x3FA5]  }
0x2a: {  	p0 =	seq.s32 s5, $0x0;
	s5 =	sld [smem:$0x3FA6]  }
0x2b: {  	s6 =	sld [smem:$0x3FA7]  }
0x2c: {  	s7 =	sld [smem:$0x3FA8]  }
0x2d: {  	s3 =	simm.s32 $0x108;
	s8 =	sld [smem:$0x3FA9]  }
0x2e: {  	s3 =	simm.s32 @!p0 $0x1082;
	s9 =	sld [smem:$0x3FAA]  }
0x2f: {  	lr =	sadd.s32 s0, s3;
	s0 =	sld [smem:$0x3FA1]  }
0x30: {  	s3 =	sld [smem:$0x3FA4]  }
0x31: {  	[smem:$0x3FAD] =	sst s10  }
0x32: {  	s10 =	sld [smem:$0x3FAB];
	_ =	sdelay $0x3  }
0x33: {  	p0 =	seq.s32 s10, $0x1;
	s10 =	sld [smem:$0x3FAD];
	_ =	sdelay $0x3  }
0x34: {  	[smem:$0x3FAD] =	sst s10  }
0x35: {  	s10 =	sld [smem:$0x3FAC];
	_ =	sdelay $0x3  }
0x36: {  	p1 =	seq.s32 s10, $0x1;
	s10 =	sld [smem:$0x3FAD];
	_ =	sdelay $0x3  }
0x37: {  	[smem:$0x3FAD] =	sst s10  }
0x38: {  	s10 =	sld [smem:$0x3FAE]  }
0x39: {  	_ = 	snop;
	(pc) =	sbr.ind lr, $3  }
0x3a: {  	_ = 	snop  }
0x3b: {  	_ = 	snop  }
0x3c: {  	p2 =	seq.s32 s10, $0x1;
	s10 =	sld [smem:$0x3FAD]  }
0x3d: {  	_ =	shalt  }
0x3e: {  	_ =	shalt  }
0x3f: {  	_ =	shalt  }
0x40: {  	_ =	shalt  }
0x41: {  	_ =	shalt  }
0x42: {  	_ =	shalt  }
0x43: {  	_ =	shalt  }
0x44: {  	_ =	shalt  }
0x45: {  	_ =	shalt  }
0x46: {  	_ =	shalt  }
0x47: {  	_ =	shalt  }
0x48: {  	_ =	shalt  }
0x49: {  	_ =	shalt  }
0x4a: {  	_ =	shalt  }
0x4b: {  	_ =	shalt  }
0x4c: {  	_ =	shalt  }
0x4d: {  	_ =	shalt  }
0x4e: {  	_ =	shalt  }
0x4f: {  	_ =	shalt  }
0x50: {  	_ =	shalt  }
0x51: {  	_ =	shalt  }
0x52: {  	_ =	shalt  }
0x53: {  	_ =	shalt  }
0x54: {  	_ =	shalt  }
0x55: {  	_ =	shalt  }
0x56: {  	_ =	shalt  }
0x57: {  	_ =	shalt  }
0x58: {  	_ =	shalt  }
0x59: {  	_ =	shalt  }
0x5a: {  	_ =	shalt  }
0x5b: {  	_ =	shalt  }
0x5c: {  	_ =	shalt  }
0x5d: {  	_ =	shalt  }
0x5e: {  	_ =	shalt  }
0x5f: {  	_ =	shalt  }
0x60: {  	_ =	shalt  }
0x61: {  	_ =	shalt  }
0x62: {  	_ =	shalt  }
0x63: {  	_ =	shalt  }
0x64: {  	_ =	shalt  }
0x65: {  	_ =	shalt  }
0x66: {  	_ =	shalt  }
0x67: {  	_ =	shalt  }
0x68: {  	_ =	shalt  }
0x69: {  	_ =	shalt  }
0x6a: {  	_ =	shalt  }
0x6b: {  	_ =	shalt  }
0x6c: {  	_ =	shalt  }
0x6d: {  	_ =	shalt  }
0x6e: {  	_ =	shalt  }
0x6f: {  	_ =	shalt  }
0x70: {  	_ =	shalt  }
0x71: {  	_ =	shalt  }
0x72: {  	_ =	shalt  }
0x73: {  	_ =	shalt  }
0x74: {  	_ =	shalt  }
0x75: {  	_ =	shalt  }
0x76: {  	_ =	shalt  }
0x77: {  	_ =	shalt  }
0x78: {  	_ =	shalt  }
0x79: {  	_ =	shalt  }
0x7a: {  	_ =	shalt  }
0x7b: {  	_ =	shalt  }
0x7c: {  	_ =	shalt  }
0x7d: {  	_ =	shalt  }
0x7e: {  	_ =	shalt  }
0x7f: {  	_ =	shalt  }
0x80: {  	_ =	shalt  }
0x81: {  	_ =	shalt  }
0x82: {  	_ =	shalt  }
0x83: {  	_ =	shalt  }
0x84: {  	_ =	shalt  }
0x85: {  	_ =	shalt  }
0x86: {  	_ =	shalt  }
0x87: {  	_ =	shalt  }
.Lfunc_end0:
.L_simem_size_0:
called_computation.2_lowered:
.L_overlay_start_0:
0x88: {  	s2 =	sld [smem:$0x3FD9]  }
0x89: {  	s3 =	sld [smem:$0x3FFE];
	_ =	sdelay $0x1  }
0x8a: {  	s1 =	srdreg.scid  }
0x8b: {  	s0 =	sand.u32 $0x1, s1  }
0x8c: {  	s16 =	sshll.u32 s0, $0xA;
	s2 =	sadd.s32 s3, s2  }
0x8d: {  	s2 =	sadd.s32 s2, s16  }
0x8e: {  	[smem:$0x3FB9] =	sst s2  }
0x8f: {  	_ = 	snop  }
0x90: {  	(tm) =	ssettm $0x1  }
0x91: {  	s17 =	sld [smem:$0x3FFB];
	_ =	sdelay $0x3  }
0x92: {  	_ =	strace s17  }
0x93: {  	s2 =	sld [smem:$0x3FFC];
	_ =	sdelay $0x3  }
0x94: {  	_ =	strace s2  }
0x95: {  	s2 =	sld [smem:$0x3FFD];
	_ =	sdelay $0x3  }
0x96: {  	_ =	strace s2  }
0x97: {  	_ =	strace $0x8FFFFFFF  }
0x98: {  	s18 =	sld [smem:$0x3FDB];
	_ =	sdelay $0x1  }
0x99: {  	s19 =	simm.s32 $_scs_section_size  }
0x9a: {  	s4 =	simm.s32 $_size__tile_overlayer_lowered;
	s5 =	simm.s32 $_tile_overlayer_lowered  }
0x9b: {  	s22 =	simm.s32 $0x1BFF;
	s21 =	sshll.u32 s5, $0x1;
	s2 =	sadd.s32 s19, s18  }
0x9c: {  	s6 =	simm.s32 $0x0;
	s20 =	sshll.u32 s4, $0x1;
	s4 =	sadd.s32 s21, s2  }
0x9d: {  	[timem:s6], [sflag:s22] =	dma.local [hbm:s4], s20  }
0x9e: {  	_ =	swait.ge [sflag:s22], s20  }
0x9f: {  	s3 =	ssub.s32 $0x0, s20;
	[sflag:s22] =	ssyncset.done $0x0  }
0xa0: {  	[sflag:s22] =	ssyncadd.s32 s3;
	_ =	sdelay $0x1  }
0xa1: {  	s23 =	simm.s32 $0x1B8B  }
0xa2: {  	_ =	swait.ge [sflag:s23], $0x1  }
0xa3: {  	[sflag:s23] =	ssyncset.done $0x0  }
0xa4: {  	s25 =	simm.s32 $0x1B8E;
	s24 =	sld [smem:$0x3FFE];
	[sflag:s23] =	ssyncadd.s32 $0xFFFFFFFF  }
0xa5: {  	s26 =	simm.s32 $execute0_lowered;
	[smem:$0x3FD2] =	sst s25  }
0xa6: {  	s4 =	sshll.u32 s26, $0x1;
	_ =	strace $0x8000004C;
	[dreg:$0x1] =	wrdreg $0xFFFFFFFF  }
0xa7: {  	s28 =	simm.s32 $_size_execute0_lowered;
	s2 =	sadd.s32 s2, s4;
	[dreg:$0x0] =	wrdreg $0x0  }
0xa8: {  	s4 =	sshll.u32 s28, $0x1;
	[dreg:$0x2] =	wrdreg s2  }
0xa9: {  	[dreg:$0x3] =	wrdreg s4  }
0xaa: {  	[dreg:$0x4] =	wrdreg $0xC0  }
0xab: {  	_ =	task [dreg:s6], $0x5FFFF  }
0xac: {  	[dreg:$0x1] =	wrdreg $0xFFFFFFFF  }
0xad: {  	[dreg:$0x0] =	wrdreg $0x60  }
0xae: {  	[dreg:$0x2] =	wrdreg s24  }
0xaf: {  	[dreg:$0x3] =	wrdreg $0x82000  }
0xb0: {  	[dreg:$0x4] =	wrdreg $0x9  }
0xb1: {  	_ =	task.clear_ibuf [dreg:s6], $0x5FFFF;
	_ =	strace $0x9000004C  }
0xb2: {  	s29 =	simm.s32 $0x9;
	_ =	strace $0x8000004E  }
0xb3: {  	_ =	swait.ge [sflag:s29], $0x1  }
0xb4: {  	[sflag:s29] =	ssyncadd.s32 $0xFFFFFFFF  }
0xb5: {  	_ =	strace $0x9000004E  }
0xb6: {  	_ =	sfence  }
0xb7: {  	s30 =	sld [smem:$0x0];
	_ =	sdelay $0x2  }
0xb8: {  	s31 =	sshll.u32 s1, $0xD;
	s1 =	sshrl.u32 s1, $0x2  }
0xb9: {  	s3 =	sand.u32 $0x4000, s31;
	s1 =	sadd.s32 s1, s30  }
0xba: {  	s0 =	sor.u32 s3, s0;
	s1 =	sshll.u32 s1, $0x11  }
0xbb: {  	s0 =	sor.u32 s1, s0  }
0xbc: {  	s0 =	sadd.s32 $0x8F2B, s0  }
0xbd: {  	[sflag:s0] =	ssyncadd.remote.s32 $0x1  }
0xbe: {  	_ =	sfence.sel $0xFFFF  }
0xbf: {  	[dreg:$0x0] =	wrdreg $0xFFFFFFFF;
	(pc) =	sbr.abs _section_cstart, $3  }
0xc0: {  	[dreg:$0x1] =	wrdreg $0xFFFFFFFF  }
0xc1: {  	_ =	task.clear_ibuf [dreg:s6], $0x2FFFF;
	_ =	strace $0x9FFFFFFF  }
0xc2: {  	(tm) =	ssettm $0x7FFFFFFF  }
0xc3: {  	_ =	shalt  }
tec
execute0_lowered:
.L_overlay_start_1:
0x0: {  	(tag) =	ssettag $0x1  }
0x1: {  	s0 =	rddreg [dreg:$0x0]  }
0x2: {  	s1 =	rddreg [dreg:$0x1];
	s2 =	simm.s32 $0x0;
	s3 =	srdreg.scid  }
0x3: {  	s13 =	stileid.u32;
	s30 =	simm.s32 $0x5;
	s31 =	simm.s32 $0x6  }
0x4: {  	[smem:$0x7FF] =	sst s2;
	s4 =	sadd.s32 $0x19E00, s0;
	s8 =	smul.u32 $0x50000, s13  }
0x5: {  	s5 =	sadd.s32 $0x5E00, s0;
	s3 =	sand.u32 $0x1, s3;
	s10 =	smul.u32 $0x280, s13  }
0x6: {  	s6 =	sadd.s32 $0xFE00, s0;
	s0 =	sadd.s32 $0x69E00, s0;
	s12 =	smul.u32 $0x14000, s13  }
0x7: {  	s22 =	sshll.u32 s13, $0x6;
	_ =	strace $0x8000004D;
	s7 =	ssub.s32 $0x2, s3  }
0x8: {  	s11 =	sshll.u32 s3, $0x4;
	s3 =	smul.u32 $0x140000, s3;
	s9 =	sshrl.u32 s7, $0x1  }
0x9: {  	s8 =	sshrl.u32 s8, $0x2;
	s11 =	sor.u32 s13, s11;
	s21 =	sshrl.u32 s12, $0x3  }
0xa: {  	s23 =	sadd.s32 $0x80, s10;
	s25 =	sadd.s32 $0x100, s10;
	s17 =	sadd.s32 $0x180, s10  }
0xb: {  	s10 =	sadd.s32 $0x200, s10;
	s7 =	ssub.s32 s7, s9;
	s8 =	sadd.s32 s8, s1  }
0xc: {  	s9 =	sor.u32 $0x1C05, s22;
	s24 =	sshll.u32 s23, $0x7;
	s13 =	sshll.u32 s23, $0x4  }
0xd: {  	s26 =	sshll.u32 s25, $0x7;
	s18 =	sshll.u32 s17, $0x7;
	s19 =	sshll.u32 s10, $0x7  }
0xe: {  	s10 =	sshll.u32 s10, $0x4;
	[dreg:$0x3] =	wrdreg s8;
	s8 =	sadd.s32 s4, s21  }
0xf: {  	s12 =	sadd.s32 s12, s3;
	s14 =	sadd.s32 s24, s1;
	[dreg:$0x4] =	wrdreg s8  }
0x10: {  	s13 =	sadd.s32 s4, s13;
	s15 =	sadd.s32 s26, s1;
	[dreg:$0x5] =	wrdreg s14  }
0x11: {  	s16 =	sadd.s32 s18, s1;
	s10 =	sadd.s32 s4, s10;
	[dreg:$0x6] =	wrdreg s13  }
0x12: {  	s20 =	sshrl.u32 s12, $0x3;
	s12 =	simm.s32 $0x2;
	[dreg:$0x7] =	wrdreg s15  }
0x13: {  	s14 =	sshll.u32 s25, $0x4;
	[dreg:$0x9] =	wrdreg s16;
	s8 =	sadd.s32 s3, s24  }
0x14: {  	s13 =	sadd.s32 s3, s26;
	s15 =	sadd.s32 s3, s18;
	s3 =	sadd.s32 s3, s19  }
0x15: {  	[dreg:$0xc] =	wrdreg s10;
	s18 =	smul.u32 $0x2800, s11;
	s10 =	sadd.s32 s0, s20  }
0x16: {  	s26 =	smax.u32 s7, $0x1;
	s7 =	simm.s32 $0x100;
	[dreg:$0xd] =	wrdreg s10  }
0x17: {  	s14 =	sadd.s32 s4, s14;
	s8 =	sshrl.u32 s8, $0x3;
	[dreg:$0x14] =	wrdreg s26  }
0x18: {  	[dreg:$0x8] =	wrdreg s14;
	s14 =	sshll.u32 s17, $0x4;
	s8 =	sadd.s32 s0, s8  }
0x19: {  	s21 =	sshrl.u32 s13, $0x3;
	s14 =	sadd.s32 s4, s14;
	[dreg:$0xe] =	wrdreg s8  }
0x1a: {  	s23 =	sshrl.u32 s18, $0x3;
	s8 =	sadd.s32 s0, s21;
	[dreg:$0xa] =	wrdreg s14  }
0x1b: {  	s11 =	simm.s32 $0x1;
	s24 =	sadd.s32 s5, s23;
	[dreg:$0xf] =	wrdreg s8  }
0x1c: {  	s22 =	sshrl.u32 s15, $0x3;
	s25 =	sadd.s32 s6, s23;
	[dreg:$0x12] =	wrdreg s24  }
0x1d: {  	s3 =	sshrl.u32 s3, $0x3;
	s14 =	sadd.s32 s19, s1;
	[dreg:$0x13] =	wrdreg s25  }
0x1e: {  	s10 =	simm.s32 $0x4200;
	s8 =	sadd.s32 s0, s22;
	[dreg:$0xb] =	wrdreg s14  }
0x1f: {  	s13 =	simm.s32 $0x3;
	s0 =	sadd.s32 s0, s3;
	[dreg:$0x10] =	wrdreg s8  }
0x20: {  	s15 =	simm.s32 $0x0;
	s3 =	simm.s32 $0x200;
	[dreg:$0x11] =	wrdreg s0  }
0x21: {  	s0 =	sadd.s32 $0x4F0, s23;
	s8 =	simm.s32 $0x180;
	s14 =	simm.s32 $0x4  }
0x22: {  	s28 =	sadd.s32 s5, s0;
	s29 =	sadd.s32 s6, s0;
	s0 =	simm.s32 $0x80  }
.LBB2_1:
0x23: {  	s16 =	rddreg [dreg:$0x3]  }
0x24: {  	s17 =	rddreg [dreg:$0x4];
	s16 =	sshrl.u32 s16, $0x3  }
0x25: {  	[spmem:s16], [sflag:s9] =	dma.local [hbm:s17], $0x800  }
0x26: {  	s17 =	rddreg [dreg:$0x5]  }
0x27: {  	s19 =	rddreg [dreg:$0x6];
	s17 =	sshrl.u32 s17, $0x3  }
0x28: {  	[spmem:s17], [sflag:s9] =	dma.local [hbm:s19], $0x800  }
0x29: {  	s19 =	rddreg [dreg:$0x7]  }
0x2a: {  	s20 =	rddreg [dreg:$0x8];
	s19 =	sshrl.u32 s19, $0x3  }
0x2b: {  	[spmem:s19], [sflag:s9] =	dma.local [hbm:s20], $0x800  }
0x2c: {  	s20 =	rddreg [dreg:$0x9]  }
0x2d: {  	s21 =	rddreg [dreg:$0xa];
	s20 =	sshrl.u32 s20, $0x3  }
0x2e: {  	[spmem:s20], [sflag:s9] =	dma.local [hbm:s21], $0x800  }
0x2f: {  	s21 =	rddreg [dreg:$0xb]  }
0x30: {  	s22 =	rddreg [dreg:$0xc];
	s21 =	sshrl.u32 s21, $0x3  }
0x31: {  	[spmem:s21], [sflag:s9] =	dma.local [hbm:s22], $0x800  }
0x32: {  	_ =	swait.ge [sflag:s30], $0x800  }
0x33: {  	[sflag:s30] =	ssyncset.done $0x0  }
0x34: {  	[sflag:s30] =	ssyncadd.s32 $0xFFFFF800  }
0x35: {  	_ =	swait.ge [sflag:s30], $0x800  }
0x36: {  	[sflag:s30] =	ssyncset.done $0x0  }
0x37: {  	[sflag:s30] =	ssyncadd.s32 $0xFFFFF800  }
0x38: {  	_ =	swait.ge [sflag:s30], $0x800  }
0x39: {  	[sflag:s30] =	ssyncset.done $0x0  }
0x3a: {  	[sflag:s30] =	ssyncadd.s32 $0xFFFFF800  }
0x3b: {  	_ =	swait.ge [sflag:s30], $0x800  }
0x3c: {  	[sflag:s30] =	ssyncset.done $0x0  }
0x3d: {  	[sflag:s30] =	ssyncadd.s32 $0xFFFFF800  }
0x3e: {  	_ =	swait.ge [sflag:s30], $0x800  }
0x3f: {  	[sflag:s30] =	ssyncset.done $0x0  }
0x40: {  	[sflag:s30] =	ssyncadd.s32 $0xFFFFF800  }
0x41: {  	[bflag:$0x0] =	sbarrier.arrive $0xFFFF  }
0x42: {  	s23 =	rddreg [dreg:$0x12]  }
0x43: {  	[tilespmem:s2], [sflag:$0x6] =	stream.linear.gather [hbm4b:s23+s2], $0x80, $0x38;
	[tilespmem:$0x1C200] =	vst v63  }
0x44: {  	s25 =	simm.s32 $0x0;
	_ =	swait.ge [sflag:s31], $0x80  }
0x45: {  	s22 =	sand.u32 $0x300, s25;
	s23 =	sand.u32 $0x3C00, s25;
	[sflag:s31] =	ssyncset.done $0x0  }
0x46: {  	s23 =	sadd.s32 s18, s23;
	s24 =	rddreg [dreg:$0x13];
	[sflag:s31] =	ssyncadd.s32 $0xFFFFFF80  }
0x47: {  	[tilespmem:s0], [sflag:$0x6] =	stream.linear.gather [hbm4b:s24+s2], $0x80, $0x38;
	[tilespmem:$0x1C200] =	vst v63  }
0x48: {  	s22 =	sor.u32 s23, s22;
	_ =	swait.ge [sflag:s31], $0x80  }
0x49: {  	s22 =	sor.u32 $0x80, s22;
	[sflag:s31] =	ssyncset.done $0x0  }
0x4a: {  	s22 =	sshrl.u32 s22, $0x3;
	[sflag:s31] =	ssyncadd.s32 $0xFFFFFF80  }
0x4b: {  	[tilespmem:s3], [sflag:$0x1] =	stream.indirect.gather [hbm4b:s4+s0], $0x80, s2, s0, $0xb8;
	[tilespmem:$0x1C200] =	vst v63  }
0x4c: {  	s26 =	sadd.s32 s5, s22  }
0x4d: {  	[tilespmem:s7], [sflag:$0x6] =	stream.linear.gather [hbm4b:s26+s2], $0x80, $0x38;
	[tilespmem:$0x1C200] =	vst v63  }
0x4e: {  	_ =	swait.ge [sflag:s31], $0x80  }
0x4f: {  	[sflag:s31] =	ssyncset.done $0x0  }
0x50: {  	s22 =	sadd.s32 s6, s22;
	[sflag:s31] =	ssyncadd.s32 $0xFFFFFF80  }
0x51: {  	[tilespmem:s8], [sflag:$0x6] =	stream.linear.gather [hbm4b:s22+s2], $0x80, $0x38;
	[tilespmem:$0x1C200] =	vst v63  }
0x52: {  	_ =	swait.ge [sflag:s31], $0x80  }
0x53: {  	[sflag:s31] =	ssyncset.done $0x0  }
0x54: {  	[sflag:s31] =	ssyncadd.s32 $0xFFFFFF80  }
0x55: {  	[tilespmem:s10], [sflag:$0x2] =	stream.indirect.gather [hbm4b:s4+s0], $0x80, s7, s0, $0xb8;
	[tilespmem:$0x1C200] =	vst v63  }
0x56: {  	_ =	swait.ge [sflag:s11], $0x4000  }
0x57: {  	[sflag:s11] =	ssyncset.done $0x0  }
0x58: {  	[sflag:s11] =	ssyncadd.s32 $0xFFFFC000  }
0x59: {  	[spmem:s1] =	stream.indirect.scatter.add.f32 [tilespmem:s3], [sflag:$0x3], $0x80, s0, s0, $0xb8;
	[tilespmem:$0x1C200] =	vst v63  }
0x5a: {  	_ =	swait.ge [sflag:s12], $0x4000  }
0x5b: {  	s23 =	sand.u32 $0x7C00, s7;
	[sflag:s12] =	ssyncset.done $0x0  }
0x5c: {  	s24 =	sand.u32 $0x380, s7;
	s22 =	sadd.s32 s18, s23;
	[sflag:s12] =	ssyncadd.s32 $0xFFFFC000  }
0x5d: {  	[spmem:s1] =	stream.indirect.scatter.add.f32 [tilespmem:s10], [sflag:$0x4], $0x80, s8, s0, $0xb8;
	[tilespmem:$0x1C200] =	vst v63  }
0x5e: {  	s22 =	sor.u32 s24, s22;
	_ =	swait.ge [sflag:s13], $0x4000  }
0x5f: {  	s22 =	sshrl.u32 s22, $0x3;
	[sflag:s13] =	ssyncset.done $0x0  }
0x60: {  	s25 =	sadd.s32 s5, s22;
	[sflag:s13] =	ssyncadd.s32 $0xFFFFC000  }
0x61: {  	[tilespmem:s2], [sflag:$0x1] =	stream.linear.gather [hbm4b:s25+s2], $0x80, $0x38;
	[tilespmem:$0x1C200] =	vst v63  }
0x62: {  	s22 =	sadd.s32 s6, s22  }
0x63: {  	[tilespmem:s0], [sflag:$0x2] =	stream.linear.gather [hbm4b:s22+s2], $0x80, $0x38;
	[tilespmem:$0x1C200] =	vst v63  }
0x64: {  	_ =	swait.ge [sflag:s14], $0x4000  }
0x65: {  	s26 =	simm.s32 $0x100;
	[sflag:s14] =	ssyncset.done $0x0  }
0x66: {  	s24 =	sand.u32 $0x3C00, s26;
	[sflag:s14] =	ssyncadd.s32 $0xFFFFC000  }
0x67: {  	s23 =	sand.u32 $0x300, s26;
	s24 =	sadd.s32 s18, s24;
	_ =	swait.ge [sflag:s11], $0x80  }
0x68: {  	s24 =	sor.u32 s24, s23;
	[sflag:s11] =	ssyncset.done $0x0  }
0x69: {  	s23 =	simm.s32 $0x300;
	s22 =	simm.s32 $0x200;
	[sflag:s11] =	ssyncadd.s32 $0xFFFFFF80  }
.LBB2_2:
0x6a: {  	s24 =	sor.u32 $0x80, s24  }
0x6b: {  	_ =	swait.ge [sflag:s12], $0x80;
	s26 =	smov.u32 s23;
	s25 =	sadd.s32 $0x100, s23  }
0x6c: {  	p0 =	sne.s32 s23, $0x2700;
	s23 =	sshrl.u32 s24, $0x3;
	[sflag:s12] =	ssyncset.done $0x0  }
0x6d: {  	s24 =	sadd.s32 s5, s23;
	[sflag:s12] =	ssyncadd.s32 $0xFFFFFF80  }
0x6e: {  	[tilespmem:s3], [sflag:$0x1] =	stream.indirect.gather [hbm4b:s4+s0], $0x80, s2, s0, $0xb8;
	[tilespmem:$0x1C200] =	vst v63  }
0x6f: {  	_ = 	snop  }
0x70: {  	[tilespmem:s7], [sflag:$0x6] =	stream.linear.gather [hbm4b:s24+s2], $0x80, $0x38;
	[tilespmem:$0x1C200] =	vst v63  }
0x71: {  	s23 =	sadd.s32 s6, s23;
	_ =	swait.ge [sflag:s31], $0x80  }
0x72: {  	[sflag:s31] =	ssyncset.done $0x0  }
0x73: {  	[sflag:s31] =	ssyncadd.s32 $0xFFFFFF80  }
0x74: {  	[tilespmem:s8], [sflag:$0x6] =	stream.linear.gather [hbm4b:s23+s2], $0x80, $0x38;
	[tilespmem:$0x1C200] =	vst v63  }
0x75: {  	_ =	swait.ge [sflag:s31], $0x80  }
0x76: {  	[sflag:s31] =	ssyncset.done $0x0  }
0x77: {  	[sflag:s31] =	ssyncadd.s32 $0xFFFFFF80  }
0x78: {  	[tilespmem:s10], [sflag:$0x2] =	stream.indirect.gather [hbm4b:s4+s0], $0x80, s7, s0, $0xb8;
	[tilespmem:$0x1C200] =	vst v63  }
0x79: {  	_ =	swait.ge [sflag:s11], $0x4000  }
0x7a: {  	[sflag:s11] =	ssyncset.done $0x0  }
0x7b: {  	[sflag:s11] =	ssyncadd.s32 $0xFFFFC000  }
0x7c: {  	[spmem:s1] =	stream.indirect.scatter.add.f32 [tilespmem:s3], [sflag:$0x3], $0x80, s0, s0, $0xb8;
	[tilespmem:$0x1C200] =	vst v63  }
0x7d: {  	s23 =	sand.u32 $0x7C00, s22;
	_ =	swait.ge [sflag:s12], $0x4000  }
0x7e: {  	s22 =	sand.u32 $0x380, s22;
	s23 =	sadd.s32 s18, s23;
	[sflag:s12] =	ssyncset.done $0x0  }
0x7f: {  	s23 =	sor.u32 s22, s23;
	s22 =	smov.u32 s26;
	[sflag:s12] =	ssyncadd.s32 $0xFFFFC000  }
0x80: {  	[spmem:s1] =	stream.indirect.scatter.add.f32 [tilespmem:s10], [sflag:$0x4], $0x80, s8, s0, $0xb8;
	[tilespmem:$0x1C200] =	vst v63  }
0x81: {  	s23 =	sshrl.u32 s23, $0x3;
	_ =	swait.ge [sflag:s13], $0x4000  }
0x82: {  	s24 =	sadd.s32 s5, s23;
	[sflag:s13] =	ssyncset.done $0x0  }
0x83: {  	[sflag:s13] =	ssyncadd.s32 $0xFFFFC000  }
0x84: {  	[tilespmem:s2], [sflag:$0x1] =	stream.linear.gather [hbm4b:s24+s2], $0x80, $0x38;
	[tilespmem:$0x1C200] =	vst v63  }
0x85: {  	s23 =	sadd.s32 s6, s23  }
0x86: {  	[tilespmem:s0], [sflag:$0x2] =	stream.linear.gather [hbm4b:s23+s2], $0x80, $0x38;
	[tilespmem:$0x1C200] =	vst v63  }
0x87: {  	_ =	swait.ge [sflag:s14], $0x4000  }
.Ltmp0:
0x88: {  	[sflag:s14] =	ssyncset.done $0x0;
	(pc) =	sbr.rel @p0 .LBB2_2-.Ltmp0, $4  }
0x89: {  	s23 =	sadd.s32 $0xFFFFFF00, s22;
	[sflag:s14] =	ssyncadd.s32 $0xFFFFC000  }
0x8a: {  	s24 =	sand.u32 $0x3C00, s23;
	s23 =	sand.u32 $0x300, s23;
	_ =	swait.ge [sflag:s11], $0x80  }
0x8b: {  	s24 =	sadd.s32 s18, s24;
	[sflag:s11] =	ssyncset.done $0x0  }
0x8c: {  	s24 =	sor.u32 s24, s23;
	s23 =	smov.u32 s25;
	[sflag:s11] =	ssyncadd.s32 $0xFFFFFF80  }
0x8d: {  	_ =	swait.ge [sflag:s12], $0x80  }
0x8e: {  	s23 =	sor.u32 $0x80, s24;
	[sflag:s12] =	ssyncset.done $0x0  }
0x8f: {  	s23 =	sshrl.u32 s23, $0x3;
	[sflag:s12] =	ssyncadd.s32 $0xFFFFFF80  }
0x90: {  	[tilespmem:s3], [sflag:$0x1] =	stream.indirect.gather [hbm4b:s4+s0], $0x80, s2, s0, $0xb8;
	[tilespmem:$0x1C200] =	vst v63  }
0x91: {  	s26 =	sadd.s32 s5, s23  }
0x92: {  	[tilespmem:s7], [sflag:$0x6] =	stream.linear.gather [hbm4b:s26+s2], $0x80, $0x38;
	[tilespmem:$0x1C200] =	vst v63  }
0x93: {  	_ =	swait.ge [sflag:s31], $0x80  }
0x94: {  	[sflag:s31] =	ssyncset.done $0x0  }
0x95: {  	s23 =	sadd.s32 s6, s23;
	[sflag:s31] =	ssyncadd.s32 $0xFFFFFF80  }
0x96: {  	[tilespmem:s8], [sflag:$0x6] =	stream.linear.gather [hbm4b:s23+s2], $0x80, $0x38;
	[tilespmem:$0x1C200] =	vst v63  }
0x97: {  	_ =	swait.ge [sflag:s31], $0x80  }
0x98: {  	[sflag:s31] =	ssyncset.done $0x0  }
0x99: {  	[sflag:s31] =	ssyncadd.s32 $0xFFFFFF80  }
0x9a: {  	[tilespmem:s10], [sflag:$0x2] =	stream.indirect.gather [hbm4b:s4+s0], $0x80, s7, s0, $0xb8;
	[tilespmem:$0x1C200] =	vst v63  }
0x9b: {  	_ =	swait.ge [sflag:s11], $0x4000  }
0x9c: {  	[sflag:s11] =	ssyncset.done $0x0  }
0x9d: {  	[sflag:s11] =	ssyncadd.s32 $0xFFFFC000  }
0x9e: {  	[spmem:s1] =	stream.indirect.scatter.add.f32 [tilespmem:s3], [sflag:$0x3], $0x80, s0, s0, $0xb8;
	[tilespmem:$0x1C200] =	vst v63  }
0x9f: {  	_ =	swait.ge [sflag:s12], $0x4000  }
0xa0: {  	s25 =	sand.u32 $0x7C00, s22;
	[sflag:s12] =	ssyncset.done $0x0  }
0xa1: {  	s26 =	sand.u32 $0x380, s22;
	s23 =	sadd.s32 s18, s25;
	[sflag:s12] =	ssyncadd.s32 $0xFFFFC000  }
0xa2: {  	[spmem:s1] =	stream.indirect.scatter.add.f32 [tilespmem:s10], [sflag:$0x4], $0x80, s8, s0, $0xb8;
	[tilespmem:$0x1C200] =	vst v63  }
0xa3: {  	s22 =	sor.u32 s26, s23;
	_ =	swait.ge [sflag:s13], $0x4000  }
0xa4: {  	s22 =	sshrl.u32 s22, $0x3;
	[sflag:s13] =	ssyncset.done $0x0  }
0xa5: {  	s24 =	sadd.s32 s5, s22;
	[sflag:s13] =	ssyncadd.s32 $0xFFFFC000  }
0xa6: {  	[tilespmem:s2], [sflag:$0x1] =	stream.linear.gather [hbm4b:s24+s2], $0x80, $0x38;
	[tilespmem:$0x1C200] =	vst v63  }
0xa7: {  	s22 =	sadd.s32 s6, s22  }
0xa8: {  	[tilespmem:s0], [sflag:$0x2] =	stream.linear.gather [hbm4b:s22+s2], $0x80, $0x38;
	[tilespmem:$0x1C200] =	vst v63  }
0xa9: {  	_ =	swait.ge [sflag:s14], $0x4000  }
0xaa: {  	[sflag:s14] =	ssyncset.done $0x0  }
0xab: {  	[sflag:s14] =	ssyncadd.s32 $0xFFFFC000  }
0xac: {  	_ =	swait.ge [sflag:s11], $0x80  }
0xad: {  	[sflag:s11] =	ssyncset.done $0x0  }
0xae: {  	[sflag:s11] =	ssyncadd.s32 $0xFFFFFF80  }
0xaf: {  	_ =	swait.ge [sflag:s12], $0x80  }
0xb0: {  	[sflag:s12] =	ssyncset.done $0x0  }
0xb1: {  	[sflag:s12] =	ssyncadd.s32 $0xFFFFFF80  }
0xb2: {  	[tilespmem:s3], [sflag:$0x1] =	stream.indirect.gather [hbm4b:s4+s0], $0x80, s2, s0, $0xb8;
	[tilespmem:$0x1C200] =	vst v63  }
0xb3: {  	_ = 	snop  }
0xb4: {  	[tilespmem:s7], [sflag:$0x6] =	stream.linear.gather [hbm4b:s28+s2], $0x80, $0x38;
	[tilespmem:$0x1C200] =	vst v63  }
0xb5: {  	_ =	swait.ge [sflag:s31], $0x80  }
0xb6: {  	[sflag:s31] =	ssyncset.done $0x0  }
0xb7: {  	[sflag:s31] =	ssyncadd.s32 $0xFFFFFF80  }
0xb8: {  	[tilespmem:s8], [sflag:$0x6] =	stream.linear.gather [hbm4b:s29+s2], $0x80, $0x38;
	[tilespmem:$0x1C200] =	vst v63  }
0xb9: {  	_ =	swait.ge [sflag:s31], $0x80  }
0xba: {  	[sflag:s31] =	ssyncset.done $0x0  }
0xbb: {  	[sflag:s31] =	ssyncadd.s32 $0xFFFFFF80  }
0xbc: {  	[tilespmem:s10], [sflag:$0x2] =	stream.indirect.gather [hbm4b:s4+s0], $0x80, s7, s0, $0xb8;
	[tilespmem:$0x1C200] =	vst v63  }
0xbd: {  	_ =	swait.ge [sflag:s11], $0x4000  }
0xbe: {  	[sflag:s11] =	ssyncset.done $0x0  }
0xbf: {  	[sflag:s11] =	ssyncadd.s32 $0xFFFFC000  }
0xc0: {  	[spmem:s1] =	stream.indirect.scatter.add.f32 [tilespmem:s3], [sflag:$0x3], $0x80, s0, s0, $0xb8;
	[tilespmem:$0x1C200] =	vst v63  }
0xc1: {  	_ =	swait.ge [sflag:s12], $0x4000  }
0xc2: {  	[sflag:s12] =	ssyncset.done $0x0  }
0xc3: {  	[sflag:s12] =	ssyncadd.s32 $0xFFFFC000  }
0xc4: {  	[spmem:s1] =	stream.indirect.scatter.add.f32 [tilespmem:s10], [sflag:$0x4], $0x80, s8, s0, $0xb8;
	[tilespmem:$0x1C200] =	vst v63  }
0xc5: {  	_ =	swait.ge [sflag:s13], $0x4000  }
0xc6: {  	[sflag:s13] =	ssyncset.done $0x0  }
0xc7: {  	[sflag:s13] =	ssyncadd.s32 $0xFFFFC000  }
0xc8: {  	[tilespmem:s2], [sflag:$0x1] =	stream.linear.gather [hbm4b:s28+s2], $0x80, $0x38;
	[tilespmem:$0x1C200] =	vst v63  }
0xc9: {  	_ = 	snop  }
0xca: {  	[tilespmem:s0], [sflag:$0x2] =	stream.linear.gather [hbm4b:s29+s2], $0x80, $0x38;
	[tilespmem:$0x1C200] =	vst v63  }
0xcb: {  	_ =	swait.ge [sflag:s14], $0x4000  }
0xcc: {  	[sflag:s14] =	ssyncset.done $0x0  }
0xcd: {  	[sflag:s14] =	ssyncadd.s32 $0xFFFFC000  }
0xce: {  	_ =	swait.ge [sflag:s11], $0x80  }
0xcf: {  	[sflag:s11] =	ssyncset.done $0x0  }
0xd0: {  	[sflag:s11] =	ssyncadd.s32 $0xFFFFFF80  }
0xd1: {  	_ =	swait.ge [sflag:s12], $0x80  }
0xd2: {  	[sflag:s12] =	ssyncset.done $0x0  }
0xd3: {  	[sflag:s12] =	ssyncadd.s32 $0xFFFFFF80  }
0xd4: {  	[bflag:$0x0] =	sbarrier.arrive $0xFFFF  }
0xd5: {  	s25 =	rddreg [dreg:$0xd]  }
0xd6: {  	[hbm:s25], [sflag:s9] =	dma.local [spmem:s16], $0x800  }
0xd7: {  	s16 =	rddreg [dreg:$0xe]  }
0xd8: {  	[hbm:s16], [sflag:s9] =	dma.local [spmem:s17], $0x800  }
0xd9: {  	s16 =	rddreg [dreg:$0xf]  }
0xda: {  	[hbm:s16], [sflag:s9] =	dma.local [spmem:s19], $0x800  }
0xdb: {  	s16 =	rddreg [dreg:$0x10]  }
0xdc: {  	[hbm:s16], [sflag:s9] =	dma.local [spmem:s20], $0x800  }
0xdd: {  	s16 =	rddreg [dreg:$0x11]  }
0xde: {  	[hbm:s16], [sflag:s9] =	dma.local [spmem:s21], $0x800  }
0xdf: {  	_ =	swait.ge [sflag:s30], $0x800  }
0xe0: {  	[sflag:s30] =	ssyncset.done $0x0  }
0xe1: {  	[sflag:s30] =	ssyncadd.s32 $0xFFFFF800  }
0xe2: {  	_ =	swait.ge [sflag:s30], $0x800  }
0xe3: {  	[sflag:s30] =	ssyncset.done $0x0  }
0xe4: {  	[sflag:s30] =	ssyncadd.s32 $0xFFFFF800  }
0xe5: {  	_ =	swait.ge [sflag:s30], $0x800  }
0xe6: {  	[sflag:s30] =	ssyncset.done $0x0  }
0xe7: {  	[sflag:s30] =	ssyncadd.s32 $0xFFFFF800  }
0xe8: {  	_ =	swait.ge [sflag:s30], $0x800  }
0xe9: {  	[sflag:s30] =	ssyncset.done $0x0  }
0xea: {  	[sflag:s30] =	ssyncadd.s32 $0xFFFFF800  }
0xeb: {  	_ =	swait.ge [sflag:s30], $0x800  }
0xec: {  	s15 =	sadd.s32 $0x1, s15;
	s26 =	rddreg [dreg:$0x14]  }
0xed: {  	p0 =	sne.s32 s15, s26  }
.Ltmp1:
0xee: {  	_ = 	snop;
	(pc) =	sbr.rel @p0 .LBB2_1-.Ltmp1, $3  }
0xef: {  	_ =	sdelay $0x1  }
0xf0: {  	[sflag:s30] =	ssyncset.done $0x0  }
0xf1: {  	[sflag:s30] =	ssyncadd.s32 $0xFFFFF800  }
0xf2: {  	_ =	sfence.sel $0x180000  }
0xf3: {  	[bflag:$0x0] =	sbarrier.arrive $0xFFFF  }
0xf4: {  	_ =	strace $0x9000004D  }
0xf5: {  	s0 =	stileid.u32;
	[bflag:$0x2] =	sbarrier.arrive $0xFFFF  }
0xf6: {  	p0 =	sne.s32 s0, $0x0;
	s0 =	rddreg [dreg:$0x2]  }
0xf7: {  	s0 =	sadd.s32 @!p0 $0x100000, s0  }
0xf8: {  	[sflag:s0] =	ssyncadd.tile.s32 @!p0 $0x1;
	_ =	shalt  }
.Lfunc_end2:
_tile_overlayer_lowered:
.L_overlay_start_2:
0xf9: {  	(tag) =	ssettag $0x2  }
0xfa: {  	s0 =	rddreg [dreg:$0x0];
	s2 =	stileid.u32  }
0xfb: {  	s1 =	rddreg [dreg:$0x1];
	p0 =	sne.s32 s2, $0x0  }
0xfc: {  	s3 =	rddreg [dreg:$0x2];
	[bflag:$0x3] =	sbarrier.arrive $0xFFFF;
	s2 =	simm.s32 @!p0 $0x1C06  }
0xfd: {  	[timem:s3], [sflag:s2] =	dma.local @!p0 [hbm:s0], s1  }
0xfe: {  	s0 =	simm.s32 @!p0 $0x6  }
0xff: {  	_ =	swait.ge @!p0 [sflag:s0], s1  }
0x100: {  	s1 =	ssub.s32 @!p0 $0x0, s1;
	[sflag:s0] =	ssyncset.done @!p0 $0x0  }
0x101: {  	[sflag:s0] =	ssyncadd.s32 @!p0 s1  }
0x102: {  	[bflag:$0x3] =	sbarrier.arrive $0xFFFF  }
0x103: {  	_ =	shalt  }

// kernel: kernel.20.cloned.1.call-start
scs
__scs_entry_jumppad:
0x0: {  	(pc) =	sbr.rel $0x88, $3  }
0x1: {  	(tag) =	ssettag $0x0;
	lr =	simm.s32 $0x1  }
0x2: {  	[smem:$0x3F92] =	sst lr;
	_ =	strace $0xD0000000  }
0x3: {  	_ = 	snop  }
0x4: {  	_ = 	snop  }
0x5: {  	_ = 	snop  }
0x6: {  	_ = 	snop  }
0x7: {  	_ = 	snop  }
__scs_overlays_trampoline_lowered:
0x8: {  	[smem:$0x3FA1] =	sst s0  }
0x9: {  	[smem:$0x3FA2] =	sst s1  }
0xa: {  	[smem:$0x3FA3] =	sst s2  }
0xb: {  	[smem:$0x3FA4] =	sst s3  }
0xc: {  	[smem:$0x3FA5] =	sst s4  }
0xd: {  	[smem:$0x3FA6] =	sst s5  }
0xe: {  	[smem:$0x3FA7] =	sst s6  }
0xf: {  	[smem:$0x3FA8] =	sst s7  }
0x10: {  	[smem:$0x3FA9] =	sst s8  }
0x11: {  	[smem:$0x3FAA] =	sst s9;
	s0 =	simm.s32 @!p0 $0x0  }
0x12: {  	s1 =	sld [smem:$0x3F90];
	s0 =	simm.s32 @p0 $0x1  }
0x13: {  	[smem:$0x3FAB] =	sst s0;
	s0 =	simm.s32 @!p1 $0x0  }
0x14: {  	s2 =	sld [smem:$0x3F8F];
	s0 =	simm.s32 @p1 $0x1  }
0x15: {  	[smem:$0x3FAC] =	sst s0;
	s0 =	simm.s32 @!p2 $0x0  }
0x16: {  	s3 =	sld [smem:$0x3FDB];
	s0 =	simm.s32 @p2 $0x1  }
0x17: {  	s4 =	simm.s32 $0x1BF5;
	[smem:$0x3FAE] =	sst s0  }
0x18: {  	s0 =	sld [smem:$0x3F91];
	_ =	swait.ge [sflag:s4], $0x0  }
0x19: {  	s7 =	sld [smem:$0x3F92]  }
0x1a: {  	s8 =	sadd.s32 $0xFFFFE003, lr  }
0x1b: {  	s9 =	sadd.s32 $0xFFFFFEF7, lr;
	s5 =	simm.s32 $0xFFFFFFFF;
	p2 =	slt.u32 s8, $0xFFFFF086  }
0x1c: {  	p1 =	slt.u32 s9, $0xF7A;
	s5 =	simm.s32 @!p2 $0x0  }
0x1d: {  	s5 =	simm.s32 @p1 $0x1;
	p0 =	seq.s32 s7, s2  }
0x1e: {  	s7 =	smul.u32 @!p0 $0xF7A, s2;
	p2 =	seq.s32 @!p0 s5, $0x0  }
0x1f: {  	s9 =	smul.u32 $0xF7A, s1;
	s8 =	simm.s32 @!p0 $0x1BF5;
	p2 =	por !p2, p0  }
0x20: {  	[sflag:s8] =	ssyncset.s32 @!p0 $0xFFFFF086;
	s6 =	sadd.s32 @!p0 s3, s7;
	s7 =	simm.s32 @!p0 $0x108  }
0x21: {  	s3 =	sadd.s32 s3, s9;
	s6 =	sadd.s32 @!p0 $0x88, s6;
	s7 =	simm.s32 @p2 $0x1082  }
0x22: {  	[simem:s7], [sflag:s8] =	dma.local @!p0 [hbm:s6], $0xF7A  }
0x23: {  	s9 =	sor.u32 $0xD0000000, s2;
	s6 =	simm.s32 $0x108;
	_ =	swait.ge @!p0 [sflag:s8], $0x0  }
0x24: {  	s3 =	sadd.s32 $0x88, s3;
	s6 =	simm.s32 @!p1 $0x1082;
	[sflag:s4] =	ssyncset.s32 $0xFFFFF086  }
0x25: {  	[simem:s6], [sflag:s4] =	dma.local [hbm:s3], $0xF7A  }
0x26: {  	[smem:$0x3F92] =	sst s1;
	(tag) =	ssettag s2;
	_ =	strace s9  }
0x27: {  	s1 =	sld [smem:$0x3FA2]  }
0x28: {  	s2 =	sld [smem:$0x3FA3]  }
0x29: {  	s4 =	sld [smem:$0x3FA5]  }
0x2a: {  	p0 =	seq.s32 s5, $0x0;
	s5 =	sld [smem:$0x3FA6]  }
0x2b: {  	s6 =	sld [smem:$0x3FA7]  }
0x2c: {  	s7 =	sld [smem:$0x3FA8]  }
0x2d: {  	s3 =	simm.s32 $0x108;
	s8 =	sld [smem:$0x3FA9]  }
0x2e: {  	s3 =	simm.s32 @!p0 $0x1082;
	s9 =	sld [smem:$0x3FAA]  }
0x2f: {  	lr =	sadd.s32 s0, s3;
	s0 =	sld [smem:$0x3FA1]  }
0x30: {  	s3 =	sld [smem:$0x3FA4]  }
0x31: {  	[smem:$0x3FAD] =	sst s10  }
0x32: {  	s10 =	sld [smem:$0x3FAB];
	_ =	sdelay $0x3  }
0x33: {  	p0 =	seq.s32 s10, $0x1;
	s10 =	sld [smem:$0x3FAD];
	_ =	sdelay $0x3  }
0x34: {  	[smem:$0x3FAD] =	sst s10  }
0x35: {  	s10 =	sld [smem:$0x3FAC];
	_ =	sdelay $0x3  }
0x36: {  	p1 =	seq.s32 s10, $0x1;
	s10 =	sld [smem:$0x3FAD];
	_ =	sdelay $0x3  }
0x37: {  	[smem:$0x3FAD] =	sst s10  }
0x38: {  	s10 =	sld [smem:$0x3FAE]  }
0x39: {  	_ = 	snop;
	(pc) =	sbr.ind lr, $3  }
0x3a: {  	_ = 	snop  }
0x3b: {  	_ = 	snop  }
0x3c: {  	p2 =	seq.s32 s10, $0x1;
	s10 =	sld [smem:$0x3FAD]  }
0x3d: {  	_ =	shalt  }
0x3e: {  	_ =	shalt  }
0x3f: {  	_ =	shalt  }
0x40: {  	_ =	shalt  }
0x41: {  	_ =	shalt  }
0x42: {  	_ =	shalt  }
0x43: {  	_ =	shalt  }
0x44: {  	_ =	shalt  }
0x45: {  	_ =	shalt  }
0x46: {  	_ =	shalt  }
0x47: {  	_ =	shalt  }
0x48: {  	_ =	shalt  }
0x49: {  	_ =	shalt  }
0x4a: {  	_ =	shalt  }
0x4b: {  	_ =	shalt  }
0x4c: {  	_ =	shalt  }
0x4d: {  	_ =	shalt  }
0x4e: {  	_ =	shalt  }
0x4f: {  	_ =	shalt  }
0x50: {  	_ =	shalt  }
0x51: {  	_ =	shalt  }
0x52: {  	_ =	shalt  }
0x53: {  	_ =	shalt  }
0x54: {  	_ =	shalt  }
0x55: {  	_ =	shalt  }
0x56: {  	_ =	shalt  }
0x57: {  	_ =	shalt  }
0x58: {  	_ =	shalt  }
0x59: {  	_ =	shalt  }
0x5a: {  	_ =	shalt  }
0x5b: {  	_ =	shalt  }
0x5c: {  	_ =	shalt  }
0x5d: {  	_ =	shalt  }
0x5e: {  	_ =	shalt  }
0x5f: {  	_ =	shalt  }
0x60: {  	_ =	shalt  }
0x61: {  	_ =	shalt  }
0x62: {  	_ =	shalt  }
0x63: {  	_ =	shalt  }
0x64: {  	_ =	shalt  }
0x65: {  	_ =	shalt  }
0x66: {  	_ =	shalt  }
0x67: {  	_ =	shalt  }
0x68: {  	_ =	shalt  }
0x69: {  	_ =	shalt  }
0x6a: {  	_ =	shalt  }
0x6b: {  	_ =	shalt  }
0x6c: {  	_ =	shalt  }
0x6d: {  	_ =	shalt  }
0x6e: {  	_ =	shalt  }
0x6f: {  	_ =	shalt  }
0x70: {  	_ =	shalt  }
0x71: {  	_ =	shalt  }
0x72: {  	_ =	shalt  }
0x73: {  	_ =	shalt  }
0x74: {  	_ =	shalt  }
0x75: {  	_ =	shalt  }
0x76: {  	_ =	shalt  }
0x77: {  	_ =	shalt  }
0x78: {  	_ =	shalt  }
0x79: {  	_ =	shalt  }
0x7a: {  	_ =	shalt  }
0x7b: {  	_ =	shalt  }
0x7c: {  	_ =	shalt  }
0x7d: {  	_ =	shalt  }
0x7e: {  	_ =	shalt  }
0x7f: {  	_ =	shalt  }
0x80: {  	_ =	shalt  }
0x81: {  	_ =	shalt  }
0x82: {  	_ =	shalt  }
0x83: {  	_ =	shalt  }
0x84: {  	_ =	shalt  }
0x85: {  	_ =	shalt  }
0x86: {  	_ =	shalt  }
0x87: {  	_ =	shalt  }
.Lfunc_end0:
.L_simem_size_0:
called_computation.3_lowered:
.L_overlay_start_0:
0x88: {  	s2 =	sld [smem:$0x3FD9]  }
0x89: {  	s3 =	sld [smem:$0x3FFE];
	_ =	sdelay $0x1  }
0x8a: {  	s1 =	srdreg.scid  }
0x8b: {  	s0 =	sand.u32 $0x1, s1  }
0x8c: {  	s16 =	sshll.u32 s0, $0xA;
	s2 =	sadd.s32 s3, s2  }
0x8d: {  	s2 =	sadd.s32 s2, s16  }
0x8e: {  	[smem:$0x3FB9] =	sst s2  }
0x8f: {  	_ = 	snop  }
0x90: {  	(tm) =	ssettm $0x1  }
0x91: {  	s17 =	sld [smem:$0x3FFB];
	_ =	sdelay $0x3  }
0x92: {  	_ =	strace s17  }
0x93: {  	s2 =	sld [smem:$0x3FFC];
	_ =	sdelay $0x3  }
0x94: {  	_ =	strace s2  }
0x95: {  	s2 =	sld [smem:$0x3FFD];
	_ =	sdelay $0x3  }
0x96: {  	_ =	strace s2  }
0x97: {  	_ =	strace $0x8FFFFFFF  }
0x98: {  	s18 =	sld [smem:$0x3FDB];
	_ =	sdelay $0x1  }
0x99: {  	s19 =	simm.s32 $_scs_section_size  }
0x9a: {  	s4 =	simm.s32 $_size__tile_overlayer_lowered;
	s5 =	simm.s32 $_tile_overlayer_lowered  }
0x9b: {  	s22 =	simm.s32 $0x1BFF;
	s21 =	sshll.u32 s5, $0x1;
	s2 =	sadd.s32 s19, s18  }
0x9c: {  	s6 =	simm.s32 $0x0;
	s20 =	sshll.u32 s4, $0x1;
	s4 =	sadd.s32 s21, s2  }
0x9d: {  	[timem:s6], [sflag:s22] =	dma.local [hbm:s4], s20  }
0x9e: {  	_ =	swait.ge [sflag:s22], s20  }
0x9f: {  	s3 =	ssub.s32 $0x0, s20;
	[sflag:s22] =	ssyncset.done $0x0  }
0xa0: {  	[sflag:s22] =	ssyncadd.s32 s3;
	_ =	sdelay $0x1  }
0xa1: {  	s23 =	simm.s32 $0x1B8B  }
0xa2: {  	_ =	swait.ge [sflag:s23], $0x1  }
0xa3: {  	[sflag:s23] =	ssyncset.done $0x0  }
0xa4: {  	s25 =	simm.s32 $0x1B8E;
	s24 =	sld [smem:$0x3FFE];
	[sflag:s23] =	ssyncadd.s32 $0xFFFFFFFF  }
0xa5: {  	s26 =	simm.s32 $execute0_lowered;
	[smem:$0x3FD2] =	sst s25  }
0xa6: {  	s4 =	sshll.u32 s26, $0x1;
	_ =	strace $0x8000004F;
	[dreg:$0x1] =	wrdreg $0xFFFFFFFF  }
0xa7: {  	s28 =	simm.s32 $_size_execute0_lowered;
	s2 =	sadd.s32 s2, s4;
	[dreg:$0x0] =	wrdreg $0x0  }
0xa8: {  	s4 =	sshll.u32 s28, $0x1;
	[dreg:$0x2] =	wrdreg s2  }
0xa9: {  	[dreg:$0x3] =	wrdreg s4  }
0xaa: {  	[dreg:$0x4] =	wrdreg $0xC0  }
0xab: {  	_ =	task [dreg:s6], $0x5FFFF  }
0xac: {  	[dreg:$0x1] =	wrdreg $0xFFFFFFFF  }
0xad: {  	[dreg:$0x0] =	wrdreg $0x60  }
0xae: {  	[dreg:$0x2] =	wrdreg s24  }
0xaf: {  	[dreg:$0x3] =	wrdreg $0x82000  }
0xb0: {  	[dreg:$0x4] =	wrdreg $0x9  }
0xb1: {  	_ =	task.clear_ibuf [dreg:s6], $0x5FFFF;
	_ =	strace $0x9000004F  }
0xb2: {  	s29 =	simm.s32 $0x9;
	_ =	strace $0x80000051  }
0xb3: {  	_ =	swait.ge [sflag:s29], $0x1  }
0xb4: {  	[sflag:s29] =	ssyncadd.s32 $0xFFFFFFFF  }
0xb5: {  	_ =	strace $0x90000051  }
0xb6: {  	_ =	sfence  }
0xb7: {  	s30 =	sld [smem:$0x0];
	_ =	sdelay $0x2  }
0xb8: {  	s31 =	sshll.u32 s1, $0xD;
	s1 =	sshrl.u32 s1, $0x2  }
0xb9: {  	s3 =	sand.u32 $0x4000, s31;
	s1 =	sadd.s32 s1, s30  }
0xba: {  	s0 =	sor.u32 s3, s0;
	s1 =	sshll.u32 s1, $0x11  }
0xbb: {  	s0 =	sor.u32 s1, s0  }
0xbc: {  	s0 =	sadd.s32 $0x8F2B, s0  }
0xbd: {  	[sflag:s0] =	ssyncadd.remote.s32 $0x1  }
0xbe: {  	_ =	sfence.sel $0xFFFF  }
0xbf: {  	[dreg:$0x0] =	wrdreg $0xFFFFFFFF;
	(pc) =	sbr.abs _section_cstart, $3  }
0xc0: {  	[dreg:$0x1] =	wrdreg $0xFFFFFFFF  }
0xc1: {  	_ =	task.clear_ibuf [dreg:s6], $0x2FFFF;
	_ =	strace $0x9FFFFFFF  }
0xc2: {  	(tm) =	ssettm $0x7FFFFFFF  }
0xc3: {  	_ =	shalt  }
tec
execute0_lowered:
.L_overlay_start_1:
0x0: {  	(tag) =	ssettag $0x1  }
0x1: {  	s0 =	rddreg [dreg:$0x0]  }
0x2: {  	s1 =	rddreg [dreg:$0x1];
	s2 =	simm.s32 $0x0;
	s3 =	srdreg.scid  }
0x3: {  	s13 =	stileid.u32;
	s30 =	simm.s32 $0x5;
	s31 =	simm.s32 $0x6  }
0x4: {  	[smem:$0x7FF] =	sst s2;
	s4 =	sadd.s32 $0x19E00, s0;
	s8 =	smul.u32 $0x50000, s13  }
0x5: {  	s5 =	sadd.s32 $0x5E00, s0;
	s3 =	sand.u32 $0x1, s3;
	s10 =	smul.u32 $0x280, s13  }
0x6: {  	s6 =	sadd.s32 $0xFE00, s0;
	s0 =	sadd.s32 $0x69E00, s0;
	s12 =	smul.u32 $0x14000, s13  }
0x7: {  	s22 =	sshll.u32 s13, $0x6;
	_ =	strace $0x80000050;
	s7 =	ssub.s32 $0x2, s3  }
0x8: {  	s11 =	sshll.u32 s3, $0x4;
	s3 =	smul.u32 $0x140000, s3;
	s9 =	sshrl.u32 s7, $0x1  }
0x9: {  	s8 =	sshrl.u32 s8, $0x2;
	s11 =	sor.u32 s13, s11;
	s21 =	sshrl.u32 s12, $0x3  }
0xa: {  	s23 =	sadd.s32 $0x80, s10;
	s25 =	sadd.s32 $0x100, s10;
	s17 =	sadd.s32 $0x180, s10  }
0xb: {  	s10 =	sadd.s32 $0x200, s10;
	s7 =	ssub.s32 s7, s9;
	s8 =	sadd.s32 s8, s1  }
0xc: {  	s9 =	sor.u32 $0x1C05, s22;
	s24 =	sshll.u32 s23, $0x7;
	s13 =	sshll.u32 s23, $0x4  }
0xd: {  	s26 =	sshll.u32 s25, $0x7;
	s18 =	sshll.u32 s17, $0x7;
	s19 =	sshll.u32 s10, $0x7  }
0xe: {  	s10 =	sshll.u32 s10, $0x4;
	[dreg:$0x3] =	wrdreg s8;
	s8 =	sadd.s32 s4, s21  }
0xf: {  	s12 =	sadd.s32 s12, s3;
	s14 =	sadd.s32 s24, s1;
	[dreg:$0x4] =	wrdreg s8  }
0x10: {  	s13 =	sadd.s32 s4, s13;
	s15 =	sadd.s32 s26, s1;
	[dreg:$0x5] =	wrdreg s14  }
0x11: {  	s16 =	sadd.s32 s18, s1;
	s10 =	sadd.s32 s4, s10;
	[dreg:$0x6] =	wrdreg s13  }
0x12: {  	s20 =	sshrl.u32 s12, $0x3;
	s12 =	simm.s32 $0x2;
	[dreg:$0x7] =	wrdreg s15  }
0x13: {  	s14 =	sshll.u32 s25, $0x4;
	[dreg:$0x9] =	wrdreg s16;
	s8 =	sadd.s32 s3, s24  }
0x14: {  	s13 =	sadd.s32 s3, s26;
	s15 =	sadd.s32 s3, s18;
	s3 =	sadd.s32 s3, s19  }
0x15: {  	[dreg:$0xc] =	wrdreg s10;
	s18 =	smul.u32 $0x2800, s11;
	s10 =	sadd.s32 s0, s20  }
0x16: {  	s26 =	smax.u32 s7, $0x1;
	s7 =	simm.s32 $0x100;
	[dreg:$0xd] =	wrdreg s10  }
0x17: {  	s14 =	sadd.s32 s4, s14;
	s8 =	sshrl.u32 s8, $0x3;
	[dreg:$0x14] =	wrdreg s26  }
0x18: {  	[dreg:$0x8] =	wrdreg s14;
	s14 =	sshll.u32 s17, $0x4;
	s8 =	sadd.s32 s0, s8  }
0x19: {  	s21 =	sshrl.u32 s13, $0x3;
	s14 =	sadd.s32 s4, s14;
	[dreg:$0xe] =	wrdreg s8  }
0x1a: {  	s23 =	sshrl.u32 s18, $0x3;
	s8 =	sadd.s32 s0, s21;
	[dreg:$0xa] =	wrdreg s14  }
0x1b: {  	s11 =	simm.s32 $0x1;
	s24 =	sadd.s32 s5, s23;
	[dreg:$0xf] =	wrdreg s8  }
0x1c: {  	s22 =	sshrl.u32 s15, $0x3;
	s25 =	sadd.s32 s6, s23;
	[dreg:$0x12] =	wrdreg s24  }
0x1d: {  	s3 =	sshrl.u32 s3, $0x3;
	s14 =	sadd.s32 s19, s1;
	[dreg:$0x13] =	wrdreg s25  }
0x1e: {  	s10 =	simm.s32 $0x4200;
	s8 =	sadd.s32 s0, s22;
	[dreg:$0xb] =	wrdreg s14  }
0x1f: {  	s13 =	simm.s32 $0x3;
	s0 =	sadd.s32 s0, s3;
	[dreg:$0x10] =	wrdreg s8  }
0x20: {  	s15 =	simm.s32 $0x0;
	s3 =	simm.s32 $0x200;
	[dreg:$0x11] =	wrdreg s0  }
0x21: {  	s0 =	sadd.s32 $0x4F0, s23;
	s8 =	simm.s32 $0x180;
	s14 =	simm.s32 $0x4  }
0x22: {  	s28 =	sadd.s32 s5, s0;
	s29 =	sadd.s32 s6, s0;
	s0 =	simm.s32 $0x80  }
.LBB2_1:
0x23: {  	s16 =	rddreg [dreg:$0x3]  }
0x24: {  	s17 =	rddreg [dreg:$0x4];
	s16 =	sshrl.u32 s16, $0x3  }
0x25: {  	[spmem:s16], [sflag:s9] =	dma.local [hbm:s17], $0x800  }
0x26: {  	s17 =	rddreg [dreg:$0x5]  }
0x27: {  	s19 =	rddreg [dreg:$0x6];
	s17 =	sshrl.u32 s17, $0x3  }
0x28: {  	[spmem:s17], [sflag:s9] =	dma.local [hbm:s19], $0x800  }
0x29: {  	s19 =	rddreg [dreg:$0x7]  }
0x2a: {  	s20 =	rddreg [dreg:$0x8];
	s19 =	sshrl.u32 s19, $0x3  }
0x2b: {  	[spmem:s19], [sflag:s9] =	dma.local [hbm:s20], $0x800  }
0x2c: {  	s20 =	rddreg [dreg:$0x9]  }
0x2d: {  	s21 =	rddreg [dreg:$0xa];
	s20 =	sshrl.u32 s20, $0x3  }
0x2e: {  	[spmem:s20], [sflag:s9] =	dma.local [hbm:s21], $0x800  }
0x2f: {  	s21 =	rddreg [dreg:$0xb]  }
0x30: {  	s22 =	rddreg [dreg:$0xc];
	s21 =	sshrl.u32 s21, $0x3  }
0x31: {  	[spmem:s21], [sflag:s9] =	dma.local [hbm:s22], $0x800  }
0x32: {  	_ =	swait.ge [sflag:s30], $0x800  }
0x33: {  	[sflag:s30] =	ssyncset.done $0x0  }
0x34: {  	[sflag:s30] =	ssyncadd.s32 $0xFFFFF800  }
0x35: {  	_ =	swait.ge [sflag:s30], $0x800  }
0x36: {  	[sflag:s30] =	ssyncset.done $0x0  }
0x37: {  	[sflag:s30] =	ssyncadd.s32 $0xFFFFF800  }
0x38: {  	_ =	swait.ge [sflag:s30], $0x800  }
0x39: {  	[sflag:s30] =	ssyncset.done $0x0  }
0x3a: {  	[sflag:s30] =	ssyncadd.s32 $0xFFFFF800  }
0x3b: {  	_ =	swait.ge [sflag:s30], $0x800  }
0x3c: {  	[sflag:s30] =	ssyncset.done $0x0  }
0x3d: {  	[sflag:s30] =	ssyncadd.s32 $0xFFFFF800  }
0x3e: {  	_ =	swait.ge [sflag:s30], $0x800  }
0x3f: {  	[sflag:s30] =	ssyncset.done $0x0  }
0x40: {  	[sflag:s30] =	ssyncadd.s32 $0xFFFFF800  }
0x41: {  	[bflag:$0x0] =	sbarrier.arrive $0xFFFF  }
0x42: {  	s23 =	rddreg [dreg:$0x12]  }
0x43: {  	[tilespmem:s2], [sflag:$0x6] =	stream.linear.gather [hbm4b:s23+s2], $0x80, $0x38;
	[tilespmem:$0x1C200] =	vst v63  }
0x44: {  	s25 =	simm.s32 $0x0;
	_ =	swait.ge [sflag:s31], $0x80  }
0x45: {  	s22 =	sand.u32 $0x300, s25;
	s23 =	sand.u32 $0x3C00, s25;
	[sflag:s31] =	ssyncset.done $0x0  }
0x46: {  	s23 =	sadd.s32 s18, s23;
	s24 =	rddreg [dreg:$0x13];
	[sflag:s31] =	ssyncadd.s32 $0xFFFFFF80  }
0x47: {  	[tilespmem:s0], [sflag:$0x6] =	stream.linear.gather [hbm4b:s24+s2], $0x80, $0x38;
	[tilespmem:$0x1C200] =	vst v63  }
0x48: {  	s22 =	sor.u32 s23, s22;
	_ =	swait.ge [sflag:s31], $0x80  }
0x49: {  	s22 =	sor.u32 $0x80, s22;
	[sflag:s31] =	ssyncset.done $0x0  }
0x4a: {  	s22 =	sshrl.u32 s22, $0x3;
	[sflag:s31] =	ssyncadd.s32 $0xFFFFFF80  }
0x4b: {  	[tilespmem:s3], [sflag:$0x1] =	stream.indirect.gather [hbm4b:s4+s0], $0x80, s2, s0, $0xb8;
	[tilespmem:$0x1C200] =	vst v63  }
0x4c: {  	s26 =	sadd.s32 s5, s22  }
0x4d: {  	[tilespmem:s7], [sflag:$0x6] =	stream.linear.gather [hbm4b:s26+s2], $0x80, $0x38;
	[tilespmem:$0x1C200] =	vst v63  }
0x4e: {  	_ =	swait.ge [sflag:s31], $0x80  }
0x4f: {  	[sflag:s31] =	ssyncset.done $0x0  }
0x50: {  	s22 =	sadd.s32 s6, s22;
	[sflag:s31] =	ssyncadd.s32 $0xFFFFFF80  }
0x51: {  	[tilespmem:s8], [sflag:$0x6] =	stream.linear.gather [hbm4b:s22+s2], $0x80, $0x38;
	[tilespmem:$0x1C200] =	vst v63  }
0x52: {  	_ =	swait.ge [sflag:s31], $0x80  }
0x53: {  	[sflag:s31] =	ssyncset.done $0x0  }
0x54: {  	[sflag:s31] =	ssyncadd.s32 $0xFFFFFF80  }
0x55: {  	[tilespmem:s10], [sflag:$0x2] =	stream.indirect.gather [hbm4b:s4+s0], $0x80, s7, s0, $0xb8;
	[tilespmem:$0x1C200] =	vst v63  }
0x56: {  	_ =	swait.ge [sflag:s11], $0x4000  }
0x57: {  	[sflag:s11] =	ssyncset.done $0x0  }
0x58: {  	[sflag:s11] =	ssyncadd.s32 $0xFFFFC000  }
0x59: {  	[spmem:s1] =	stream.indirect.scatter.add.f32 [tilespmem:s3], [sflag:$0x3], $0x80, s0, s0, $0xb8;
	[tilespmem:$0x1C200] =	vst v63  }
0x5a: {  	_ =	swait.ge [sflag:s12], $0x4000  }
0x5b: {  	s23 =	sand.u32 $0x7C00, s7;
	[sflag:s12] =	ssyncset.done $0x0  }
0x5c: {  	s24 =	sand.u32 $0x380, s7;
	s22 =	sadd.s32 s18, s23;
	[sflag:s12] =	ssyncadd.s32 $0xFFFFC000  }
0x5d: {  	[spmem:s1] =	stream.indirect.scatter.add.f32 [tilespmem:s10], [sflag:$0x4], $0x80, s8, s0, $0xb8;
	[tilespmem:$0x1C200] =	vst v63  }
0x5e: {  	s22 =	sor.u32 s24, s22;
	_ =	swait.ge [sflag:s13], $0x4000  }
0x5f: {  	s22 =	sshrl.u32 s22, $0x3;
	[sflag:s13] =	ssyncset.done $0x0  }
0x60: {  	s25 =	sadd.s32 s5, s22;
	[sflag:s13] =	ssyncadd.s32 $0xFFFFC000  }
0x61: {  	[tilespmem:s2], [sflag:$0x1] =	stream.linear.gather [hbm4b:s25+s2], $0x80, $0x38;
	[tilespmem:$0x1C200] =	vst v63  }
0x62: {  	s22 =	sadd.s32 s6, s22  }
0x63: {  	[tilespmem:s0], [sflag:$0x2] =	stream.linear.gather [hbm4b:s22+s2], $0x80, $0x38;
	[tilespmem:$0x1C200] =	vst v63  }
0x64: {  	_ =	swait.ge [sflag:s14], $0x4000  }
0x65: {  	s26 =	simm.s32 $0x100;
	[sflag:s14] =	ssyncset.done $0x0  }
0x66: {  	s24 =	sand.u32 $0x3C00, s26;
	[sflag:s14] =	ssyncadd.s32 $0xFFFFC000  }
0x67: {  	s23 =	sand.u32 $0x300, s26;
	s24 =	sadd.s32 s18, s24;
	_ =	swait.ge [sflag:s11], $0x80  }
0x68: {  	s24 =	sor.u32 s24, s23;
	[sflag:s11] =	ssyncset.done $0x0  }
0x69: {  	s23 =	simm.s32 $0x300;
	s22 =	simm.s32 $0x200;
	[sflag:s11] =	ssyncadd.s32 $0xFFFFFF80  }
.LBB2_2:
0x6a: {  	s24 =	sor.u32 $0x80, s24  }
0x6b: {  	_ =	swait.ge [sflag:s12], $0x80;
	s26 =	smov.u32 s23;
	s25 =	sadd.s32 $0x100, s23  }
0x6c: {  	p0 =	sne.s32 s23, $0x2700;
	s23 =	sshrl.u32 s24, $0x3;
	[sflag:s12] =	ssyncset.done $0x0  }
0x6d: {  	s24 =	sadd.s32 s5, s23;
	[sflag:s12] =	ssyncadd.s32 $0xFFFFFF80  }
0x6e: {  	[tilespmem:s3], [sflag:$0x1] =	stream.indirect.gather [hbm4b:s4+s0], $0x80, s2, s0, $0xb8;
	[tilespmem:$0x1C200] =	vst v63  }
0x6f: {  	_ = 	snop  }
0x70: {  	[tilespmem:s7], [sflag:$0x6] =	stream.linear.gather [hbm4b:s24+s2], $0x80, $0x38;
	[tilespmem:$0x1C200] =	vst v63  }
0x71: {  	s23 =	sadd.s32 s6, s23;
	_ =	swait.ge [sflag:s31], $0x80  }
0x72: {  	[sflag:s31] =	ssyncset.done $0x0  }
0x73: {  	[sflag:s31] =	ssyncadd.s32 $0xFFFFFF80  }
0x74: {  	[tilespmem:s8], [sflag:$0x6] =	stream.linear.gather [hbm4b:s23+s2], $0x80, $0x38;
	[tilespmem:$0x1C200] =	vst v63  }
0x75: {  	_ =	swait.ge [sflag:s31], $0x80  }
0x76: {  	[sflag:s31] =	ssyncset.done $0x0  }
0x77: {  	[sflag:s31] =	ssyncadd.s32 $0xFFFFFF80  }
0x78: {  	[tilespmem:s10], [sflag:$0x2] =	stream.indirect.gather [hbm4b:s4+s0], $0x80, s7, s0, $0xb8;
	[tilespmem:$0x1C200] =	vst v63  }
0x79: {  	_ =	swait.ge [sflag:s11], $0x4000  }
0x7a: {  	[sflag:s11] =	ssyncset.done $0x0  }
0x7b: {  	[sflag:s11] =	ssyncadd.s32 $0xFFFFC000  }
0x7c: {  	[spmem:s1] =	stream.indirect.scatter.add.f32 [tilespmem:s3], [sflag:$0x3], $0x80, s0, s0, $0xb8;
	[tilespmem:$0x1C200] =	vst v63  }
0x7d: {  	s23 =	sand.u32 $0x7C00, s22;
	_ =	swait.ge [sflag:s12], $0x4000  }
0x7e: {  	s22 =	sand.u32 $0x380, s22;
	s23 =	sadd.s32 s18, s23;
	[sflag:s12] =	ssyncset.done $0x0  }
0x7f: {  	s23 =	sor.u32 s22, s23;
	s22 =	smov.u32 s26;
	[sflag:s12] =	ssyncadd.s32 $0xFFFFC000  }
0x80: {  	[spmem:s1] =	stream.indirect.scatter.add.f32 [tilespmem:s10], [sflag:$0x4], $0x80, s8, s0, $0xb8;
	[tilespmem:$0x1C200] =	vst v63  }
0x81: {  	s23 =	sshrl.u32 s23, $0x3;
	_ =	swait.ge [sflag:s13], $0x4000  }
0x82: {  	s24 =	sadd.s32 s5, s23;
	[sflag:s13] =	ssyncset.done $0x0  }
0x83: {  	[sflag:s13] =	ssyncadd.s32 $0xFFFFC000  }
0x84: {  	[tilespmem:s2], [sflag:$0x1] =	stream.linear.gather [hbm4b:s24+s2], $0x80, $0x38;
	[tilespmem:$0x1C200] =	vst v63  }
0x85: {  	s23 =	sadd.s32 s6, s23  }
0x86: {  	[tilespmem:s0], [sflag:$0x2] =	stream.linear.gather [hbm4b:s23+s2], $0x80, $0x38;
	[tilespmem:$0x1C200] =	vst v63  }
0x87: {  	_ =	swait.ge [sflag:s14], $0x4000  }
.Ltmp0:
0x88: {  	[sflag:s14] =	ssyncset.done $0x0;
	(pc) =	sbr.rel @p0 .LBB2_2-.Ltmp0, $4  }
0x89: {  	s23 =	sadd.s32 $0xFFFFFF00, s22;
	[sflag:s14] =	ssyncadd.s32 $0xFFFFC000  }
0x8a: {  	s24 =	sand.u32 $0x3C00, s23;
	s23 =	sand.u32 $0x300, s23;
	_ =	swait.ge [sflag:s11], $0x80  }
0x8b: {  	s24 =	sadd.s32 s18, s24;
	[sflag:s11] =	ssyncset.done $0x0  }
0x8c: {  	s24 =	sor.u32 s24, s23;
	s23 =	smov.u32 s25;
	[sflag:s11] =	ssyncadd.s32 $0xFFFFFF80  }
0x8d: {  	_ =	swait.ge [sflag:s12], $0x80  }
0x8e: {  	s23 =	sor.u32 $0x80, s24;
	[sflag:s12] =	ssyncset.done $0x0  }
0x8f: {  	s23 =	sshrl.u32 s23, $0x3;
	[sflag:s12] =	ssyncadd.s32 $0xFFFFFF80  }
0x90: {  	[tilespmem:s3], [sflag:$0x1] =	stream.indirect.gather [hbm4b:s4+s0], $0x80, s2, s0, $0xb8;
	[tilespmem:$0x1C200] =	vst v63  }
0x91: {  	s26 =	sadd.s32 s5, s23  }
0x92: {  	[tilespmem:s7], [sflag:$0x6] =	stream.linear.gather [hbm4b:s26+s2], $0x80, $0x38;
	[tilespmem:$0x1C200] =	vst v63  }
0x93: {  	_ =	swait.ge [sflag:s31], $0x80  }
0x94: {  	[sflag:s31] =	ssyncset.done $0x0  }
0x95: {  	s23 =	sadd.s32 s6, s23;
	[sflag:s31] =	ssyncadd.s32 $0xFFFFFF80  }
0x96: {  	[tilespmem:s8], [sflag:$0x6] =	stream.linear.gather [hbm4b:s23+s2], $0x80, $0x38;
	[tilespmem:$0x1C200] =	vst v63  }
0x97: {  	_ =	swait.ge [sflag:s31], $0x80  }
0x98: {  	[sflag:s31] =	ssyncset.done $0x0  }
0x99: {  	[sflag:s31] =	ssyncadd.s32 $0xFFFFFF80  }
0x9a: {  	[tilespmem:s10], [sflag:$0x2] =	stream.indirect.gather [hbm4b:s4+s0], $0x80, s7, s0, $0xb8;
	[tilespmem:$0x1C200] =	vst v63  }
0x9b: {  	_ =	swait.ge [sflag:s11], $0x4000  }
0x9c: {  	[sflag:s11] =	ssyncset.done $0x0  }
0x9d: {  	[sflag:s11] =	ssyncadd.s32 $0xFFFFC000  }
0x9e: {  	[spmem:s1] =	stream.indirect.scatter.add.f32 [tilespmem:s3], [sflag:$0x3], $0x80, s0, s0, $0xb8;
	[tilespmem:$0x1C200] =	vst v63  }
0x9f: {  	_ =	swait.ge [sflag:s12], $0x4000  }
0xa0: {  	s25 =	sand.u32 $0x7C00, s22;
	[sflag:s12] =	ssyncset.done $0x0  }
0xa1: {  	s26 =	sand.u32 $0x380, s22;
	s23 =	sadd.s32 s18, s25;
	[sflag:s12] =	ssyncadd.s32 $0xFFFFC000  }
0xa2: {  	[spmem:s1] =	stream.indirect.scatter.add.f32 [tilespmem:s10], [sflag:$0x4], $0x80, s8, s0, $0xb8;
	[tilespmem:$0x1C200] =	vst v63  }
0xa3: {  	s22 =	sor.u32 s26, s23;
	_ =	swait.ge [sflag:s13], $0x4000  }
0xa4: {  	s22 =	sshrl.u32 s22, $0x3;
	[sflag:s13] =	ssyncset.done $0x0  }
0xa5: {  	s24 =	sadd.s32 s5, s22;
	[sflag:s13] =	ssyncadd.s32 $0xFFFFC000  }
0xa6: {  	[tilespmem:s2], [sflag:$0x1] =	stream.linear.gather [hbm4b:s24+s2], $0x80, $0x38;
	[tilespmem:$0x1C200] =	vst v63  }
0xa7: {  	s22 =	sadd.s32 s6, s22  }
0xa8: {  	[tilespmem:s0], [sflag:$0x2] =	stream.linear.gather [hbm4b:s22+s2], $0x80, $0x38;
	[tilespmem:$0x1C200] =	vst v63  }
0xa9: {  	_ =	swait.ge [sflag:s14], $0x4000  }
0xaa: {  	[sflag:s14] =	ssyncset.done $0x0  }
0xab: {  	[sflag:s14] =	ssyncadd.s32 $0xFFFFC000  }
0xac: {  	_ =	swait.ge [sflag:s11], $0x80  }
0xad: {  	[sflag:s11] =	ssyncset.done $0x0  }
0xae: {  	[sflag:s11] =	ssyncadd.s32 $0xFFFFFF80  }
0xaf: {  	_ =	swait.ge [sflag:s12], $0x80  }
0xb0: {  	[sflag:s12] =	ssyncset.done $0x0  }
0xb1: {  	[sflag:s12] =	ssyncadd.s32 $0xFFFFFF80  }
0xb2: {  	[tilespmem:s3], [sflag:$0x1] =	stream.indirect.gather [hbm4b:s4+s0], $0x80, s2, s0, $0xb8;
	[tilespmem:$0x1C200] =	vst v63  }
0xb3: {  	_ = 	snop  }
0xb4: {  	[tilespmem:s7], [sflag:$0x6] =	stream.linear.gather [hbm4b:s28+s2], $0x80, $0x38;
	[tilespmem:$0x1C200] =	vst v63  }
0xb5: {  	_ =	swait.ge [sflag:s31], $0x80  }
0xb6: {  	[sflag:s31] =	ssyncset.done $0x0  }
0xb7: {  	[sflag:s31] =	ssyncadd.s32 $0xFFFFFF80  }
0xb8: {  	[tilespmem:s8], [sflag:$0x6] =	stream.linear.gather [hbm4b:s29+s2], $0x80, $0x38;
	[tilespmem:$0x1C200] =	vst v63  }
0xb9: {  	_ =	swait.ge [sflag:s31], $0x80  }
0xba: {  	[sflag:s31] =	ssyncset.done $0x0  }
0xbb: {  	[sflag:s31] =	ssyncadd.s32 $0xFFFFFF80  }
0xbc: {  	[tilespmem:s10], [sflag:$0x2] =	stream.indirect.gather [hbm4b:s4+s0], $0x80, s7, s0, $0xb8;
	[tilespmem:$0x1C200] =	vst v63  }
0xbd: {  	_ =	swait.ge [sflag:s11], $0x4000  }
0xbe: {  	[sflag:s11] =	ssyncset.done $0x0  }
0xbf: {  	[sflag:s11] =	ssyncadd.s32 $0xFFFFC000  }
0xc0: {  	[spmem:s1] =	stream.indirect.scatter.add.f32 [tilespmem:s3], [sflag:$0x3], $0x80, s0, s0, $0xb8;
	[tilespmem:$0x1C200] =	vst v63  }
0xc1: {  	_ =	swait.ge [sflag:s12], $0x4000  }
0xc2: {  	[sflag:s12] =	ssyncset.done $0x0  }
0xc3: {  	[sflag:s12] =	ssyncadd.s32 $0xFFFFC000  }
0xc4: {  	[spmem:s1] =	stream.indirect.scatter.add.f32 [tilespmem:s10], [sflag:$0x4], $0x80, s8, s0, $0xb8;
	[tilespmem:$0x1C200] =	vst v63  }
0xc5: {  	_ =	swait.ge [sflag:s13], $0x4000  }
0xc6: {  	[sflag:s13] =	ssyncset.done $0x0  }
0xc7: {  	[sflag:s13] =	ssyncadd.s32 $0xFFFFC000  }
0xc8: {  	[tilespmem:s2], [sflag:$0x1] =	stream.linear.gather [hbm4b:s28+s2], $0x80, $0x38;
	[tilespmem:$0x1C200] =	vst v63  }
0xc9: {  	_ = 	snop  }
0xca: {  	[tilespmem:s0], [sflag:$0x2] =	stream.linear.gather [hbm4b:s29+s2], $0x80, $0x38;
	[tilespmem:$0x1C200] =	vst v63  }
0xcb: {  	_ =	swait.ge [sflag:s14], $0x4000  }
0xcc: {  	[sflag:s14] =	ssyncset.done $0x0  }
0xcd: {  	[sflag:s14] =	ssyncadd.s32 $0xFFFFC000  }
0xce: {  	_ =	swait.ge [sflag:s11], $0x80  }
0xcf: {  	[sflag:s11] =	ssyncset.done $0x0  }
0xd0: {  	[sflag:s11] =	ssyncadd.s32 $0xFFFFFF80  }
0xd1: {  	_ =	swait.ge [sflag:s12], $0x80  }
0xd2: {  	[sflag:s12] =	ssyncset.done $0x0  }
0xd3: {  	[sflag:s12] =	ssyncadd.s32 $0xFFFFFF80  }
0xd4: {  	[bflag:$0x0] =	sbarrier.arrive $0xFFFF  }
0xd5: {  	s25 =	rddreg [dreg:$0xd]  }
0xd6: {  	[hbm:s25], [sflag:s9] =	dma.local [spmem:s16], $0x800  }
0xd7: {  	s16 =	rddreg [dreg:$0xe]  }
0xd8: {  	[hbm:s16], [sflag:s9] =	dma.local [spmem:s17], $0x800  }
0xd9: {  	s16 =	rddreg [dreg:$0xf]  }
0xda: {  	[hbm:s16], [sflag:s9] =	dma.local [spmem:s19], $0x800  }
0xdb: {  	s16 =	rddreg [dreg:$0x10]  }
0xdc: {  	[hbm:s16], [sflag:s9] =	dma.local [spmem:s20], $0x800  }
0xdd: {  	s16 =	rddreg [dreg:$0x11]  }
0xde: {  	[hbm:s16], [sflag:s9] =	dma.local [spmem:s21], $0x800  }
0xdf: {  	_ =	swait.ge [sflag:s30], $0x800  }
0xe0: {  	[sflag:s30] =	ssyncset.done $0x0  }
0xe1: {  	[sflag:s30] =	ssyncadd.s32 $0xFFFFF800  }
0xe2: {  	_ =	swait.ge [sflag:s30], $0x800  }
0xe3: {  	[sflag:s30] =	ssyncset.done $0x0  }
0xe4: {  	[sflag:s30] =	ssyncadd.s32 $0xFFFFF800  }
0xe5: {  	_ =	swait.ge [sflag:s30], $0x800  }
0xe6: {  	[sflag:s30] =	ssyncset.done $0x0  }
0xe7: {  	[sflag:s30] =	ssyncadd.s32 $0xFFFFF800  }
0xe8: {  	_ =	swait.ge [sflag:s30], $0x800  }
0xe9: {  	[sflag:s30] =	ssyncset.done $0x0  }
0xea: {  	[sflag:s30] =	ssyncadd.s32 $0xFFFFF800  }
0xeb: {  	_ =	swait.ge [sflag:s30], $0x800  }
0xec: {  	s15 =	sadd.s32 $0x1, s15;
	s26 =	rddreg [dreg:$0x14]  }
0xed: {  	p0 =	sne.s32 s15, s26  }
.Ltmp1:
0xee: {  	_ = 	snop;
	(pc) =	sbr.rel @p0 .LBB2_1-.Ltmp1, $3  }
0xef: {  	_ =	sdelay $0x1  }
0xf0: {  	[sflag:s30] =	ssyncset.done $0x0  }
0xf1: {  	[sflag:s30] =	ssyncadd.s32 $0xFFFFF800  }
0xf2: {  	_ =	sfence.sel $0x180000  }
0xf3: {  	[bflag:$0x0] =	sbarrier.arrive $0xFFFF  }
0xf4: {  	_ =	strace $0x90000050  }
0xf5: {  	s0 =	stileid.u32;
	[bflag:$0x2] =	sbarrier.arrive $0xFFFF  }
0xf6: {  	p0 =	sne.s32 s0, $0x0;
	s0 =	rddreg [dreg:$0x2]  }
0xf7: {  	s0 =	sadd.s32 @!p0 $0x100000, s0  }
0xf8: {  	[sflag:s0] =	ssyncadd.tile.s32 @!p0 $0x1;
	_ =	shalt  }
.Lfunc_end2:
_tile_overlayer_lowered:
.L_overlay_start_2:
0xf9: {  	(tag) =	ssettag $0x2  }
0xfa: {  	s0 =	rddreg [dreg:$0x0];
	s2 =	stileid.u32  }
0xfb: {  	s1 =	rddreg [dreg:$0x1];
	p0 =	sne.s32 s2, $0x0  }
0xfc: {  	s3 =	rddreg [dreg:$0x2];
	[bflag:$0x3] =	sbarrier.arrive $0xFFFF;
	s2 =	simm.s32 @!p0 $0x1C06  }
0xfd: {  	[timem:s3], [sflag:s2] =	dma.local @!p0 [hbm:s0], s1  }
0xfe: {  	s0 =	simm.s32 @!p0 $0x6  }
0xff: {  	_ =	swait.ge @!p0 [sflag:s0], s1  }
0x100: {  	s1 =	ssub.s32 @!p0 $0x0, s1;
	[sflag:s0] =	ssyncset.done @!p0 $0x0  }
0x101: {  	[sflag:s0] =	ssyncadd.s32 @!p0 s1  }
0x102: {  	[bflag:$0x3] =	sbarrier.arrive $0xFFFF  }
0x103: {  	_ =	shalt  }

</sc_bundles>
